<compile_context>
chip_gen: v7x
topology: tpu7x:2x2x1
jax: 0.10.2.dev20260603
libtpu: 0.0.44.dev20260713+nightly
codegen_flags: <defaults>
</compile_context>

<pallas_src>
import functools

import jax
import jax.numpy as jnp
from jax.experimental import pallas as pl
from jax.experimental.pallas import tpu as pltpu

N = 10000
E = 320000
D_IN = 128
H = 256
EMB = 256
NC = 2
NG = 64
NPAD = 10240
RB = 2000
NRB = N // RB

_smem = pl.BlockSpec(memory_space=pltpu.SMEM)
_vmem = pl.BlockSpec(memory_space=pltpu.VMEM)


def _dot(a, b):
    return jnp.dot(a, b, preferred_element_type=jnp.float32)


def _mm1_body(u_ref, Wa_ref, ba_ref, t_ref):
    Wa = Wa_ref[...]
    ba = ba_ref[...]
    for r in range(NRB):
        lo = r * RB
        t_ref[lo:lo + RB, :] = _dot(u_ref[lo:lo + RB, :], Wa) + ba


def _mm2_body(last, t_ref, mu_ref, var_ref, Wb_ref, bb_ref, out_ref):
    mu = mu_ref[...]
    inv = jnp.sqrt(var_ref[...] + 1e-5)
    Wb = Wb_ref[...]
    bb = bb_ref[...]
    for r in range(NRB):
        lo = r * RB
        z = jax.nn.relu((t_ref[lo:lo + RB, :] - mu) / inv)
        h = jax.nn.relu(_dot(z, Wb) + bb)
        if last:
            out_ref[lo:lo + RB, :] = h
        else:
            out_ref[lo:lo + RB, :] = h[:, 0:128]
            out_ref[N + lo:N + lo + RB, :] = h[:, 128:256]
    if last:
        out_ref[N:NPAD, :] = jnp.zeros((NPAD - N, H), jnp.float32)


def _pool1_body(h3_ref, batch_ref, Wp_ref, bp_ref, Wc1_ref, bc1_ref, out_ref):
    b = batch_ref[...]
    gids = jax.lax.broadcasted_iota(jnp.int32, (NG, NPAD), 0)
    onehot = jnp.where(b == gids, 1.0, 0.0)
    sums = jnp.dot(onehot, h3_ref[...], preferred_element_type=jnp.float32,
                   precision=jax.lax.Precision.HIGHEST)
    counts = jnp.sum(onehot, axis=1, keepdims=True)
    pooled = sums / jnp.maximum(counts, 1.0)
    emb = _dot(pooled, Wp_ref[...]) + bp_ref[...]
    out_ref[...] = _dot(emb, Wc1_ref[...]) + bc1_ref[...]


def _pool2_body(z_ref, mu_ref, var_ref, Wc2_ref, bc2_ref, out_ref):
    z = jax.nn.relu((z_ref[...] - mu_ref[...]) / jnp.sqrt(var_ref[...] + 1e-5))
    out_ref[...] = _dot(z, Wc2_ref[...]) + bc2_ref[...]


def _scaffold_agg(h, src, dst):
    return jnp.zeros_like(h).at[dst].add(h[src])


def _gin_layer_tc(mode, u, Wa, bar, Wb, bbr):
    f32 = jnp.float32
    t = pl.pallas_call(
        _mm1_body,
        out_shape=jax.ShapeDtypeStruct((N, H), f32),
        in_specs=[_vmem, _vmem, _vmem],
        out_specs=_vmem,
    )(u, Wa, bar)
    t_stats = u @ Wa + bar
    mu = t_stats.mean(axis=0, keepdims=True)
    var = t_stats.var(axis=0, keepdims=True)
    last = mode == "last"
    out_shape = jax.ShapeDtypeStruct((NPAD, H) if last else (2 * N, 128), f32)
    return pl.pallas_call(
        functools.partial(_mm2_body, last),
        out_shape=out_shape,
        in_specs=[_vmem, _vmem, _vmem, _vmem, _vmem],
        out_specs=_vmem,
    )(t, mu, var, Wb, bbr)


def kernel(x, edge_index, batch, eps0, eps1, eps2, W0a, b0a, W0b, b0b, W1a, b1a,
           W1b, b1b, W2a, b2a, W2b, b2b, Wp, bp, Wc1, bc1, Wc2, bc2):
    src = edge_index[0]
    dst = edge_index[1]
    f32 = jnp.float32

    eps0r = jnp.reshape(eps0, (1,))
    eps1r = jnp.reshape(eps1, (1,))
    eps2r = jnp.reshape(eps2, (1,))
    b0ar = jnp.reshape(b0a, (1, H))
    b0br = jnp.reshape(b0b, (1, H))
    b1ar = jnp.reshape(b1a, (1, H))
    b1br = jnp.reshape(b1b, (1, H))
    b2ar = jnp.reshape(b2a, (1, H))
    b2br = jnp.reshape(b2b, (1, H))
    bpr = jnp.reshape(bp, (1, EMB))
    bc1r = jnp.reshape(bc1, (1, EMB // 2))
    Wc2p = jnp.zeros((EMB // 2, 128), f32).at[:, :NC].set(Wc2)
    bc2p = jnp.zeros((1, 128), f32).at[0, :NC].set(bc2)

    batch_pad = jnp.full((1, NPAD), NG, jnp.int32).at[0, :N].set(batch)

    agg0 = _scaffold_agg(x, src, dst)
    u0 = (1.0 + eps0) * x + agg0
    h1rep = _gin_layer_tc("first", u0, W0a, b0ar, W0b, b0br)

    h1 = jnp.concatenate([h1rep[:N], h1rep[N:]], axis=1)
    agg1 = _scaffold_agg(h1, src, dst)
    u1 = (1.0 + eps1) * h1 + agg1
    h2rep = _gin_layer_tc("mid", u1, W1a, b1ar, W1b, b1br)

    h2 = jnp.concatenate([h2rep[:N], h2rep[N:]], axis=1)
    agg2 = _scaffold_agg(h2, src, dst)
    u2 = (1.0 + eps2) * h2 + agg2
    h3pad = _gin_layer_tc("last", u2, W2a, b2ar, W2b, b2br)

    z = pl.pallas_call(
        _pool1_body,
        out_shape=jax.ShapeDtypeStruct((NG, EMB // 2), f32),
        in_specs=[_vmem, _vmem, _vmem, _vmem, _vmem, _vmem],
        out_specs=_vmem,
    )(h3pad, batch_pad, Wp, bpr, Wc1, bc1r)
    muz = jnp.mean(z, axis=0, keepdims=True)
    varz = jnp.var(z, axis=0, keepdims=True)
    logits_pad = pl.pallas_call(
        _pool2_body,
        out_shape=jax.ShapeDtypeStruct((NG, 128), f32),
        in_specs=[_vmem, _vmem, _vmem, _vmem, _vmem],
        out_specs=_vmem,
    )(z, muz, varz, Wc2p, bc2p)

    return logits_pad[:, :NC]

# --- scband reference (transcript-rebuilt; emitter-appended) ---
"""Pipeline reference for scband-graph-classifier-70763881169291 (READ-ONLY COPY).

The authoritative reference and input builder live on the scoring server;
editing this copy changes nothing except your own understanding.
"""

import jax, jax.numpy as jnp
import numpy as np

N = 10000
E = 320000
D_IN = 128
H = 256
EMB = 256
NC = 2
NG = 64


def _lin_init(key, fan_in, shape):
    return (jax.random.normal(key, shape, dtype=jnp.float32) / np.sqrt(fan_in)).astype(jnp.float32)


def setup_inputs(seed: int = 0) -> dict:
    key = jax.random.key(seed)
    ks = jax.random.split(key, 24)
    inp = {}
    inp["x"] = jax.random.normal(ks[0], (N, D_IN), dtype=jnp.float32)
    inp["edge_index"] = jax.random.randint(ks[1], (2, E), 0, N, dtype=jnp.int32)
    inp["batch"] = jnp.sort(jax.random.randint(ks[2], (N,), 0, NG, dtype=jnp.int32))
    inp["eps0"] = jnp.zeros((), dtype=jnp.float32)
    inp["eps1"] = jnp.zeros((), dtype=jnp.float32)
    inp["eps2"] = jnp.zeros((), dtype=jnp.float32)
    inp["W0a"] = _lin_init(ks[3], D_IN, (D_IN, H)); inp["b0a"] = jnp.zeros((H,), jnp.float32)
    inp["W0b"] = _lin_init(ks[4], H, (H, H)); inp["b0b"] = jnp.zeros((H,), jnp.float32)
    inp["W1a"] = _lin_init(ks[5], H, (H, H)); inp["b1a"] = jnp.zeros((H,), jnp.float32)
    inp["W1b"] = _lin_init(ks[6], H, (H, H)); inp["b1b"] = jnp.zeros((H,), jnp.float32)
    inp["W2a"] = _lin_init(ks[7], H, (H, H)); inp["b2a"] = jnp.zeros((H,), jnp.float32)
    inp["W2b"] = _lin_init(ks[8], H, (H, H)); inp["b2b"] = jnp.zeros((H,), jnp.float32)
    inp["Wp"] = _lin_init(ks[9], H, (H, EMB)); inp["bp"] = jnp.zeros((EMB,), jnp.float32)
    inp["Wc1"] = _lin_init(ks[10], EMB, (EMB, EMB // 2)); inp["bc1"] = jnp.zeros((EMB // 2,), jnp.float32)
    inp["Wc2"] = _lin_init(ks[11], EMB // 2, (EMB // 2, NC)); inp["bc2"] = jnp.zeros((NC,), jnp.float32)
    return inp


def _bn(h, eps=1e-5):
    mu = h.mean(axis=0, keepdims=True)
    var = h.var(axis=0, keepdims=True)
    return (h - mu) / jnp.sqrt(var + eps)


def _gin_layer(h, src, dst, eps, Wa, ba, Wb, bb):
    # GIN aggregation: (1+eps)*x_i + sum_{j in N(i)} x_j  (scatter-add over dst)
    agg = jnp.zeros_like(h).at[dst].add(h[src])
    out = (1.0 + eps) * h + agg
    out = out @ Wa + ba
    out = jax.nn.relu(_bn(out))
    out = out @ Wb + bb
    return jax.nn.relu(out)


def reference(x, edge_index, batch, eps0, eps1, eps2, W0a, b0a, W0b, b0b, W1a, b1a, W1b, b1b, W2a, b2a, W2b, b2b, Wp, bp, Wc1, bc1, Wc2, bc2):
    src = edge_index[0]
    dst = edge_index[1]
    h = _gin_layer(x, src, dst, eps0, W0a, b0a, W0b, b0b)
    h = _gin_layer(h, src, dst, eps1, W1a, b1a, W1b, b1b)
    h = _gin_layer(h, src, dst, eps2, W2a, b2a, W2b, b2b)
    # mean pooling per graph
    sums = jax.ops.segment_sum(h, batch, num_segments=NG)
    counts = jax.ops.segment_sum(jnp.ones((h.shape[0], 1), jnp.float32), batch, num_segments=NG)
    pooled = sums / jnp.maximum(counts, 1.0)
    graph_emb = pooled @ Wp + bp
    # classifier head: Linear -> BatchNorm1d -> ReLU -> Dropout(identity at eval) -> Linear
    z = graph_emb @ Wc1 + bc1
    z = jax.nn.relu(_bn(z))
    logits = z @ Wc2 + bc2
    return logits

if __name__ == "__main__":
    import jax
    _d = setup_inputs()
    print(jax.jit(kernel)(*tuple(_d.values())))

</pallas_src>

<mosaic_0001>
module attributes {stable_mosaic.version = 14 : i64} {
  func.func @_mm1_body(%arg0: memref<10000x128xf32, #tpu.memory_space<vmem>>, %arg1: memref<128x256xf32, #tpu.memory_space<vmem>>, %arg2: memref<1x256xf32, #tpu.memory_space<vmem>>, %arg3: memref<10000x256xf32, #tpu.memory_space<vmem>>) attributes {dimension_semantics = [], scalar_prefetch = 0 : i64, scratch_operands = 0 : i64, tpu.core_type = #tpu.core_type<tc>} {
    %get3A = arith.constant 0 : index
    %get3A_0 = arith.constant 0 : index
    %get3A_1 = vector.load %arg1[%get3A, %get3A_0] : memref<128x256xf32, #tpu.memory_space<vmem>>, vector<128x256xf32>
    %get3A_2 = arith.constant 0 : index
    %get3A_3 = arith.constant 0 : index
    %get3A_4 = vector.load %arg2[%get3A_2, %get3A_3] : memref<1x256xf32, #tpu.memory_space<vmem>>, vector<1x256xf32>
    %get3A_5 = arith.constant 0 : index
    %get3A_6 = arith.constant 0 : index
    %get3A_7 = vector.load %arg0[%get3A_5, %get3A_6] : memref<10000x128xf32, #tpu.memory_space<vmem>>, vector<2000x128xf32>
    %dot_general3A = arith.constant dense<0.000000e+00> : vector<2000x256xf32>
    %dot_general3A_8 = tpu.matmul %get3A_7, %get3A_1, %dot_general3A {dimension_numbers = #tpu.dot_dimension_numbers<[1], [0], [0], [1], [0, 0, 1, 1], [], []>, transpose_lhs_hint = false} : vector<2000x128xf32>, vector<128x256xf32>, vector<2000x256xf32> -> vector<2000x256xf32>
    %add3A = vector.broadcast %get3A_4 : vector<1x256xf32> to vector<2000x256xf32>
    %add3A_9 = arith.addf %dot_general3A_8, %add3A : vector<2000x256xf32>
    %swap3A = arith.constant 0 : index
    %swap3A_10 = arith.constant 0 : index
    %swap3A_11 = vector.load %arg3[%swap3A, %swap3A_10] : memref<10000x256xf32, #tpu.memory_space<vmem>>, vector<2000x256xf32>
    tpu.vector_store %arg3[%swap3A, %swap3A_10], %add3A_9 {strides = array<i32>} : memref<10000x256xf32, #tpu.memory_space<vmem>>, vector<2000x256xf32>,
    %get3A_12 = arith.constant 2000 : index
    %get3A_13 = arith.constant 0 : index
    %get3A_14 = vector.load %arg0[%get3A_12, %get3A_13] : memref<10000x128xf32, #tpu.memory_space<vmem>>, vector<2000x128xf32>
    %dot_general3A_15 = arith.constant dense<0.000000e+00> : vector<2000x256xf32>
    %dot_general3A_16 = tpu.matmul %get3A_14, %get3A_1, %dot_general3A_15 {dimension_numbers = #tpu.dot_dimension_numbers<[1], [0], [0], [1], [0, 0, 1, 1], [], []>, transpose_lhs_hint = false} : vector<2000x128xf32>, vector<128x256xf32>, vector<2000x256xf32> -> vector<2000x256xf32>
    %add3A_17 = vector.broadcast %get3A_4 : vector<1x256xf32> to vector<2000x256xf32>
    %add3A_18 = arith.addf %dot_general3A_16, %add3A_17 : vector<2000x256xf32>
    %swap3A_19 = arith.constant 2000 : index
    %swap3A_20 = arith.constant 0 : index
    %swap3A_21 = vector.load %arg3[%swap3A_19, %swap3A_20] : memref<10000x256xf32, #tpu.memory_space<vmem>>, vector<2000x256xf32>
    tpu.vector_store %arg3[%swap3A_19, %swap3A_20], %add3A_18 {strides = array<i32>} : memref<10000x256xf32, #tpu.memory_space<vmem>>, vector<2000x256xf32>,
    %get3A_22 = arith.constant 4000 : index
    %get3A_23 = arith.constant 0 : index
    %get3A_24 = vector.load %arg0[%get3A_22, %get3A_23] : memref<10000x128xf32, #tpu.memory_space<vmem>>, vector<2000x128xf32>
    %dot_general3A_25 = arith.constant dense<0.000000e+00> : vector<2000x256xf32>
    %dot_general3A_26 = tpu.matmul %get3A_24, %get3A_1, %dot_general3A_25 {dimension_numbers = #tpu.dot_dimension_numbers<[1], [0], [0], [1], [0, 0, 1, 1], [], []>, transpose_lhs_hint = false} : vector<2000x128xf32>, vector<128x256xf32>, vector<2000x256xf32> -> vector<2000x256xf32>
    %add3A_27 = vector.broadcast %get3A_4 : vector<1x256xf32> to vector<2000x256xf32>
    %add3A_28 = arith.addf %dot_general3A_26, %add3A_27 : vector<2000x256xf32>
    %swap3A_29 = arith.constant 4000 : index
    %swap3A_30 = arith.constant 0 : index
    %swap3A_31 = vector.load %arg3[%swap3A_29, %swap3A_30] : memref<10000x256xf32, #tpu.memory_space<vmem>>, vector<2000x256xf32>
    tpu.vector_store %arg3[%swap3A_29, %swap3A_30], %add3A_28 {strides = array<i32>} : memref<10000x256xf32, #tpu.memory_space<vmem>>, vector<2000x256xf32>,
    %get3A_32 = arith.constant 6000 : index
    %get3A_33 = arith.constant 0 : index
    %get3A_34 = vector.load %arg0[%get3A_32, %get3A_33] : memref<10000x128xf32, #tpu.memory_space<vmem>>, vector<2000x128xf32>
    %dot_general3A_35 = arith.constant dense<0.000000e+00> : vector<2000x256xf32>
    %dot_general3A_36 = tpu.matmul %get3A_34, %get3A_1, %dot_general3A_35 {dimension_numbers = #tpu.dot_dimension_numbers<[1], [0], [0], [1], [0, 0, 1, 1], [], []>, transpose_lhs_hint = false} : vector<2000x128xf32>, vector<128x256xf32>, vector<2000x256xf32> -> vector<2000x256xf32>
    %add3A_37 = vector.broadcast %get3A_4 : vector<1x256xf32> to vector<2000x256xf32>
    %add3A_38 = arith.addf %dot_general3A_36, %add3A_37 : vector<2000x256xf32>
    %swap3A_39 = arith.constant 6000 : index
    %swap3A_40 = arith.constant 0 : index
    %swap3A_41 = vector.load %arg3[%swap3A_39, %swap3A_40] : memref<10000x256xf32, #tpu.memory_space<vmem>>, vector<2000x256xf32>
    tpu.vector_store %arg3[%swap3A_39, %swap3A_40], %add3A_38 {strides = array<i32>} : memref<10000x256xf32, #tpu.memory_space<vmem>>, vector<2000x256xf32>,
    %get3A_42 = arith.constant 8000 : index
    %get3A_43 = arith.constant 0 : index
    %get3A_44 = vector.load %arg0[%get3A_42, %get3A_43] : memref<10000x128xf32, #tpu.memory_space<vmem>>, vector<2000x128xf32>
    %dot_general3A_45 = arith.constant dense<0.000000e+00> : vector<2000x256xf32>
    %dot_general3A_46 = tpu.matmul %get3A_44, %get3A_1, %dot_general3A_45 {dimension_numbers = #tpu.dot_dimension_numbers<[1], [0], [0], [1], [0, 0, 1, 1], [], []>, transpose_lhs_hint = false} : vector<2000x128xf32>, vector<128x256xf32>, vector<2000x256xf32> -> vector<2000x256xf32>
    %add3A_47 = vector.broadcast %get3A_4 : vector<1x256xf32> to vector<2000x256xf32>
    %add3A_48 = arith.addf %dot_general3A_46, %add3A_47 : vector<2000x256xf32>
    %swap3A_49 = arith.constant 8000 : index
    %swap3A_50 = arith.constant 0 : index
    %swap3A_51 = vector.load %arg3[%swap3A_49, %swap3A_50] : memref<10000x256xf32, #tpu.memory_space<vmem>>, vector<2000x256xf32>
    tpu.vector_store %arg3[%swap3A_49, %swap3A_50], %add3A_48 {strides = array<i32>} : memref<10000x256xf32, #tpu.memory_space<vmem>>, vector<2000x256xf32>,
    return
  }
}

module attributes {stable_mosaic.version = 14 : i64} {
  func.func @_mm2_body(%arg0: memref<10000x256xf32, #tpu.memory_space<vmem>>, %arg1: memref<1x256xf32, #tpu.memory_space<vmem>>, %arg2: memref<1x256xf32, #tpu.memory_space<vmem>>, %arg3: memref<256x256xf32, #tpu.memory_space<vmem>>, %arg4: memref<1x256xf32, #tpu.memory_space<vmem>>, %arg5: memref<20000x128xf32, #tpu.memory_space<vmem>>) attributes {dimension_semantics = [], scalar_prefetch = 0 : i64, scratch_operands = 0 : i64, tpu.core_type = #tpu.core_type<tc>} {
    %get3A = arith.constant 0 : index
    %get3A_0 = arith.constant 0 : index
    %get3A_1 = vector.load %arg1[%get3A, %get3A_0] : memref<1x256xf32, #tpu.memory_space<vmem>>, vector<1x256xf32>
    %get3A_2 = arith.constant 0 : index
    %get3A_3 = arith.constant 0 : index
    %get3A_4 = vector.load %arg2[%get3A_2, %get3A_3] : memref<1x256xf32, #tpu.memory_space<vmem>>, vector<1x256xf32>
    %add3A = arith.constant 9.99999974E-6 : f32
    %add3A_5 = vector.broadcast %add3A : f32 to vector<1x256xf32>
    %add3A_6 = arith.addf %get3A_4, %add3A_5 : vector<1x256xf32>
    %sqrt3A = math.sqrt %add3A_6 : vector<1x256xf32>
    %get3A_7 = arith.constant 0 : index
    %get3A_8 = arith.constant 0 : index
    %get3A_9 = vector.load %arg3[%get3A_7, %get3A_8] : memref<256x256xf32, #tpu.memory_space<vmem>>, vector<256x256xf32>
    %get3A_10 = arith.constant 0 : index
    %get3A_11 = arith.constant 0 : index
    %get3A_12 = vector.load %arg4[%get3A_10, %get3A_11] : memref<1x256xf32, #tpu.memory_space<vmem>>, vector<1x256xf32>
    %get3A_13 = arith.constant 0 : index
    %get3A_14 = arith.constant 0 : index
    %get3A_15 = vector.load %arg0[%get3A_13, %get3A_14] : memref<10000x256xf32, #tpu.memory_space<vmem>>, vector<2000x256xf32>
    %sub3A = vector.broadcast %get3A_1 : vector<1x256xf32> to vector<2000x256xf32>
    %sub3A_16 = arith.subf %get3A_15, %sub3A : vector<2000x256xf32>
    %div3A = vector.broadcast %sqrt3A : vector<1x256xf32> to vector<2000x256xf32>
    %div3A_17 = arith.divf %sub3A_16, %div3A : vector<2000x256xf32>
    %max3A = arith.constant 0.000000e+00 : f32
    %max3A_18 = vector.broadcast %max3A : f32 to vector<2000x256xf32>
    %max3A_19 = arith.maximumf %div3A_17, %max3A_18 : vector<2000x256xf32>
    %dot_general3A = arith.constant dense<0.000000e+00> : vector<2000x256xf32>
    %dot_general3A_20 = tpu.matmul %max3A_19, %get3A_9, %dot_general3A {dimension_numbers = #tpu.dot_dimension_numbers<[1], [0], [0], [1], [0, 0, 1, 1], [], []>, transpose_lhs_hint = false} : vector<2000x256xf32>, vector<256x256xf32>, vector<2000x256xf32> -> vector<2000x256xf32>
    %add3A_21 = vector.broadcast %get3A_12 : vector<1x256xf32> to vector<2000x256xf32>
    %add3A_22 = arith.addf %dot_general3A_20, %add3A_21 : vector<2000x256xf32>
    %max3A_23 = arith.constant 0.000000e+00 : f32
    %max3A_24 = vector.broadcast %max3A_23 : f32 to vector<2000x256xf32>
    %max3A_25 = arith.maximumf %add3A_22, %max3A_24 : vector<2000x256xf32>
    %slice3A = vector.extract_strided_slice %max3A_25 {offsets = [0, 0], sizes = [2000, 128], strides = [1, 1]} : vector<2000x256xf32> to vector<2000x128xf32>
    %swap3A = arith.constant 0 : index
    %swap3A_26 = arith.constant 0 : index
    %swap3A_27 = vector.load %arg5[%swap3A, %swap3A_26] : memref<20000x128xf32, #tpu.memory_space<vmem>>, vector<2000x128xf32>
    tpu.vector_store %arg5[%swap3A, %swap3A_26], %slice3A {strides = array<i32>} : memref<20000x128xf32, #tpu.memory_space<vmem>>, vector<2000x128xf32>,
    %slice3A_28 = vector.extract_strided_slice %max3A_25 {offsets = [0, 128], sizes = [2000, 128], strides = [1, 1]} : vector<2000x256xf32> to vector<2000x128xf32>
    %swap3A_29 = arith.constant 10000 : index
    %swap3A_30 = arith.constant 0 : index
    %swap3A_31 = vector.load %arg5[%swap3A_29, %swap3A_30] : memref<20000x128xf32, #tpu.memory_space<vmem>>, vector<2000x128xf32>
    tpu.vector_store %arg5[%swap3A_29, %swap3A_30], %slice3A_28 {strides = array<i32>} : memref<20000x128xf32, #tpu.memory_space<vmem>>, vector<2000x128xf32>,
    %get3A_32 = arith.constant 2000 : index
    %get3A_33 = arith.constant 0 : index
    %get3A_34 = vector.load %arg0[%get3A_32, %get3A_33] : memref<10000x256xf32, #tpu.memory_space<vmem>>, vector<2000x256xf32>
    %sub3A_35 = vector.broadcast %get3A_1 : vector<1x256xf32> to vector<2000x256xf32>
    %sub3A_36 = arith.subf %get3A_34, %sub3A_35 : vector<2000x256xf32>
    %div3A_37 = vector.broadcast %sqrt3A : vector<1x256xf32> to vector<2000x256xf32>
    %div3A_38 = arith.divf %sub3A_36, %div3A_37 : vector<2000x256xf32>
    %max3A_39 = arith.constant 0.000000e+00 : f32
    %max3A_40 = vector.broadcast %max3A_39 : f32 to vector<2000x256xf32>
    %max3A_41 = arith.maximumf %div3A_38, %max3A_40 : vector<2000x256xf32>
    %dot_general3A_42 = arith.constant dense<0.000000e+00> : vector<2000x256xf32>
    %dot_general3A_43 = tpu.matmul %max3A_41, %get3A_9, %dot_general3A_42 {dimension_numbers = #tpu.dot_dimension_numbers<[1], [0], [0], [1], [0, 0, 1, 1], [], []>, transpose_lhs_hint = false} : vector<2000x256xf32>, vector<256x256xf32>, vector<2000x256xf32> -> vector<2000x256xf32>
    %add3A_44 = vector.broadcast %get3A_12 : vector<1x256xf32> to vector<2000x256xf32>
    %add3A_45 = arith.addf %dot_general3A_43, %add3A_44 : vector<2000x256xf32>
    %max3A_46 = arith.constant 0.000000e+00 : f32
    %max3A_47 = vector.broadcast %max3A_46 : f32 to vector<2000x256xf32>
    %max3A_48 = arith.maximumf %add3A_45, %max3A_47 : vector<2000x256xf32>
    %slice3A_49 = vector.extract_strided_slice %max3A_48 {offsets = [0, 0], sizes = [2000, 128], strides = [1, 1]} : vector<2000x256xf32> to vector<2000x128xf32>
    %swap3A_50 = arith.constant 2000 : index
    %swap3A_51 = arith.constant 0 : index
    %swap3A_52 = vector.load %arg5[%swap3A_50, %swap3A_51] : memref<20000x128xf32, #tpu.memory_space<vmem>>, vector<2000x128xf32>
    tpu.vector_store %arg5[%swap3A_50, %swap3A_51], %slice3A_49 {strides = array<i32>} : memref<20000x128xf32, #tpu.memory_space<vmem>>, vector<2000x128xf32>,
    %slice3A_53 = vector.extract_strided_slice %max3A_48 {offsets = [0, 128], sizes = [2000, 128], strides = [1, 1]} : vector<2000x256xf32> to vector<2000x128xf32>
    %swap3A_54 = arith.constant 12000 : index
    %swap3A_55 = arith.constant 0 : index
    %swap3A_56 = vector.load %arg5[%swap3A_54, %swap3A_55] : memref<20000x128xf32, #tpu.memory_space<vmem>>, vector<2000x128xf32>
    tpu.vector_store %arg5[%swap3A_54, %swap3A_55], %slice3A_53 {strides = array<i32>} : memref<20000x128xf32, #tpu.memory_space<vmem>>, vector<2000x128xf32>,
    %get3A_57 = arith.constant 4000 : index
    %get3A_58 = arith.constant 0 : index
    %get3A_59 = vector.load %arg0[%get3A_57, %get3A_58] : memref<10000x256xf32, #tpu.memory_space<vmem>>, vector<2000x256xf32>
    %sub3A_60 = vector.broadcast %get3A_1 : vector<1x256xf32> to vector<2000x256xf32>
    %sub3A_61 = arith.subf %get3A_59, %sub3A_60 : vector<2000x256xf32>
    %div3A_62 = vector.broadcast %sqrt3A : vector<1x256xf32> to vector<2000x256xf32>
    %div3A_63 = arith.divf %sub3A_61, %div3A_62 : vector<2000x256xf32>
    %max3A_64 = arith.constant 0.000000e+00 : f32
    %max3A_65 = vector.broadcast %max3A_64 : f32 to vector<2000x256xf32>
    %max3A_66 = arith.maximumf %div3A_63, %max3A_65 : vector<2000x256xf32>
    %dot_general3A_67 = arith.constant dense<0.000000e+00> : vector<2000x256xf32>
    %dot_general3A_68 = tpu.matmul %max3A_66, %get3A_9, %dot_general3A_67 {dimension_numbers = #tpu.dot_dimension_numbers<[1], [0], [0], [1], [0, 0, 1, 1], [], []>, transpose_lhs_hint = false} : vector<2000x256xf32>, vector<256x256xf32>, vector<2000x256xf32> -> vector<2000x256xf32>
    %add3A_69 = vector.broadcast %get3A_12 : vector<1x256xf32> to vector<2000x256xf32>
    %add3A_70 = arith.addf %dot_general3A_68, %add3A_69 : vector<2000x256xf32>
    %max3A_71 = arith.constant 0.000000e+00 : f32
    %max3A_72 = vector.broadcast %max3A_71 : f32 to vector<2000x256xf32>
    %max3A_73 = arith.maximumf %add3A_70, %max3A_72 : vector<2000x256xf32>
    %slice3A_74 = vector.extract_strided_slice %max3A_73 {offsets = [0, 0], sizes = [2000, 128], strides = [1, 1]} : vector<2000x256xf32> to vector<2000x128xf32>
    %swap3A_75 = arith.constant 4000 : index
    %swap3A_76 = arith.constant 0 : index
    %swap3A_77 = vector.load %arg5[%swap3A_75, %swap3A_76] : memref<20000x128xf32, #tpu.memory_space<vmem>>, vector<2000x128xf32>
    tpu.vector_store %arg5[%swap3A_75, %swap3A_76], %slice3A_74 {strides = array<i32>} : memref<20000x128xf32, #tpu.memory_space<vmem>>, vector<2000x128xf32>,
    %slice3A_78 = vector.extract_strided_slice %max3A_73 {offsets = [0, 128], sizes = [2000, 128], strides = [1, 1]} : vector<2000x256xf32> to vector<2000x128xf32>
    %swap3A_79 = arith.constant 14000 : index
    %swap3A_80 = arith.constant 0 : index
    %swap3A_81 = vector.load %arg5[%swap3A_79, %swap3A_80] : memref<20000x128xf32, #tpu.memory_space<vmem>>, vector<2000x128xf32>
    tpu.vector_store %arg5[%swap3A_79, %swap3A_80], %slice3A_78 {strides = array<i32>} : memref<20000x128xf32, #tpu.memory_space<vmem>>, vector<2000x128xf32>,
    %get3A_82 = arith.constant 6000 : index
    %get3A_83 = arith.constant 0 : index
    %get3A_84 = vector.load %arg0[%get3A_82, %get3A_83] : memref<10000x256xf32, #tpu.memory_space<vmem>>, vector<2000x256xf32>
    %sub3A_85 = vector.broadcast %get3A_1 : vector<1x256xf32> to vector<2000x256xf32>
    %sub3A_86 = arith.subf %get3A_84, %sub3A_85 : vector<2000x256xf32>
    %div3A_87 = vector.broadcast %sqrt3A : vector<1x256xf32> to vector<2000x256xf32>
    %div3A_88 = arith.divf %sub3A_86, %div3A_87 : vector<2000x256xf32>
    %max3A_89 = arith.constant 0.000000e+00 : f32
    %max3A_90 = vector.broadcast %max3A_89 : f32 to vector<2000x256xf32>
    %max3A_91 = arith.maximumf %div3A_88, %max3A_90 : vector<2000x256xf32>
    %dot_general3A_92 = arith.constant dense<0.000000e+00> : vector<2000x256xf32>
    %dot_general3A_93 = tpu.matmul %max3A_91, %get3A_9, %dot_general3A_92 {dimension_numbers = #tpu.dot_dimension_numbers<[1], [0], [0], [1], [0, 0, 1, 1], [], []>, transpose_lhs_hint = false} : vector<2000x256xf32>, vector<256x256xf32>, vector<2000x256xf32> -> vector<2000x256xf32>
    %add3A_94 = vector.broadcast %get3A_12 : vector<1x256xf32> to vector<2000x256xf32>
    %add3A_95 = arith.addf %dot_general3A_93, %add3A_94 : vector<2000x256xf32>
    %max3A_96 = arith.constant 0.000000e+00 : f32
    %max3A_97 = vector.broadcast %max3A_96 : f32 to vector<2000x256xf32>
    %max3A_98 = arith.maximumf %add3A_95, %max3A_97 : vector<2000x256xf32>
    %slice3A_99 = vector.extract_strided_slice %max3A_98 {offsets = [0, 0], sizes = [2000, 128], strides = [1, 1]} : vector<2000x256xf32> to vector<2000x128xf32>
    %swap3A_100 = arith.constant 6000 : index
    %swap3A_101 = arith.constant 0 : index
    %swap3A_102 = vector.load %arg5[%swap3A_100, %swap3A_101] : memref<20000x128xf32, #tpu.memory_space<vmem>>, vector<2000x128xf32>
    tpu.vector_store %arg5[%swap3A_100, %swap3A_101], %slice3A_99 {strides = array<i32>} : memref<20000x128xf32, #tpu.memory_space<vmem>>, vector<2000x128xf32>,
    %slice3A_103 = vector.extract_strided_slice %max3A_98 {offsets = [0, 128], sizes = [2000, 128], strides = [1, 1]} : vector<2000x256xf32> to vector<2000x128xf32>
    %swap3A_104 = arith.constant 16000 : index
    %swap3A_105 = arith.constant 0 : index
    %swap3A_106 = vector.load %arg5[%swap3A_104, %swap3A_105] : memref<20000x128xf32, #tpu.memory_space<vmem>>, vector<2000x128xf32>
    tpu.vector_store %arg5[%swap3A_104, %swap3A_105], %slice3A_103 {strides = array<i32>} : memref<20000x128xf32, #tpu.memory_space<vmem>>, vector<2000x128xf32>,
    %get3A_107 = arith.constant 8000 : index
    %get3A_108 = arith.constant 0 : index
    %get3A_109 = vector.load %arg0[%get3A_107, %get3A_108] : memref<10000x256xf32, #tpu.memory_space<vmem>>, vector<2000x256xf32>
    %sub3A_110 = vector.broadcast %get3A_1 : vector<1x256xf32> to vector<2000x256xf32>
    %sub3A_111 = arith.subf %get3A_109, %sub3A_110 : vector<2000x256xf32>
    %div3A_112 = vector.broadcast %sqrt3A : vector<1x256xf32> to vector<2000x256xf32>
    %div3A_113 = arith.divf %sub3A_111, %div3A_112 : vector<2000x256xf32>
    %max3A_114 = arith.constant 0.000000e+00 : f32
    %max3A_115 = vector.broadcast %max3A_114 : f32 to vector<2000x256xf32>
    %max3A_116 = arith.maximumf %div3A_113, %max3A_115 : vector<2000x256xf32>
    %dot_general3A_117 = arith.constant dense<0.000000e+00> : vector<2000x256xf32>
    %dot_general3A_118 = tpu.matmul %max3A_116, %get3A_9, %dot_general3A_117 {dimension_numbers = #tpu.dot_dimension_numbers<[1], [0], [0], [1], [0, 0, 1, 1], [], []>, transpose_lhs_hint = false} : vector<2000x256xf32>, vector<256x256xf32>, vector<2000x256xf32> -> vector<2000x256xf32>
    %add3A_119 = vector.broadcast %get3A_12 : vector<1x256xf32> to vector<2000x256xf32>
    %add3A_120 = arith.addf %dot_general3A_118, %add3A_119 : vector<2000x256xf32>
    %max3A_121 = arith.constant 0.000000e+00 : f32
    %max3A_122 = vector.broadcast %max3A_121 : f32 to vector<2000x256xf32>
    %max3A_123 = arith.maximumf %add3A_120, %max3A_122 : vector<2000x256xf32>
    %slice3A_124 = vector.extract_strided_slice %max3A_123 {offsets = [0, 0], sizes = [2000, 128], strides = [1, 1]} : vector<2000x256xf32> to vector<2000x128xf32>
    %swap3A_125 = arith.constant 8000 : index
    %swap3A_126 = arith.constant 0 : index
    %swap3A_127 = vector.load %arg5[%swap3A_125, %swap3A_126] : memref<20000x128xf32, #tpu.memory_space<vmem>>, vector<2000x128xf32>
    tpu.vector_store %arg5[%swap3A_125, %swap3A_126], %slice3A_124 {strides = array<i32>} : memref<20000x128xf32, #tpu.memory_space<vmem>>, vector<2000x128xf32>,
    %slice3A_128 = vector.extract_strided_slice %max3A_123 {offsets = [0, 128], sizes = [2000, 128], strides = [1, 1]} : vector<2000x256xf32> to vector<2000x128xf32>
    %swap3A_129 = arith.constant 18000 : index
    %swap3A_130 = arith.constant 0 : index
    %swap3A_131 = vector.load %arg5[%swap3A_129, %swap3A_130] : memref<20000x128xf32, #tpu.memory_space<vmem>>, vector<2000x128xf32>
    tpu.vector_store %arg5[%swap3A_129, %swap3A_130], %slice3A_128 {strides = array<i32>} : memref<20000x128xf32, #tpu.memory_space<vmem>>, vector<2000x128xf32>,
    return
  }
}

module attributes {stable_mosaic.version = 14 : i64} {
  func.func @_mm1_body(%arg0: memref<10000x256xf32, #tpu.memory_space<vmem>>, %arg1: memref<256x256xf32, #tpu.memory_space<vmem>>, %arg2: memref<1x256xf32, #tpu.memory_space<vmem>>, %arg3: memref<10000x256xf32, #tpu.memory_space<vmem>>) attributes {dimension_semantics = [], scalar_prefetch = 0 : i64, scratch_operands = 0 : i64, tpu.core_type = #tpu.core_type<tc>} {
    %get3A = arith.constant 0 : index
    %get3A_0 = arith.constant 0 : index
    %get3A_1 = vector.load %arg1[%get3A, %get3A_0] : memref<256x256xf32, #tpu.memory_space<vmem>>, vector<256x256xf32>
    %get3A_2 = arith.constant 0 : index
    %get3A_3 = arith.constant 0 : index
    %get3A_4 = vector.load %arg2[%get3A_2, %get3A_3] : memref<1x256xf32, #tpu.memory_space<vmem>>, vector<1x256xf32>
    %get3A_5 = arith.constant 0 : index
    %get3A_6 = arith.constant 0 : index
    %get3A_7 = vector.load %arg0[%get3A_5, %get3A_6] : memref<10000x256xf32, #tpu.memory_space<vmem>>, vector<2000x256xf32>
    %dot_general3A = arith.constant dense<0.000000e+00> : vector<2000x256xf32>
    %dot_general3A_8 = tpu.matmul %get3A_7, %get3A_1, %dot_general3A {dimension_numbers = #tpu.dot_dimension_numbers<[1], [0], [0], [1], [0, 0, 1, 1], [], []>, transpose_lhs_hint = false} : vector<2000x256xf32>, vector<256x256xf32>, vector<2000x256xf32> -> vector<2000x256xf32>
    %add3A = vector.broadcast %get3A_4 : vector<1x256xf32> to vector<2000x256xf32>
    %add3A_9 = arith.addf %dot_general3A_8, %add3A : vector<2000x256xf32>
    %swap3A = arith.constant 0 : index
    %swap3A_10 = arith.constant 0 : index
    %swap3A_11 = vector.load %arg3[%swap3A, %swap3A_10] : memref<10000x256xf32, #tpu.memory_space<vmem>>, vector<2000x256xf32>
    tpu.vector_store %arg3[%swap3A, %swap3A_10], %add3A_9 {strides = array<i32>} : memref<10000x256xf32, #tpu.memory_space<vmem>>, vector<2000x256xf32>,
    %get3A_12 = arith.constant 2000 : index
    %get3A_13 = arith.constant 0 : index
    %get3A_14 = vector.load %arg0[%get3A_12, %get3A_13] : memref<10000x256xf32, #tpu.memory_space<vmem>>, vector<2000x256xf32>
    %dot_general3A_15 = arith.constant dense<0.000000e+00> : vector<2000x256xf32>
    %dot_general3A_16 = tpu.matmul %get3A_14, %get3A_1, %dot_general3A_15 {dimension_numbers = #tpu.dot_dimension_numbers<[1], [0], [0], [1], [0, 0, 1, 1], [], []>, transpose_lhs_hint = false} : vector<2000x256xf32>, vector<256x256xf32>, vector<2000x256xf32> -> vector<2000x256xf32>
    %add3A_17 = vector.broadcast %get3A_4 : vector<1x256xf32> to vector<2000x256xf32>
    %add3A_18 = arith.addf %dot_general3A_16, %add3A_17 : vector<2000x256xf32>
    %swap3A_19 = arith.constant 2000 : index
    %swap3A_20 = arith.constant 0 : index
    %swap3A_21 = vector.load %arg3[%swap3A_19, %swap3A_20] : memref<10000x256xf32, #tpu.memory_space<vmem>>, vector<2000x256xf32>
    tpu.vector_store %arg3[%swap3A_19, %swap3A_20], %add3A_18 {strides = array<i32>} : memref<10000x256xf32, #tpu.memory_space<vmem>>, vector<2000x256xf32>,
    %get3A_22 = arith.constant 4000 : index
    %get3A_23 = arith.constant 0 : index
    %get3A_24 = vector.load %arg0[%get3A_22, %get3A_23] : memref<10000x256xf32, #tpu.memory_space<vmem>>, vector<2000x256xf32>
    %dot_general3A_25 = arith.constant dense<0.000000e+00> : vector<2000x256xf32>
    %dot_general3A_26 = tpu.matmul %get3A_24, %get3A_1, %dot_general3A_25 {dimension_numbers = #tpu.dot_dimension_numbers<[1], [0], [0], [1], [0, 0, 1, 1], [], []>, transpose_lhs_hint = false} : vector<2000x256xf32>, vector<256x256xf32>, vector<2000x256xf32> -> vector<2000x256xf32>
    %add3A_27 = vector.broadcast %get3A_4 : vector<1x256xf32> to vector<2000x256xf32>
    %add3A_28 = arith.addf %dot_general3A_26, %add3A_27 : vector<2000x256xf32>
    %swap3A_29 = arith.constant 4000 : index
    %swap3A_30 = arith.constant 0 : index
    %swap3A_31 = vector.load %arg3[%swap3A_29, %swap3A_30] : memref<10000x256xf32, #tpu.memory_space<vmem>>, vector<2000x256xf32>
    tpu.vector_store %arg3[%swap3A_29, %swap3A_30], %add3A_28 {strides = array<i32>} : memref<10000x256xf32, #tpu.memory_space<vmem>>, vector<2000x256xf32>,
    %get3A_32 = arith.constant 6000 : index
    %get3A_33 = arith.constant 0 : index
    %get3A_34 = vector.load %arg0[%get3A_32, %get3A_33] : memref<10000x256xf32, #tpu.memory_space<vmem>>, vector<2000x256xf32>
    %dot_general3A_35 = arith.constant dense<0.000000e+00> : vector<2000x256xf32>
    %dot_general3A_36 = tpu.matmul %get3A_34, %get3A_1, %dot_general3A_35 {dimension_numbers = #tpu.dot_dimension_numbers<[1], [0], [0], [1], [0, 0, 1, 1], [], []>, transpose_lhs_hint = false} : vector<2000x256xf32>, vector<256x256xf32>, vector<2000x256xf32> -> vector<2000x256xf32>
    %add3A_37 = vector.broadcast %get3A_4 : vector<1x256xf32> to vector<2000x256xf32>
    %add3A_38 = arith.addf %dot_general3A_36, %add3A_37 : vector<2000x256xf32>
    %swap3A_39 = arith.constant 6000 : index
    %swap3A_40 = arith.constant 0 : index
    %swap3A_41 = vector.load %arg3[%swap3A_39, %swap3A_40] : memref<10000x256xf32, #tpu.memory_space<vmem>>, vector<2000x256xf32>
    tpu.vector_store %arg3[%swap3A_39, %swap3A_40], %add3A_38 {strides = array<i32>} : memref<10000x256xf32, #tpu.memory_space<vmem>>, vector<2000x256xf32>,
    %get3A_42 = arith.constant 8000 : index
    %get3A_43 = arith.constant 0 : index
    %get3A_44 = vector.load %arg0[%get3A_42, %get3A_43] : memref<10000x256xf32, #tpu.memory_space<vmem>>, vector<2000x256xf32>
    %dot_general3A_45 = arith.constant dense<0.000000e+00> : vector<2000x256xf32>
    %dot_general3A_46 = tpu.matmul %get3A_44, %get3A_1, %dot_general3A_45 {dimension_numbers = #tpu.dot_dimension_numbers<[1], [0], [0], [1], [0, 0, 1, 1], [], []>, transpose_lhs_hint = false} : vector<2000x256xf32>, vector<256x256xf32>, vector<2000x256xf32> -> vector<2000x256xf32>
    %add3A_47 = vector.broadcast %get3A_4 : vector<1x256xf32> to vector<2000x256xf32>
    %add3A_48 = arith.addf %dot_general3A_46, %add3A_47 : vector<2000x256xf32>
    %swap3A_49 = arith.constant 8000 : index
    %swap3A_50 = arith.constant 0 : index
    %swap3A_51 = vector.load %arg3[%swap3A_49, %swap3A_50] : memref<10000x256xf32, #tpu.memory_space<vmem>>, vector<2000x256xf32>
    tpu.vector_store %arg3[%swap3A_49, %swap3A_50], %add3A_48 {strides = array<i32>} : memref<10000x256xf32, #tpu.memory_space<vmem>>, vector<2000x256xf32>,
    return
  }
}

module attributes {stable_mosaic.version = 14 : i64} {
  func.func @_mm2_body(%arg0: memref<10000x256xf32, #tpu.memory_space<vmem>>, %arg1: memref<1x256xf32, #tpu.memory_space<vmem>>, %arg2: memref<1x256xf32, #tpu.memory_space<vmem>>, %arg3: memref<256x256xf32, #tpu.memory_space<vmem>>, %arg4: memref<1x256xf32, #tpu.memory_space<vmem>>, %arg5: memref<10240x256xf32, #tpu.memory_space<vmem>>) attributes {dimension_semantics = [], scalar_prefetch = 0 : i64, scratch_operands = 0 : i64, tpu.core_type = #tpu.core_type<tc>} {
    %get3A = arith.constant 0 : index
    %get3A_0 = arith.constant 0 : index
    %get3A_1 = vector.load %arg1[%get3A, %get3A_0] : memref<1x256xf32, #tpu.memory_space<vmem>>, vector<1x256xf32>
    %get3A_2 = arith.constant 0 : index
    %get3A_3 = arith.constant 0 : index
    %get3A_4 = vector.load %arg2[%get3A_2, %get3A_3] : memref<1x256xf32, #tpu.memory_space<vmem>>, vector<1x256xf32>
    %add3A = arith.constant 9.99999974E-6 : f32
    %add3A_5 = vector.broadcast %add3A : f32 to vector<1x256xf32>
    %add3A_6 = arith.addf %get3A_4, %add3A_5 : vector<1x256xf32>
    %sqrt3A = math.sqrt %add3A_6 : vector<1x256xf32>
    %get3A_7 = arith.constant 0 : index
    %get3A_8 = arith.constant 0 : index
    %get3A_9 = vector.load %arg3[%get3A_7, %get3A_8] : memref<256x256xf32, #tpu.memory_space<vmem>>, vector<256x256xf32>
    %get3A_10 = arith.constant 0 : index
    %get3A_11 = arith.constant 0 : index
    %get3A_12 = vector.load %arg4[%get3A_10, %get3A_11] : memref<1x256xf32, #tpu.memory_space<vmem>>, vector<1x256xf32>
    %get3A_13 = arith.constant 0 : index
    %get3A_14 = arith.constant 0 : index
    %get3A_15 = vector.load %arg0[%get3A_13, %get3A_14] : memref<10000x256xf32, #tpu.memory_space<vmem>>, vector<2000x256xf32>
    %sub3A = vector.broadcast %get3A_1 : vector<1x256xf32> to vector<2000x256xf32>
    %sub3A_16 = arith.subf %get3A_15, %sub3A : vector<2000x256xf32>
    %div3A = vector.broadcast %sqrt3A : vector<1x256xf32> to vector<2000x256xf32>
    %div3A_17 = arith.divf %sub3A_16, %div3A : vector<2000x256xf32>
    %max3A = arith.constant 0.000000e+00 : f32
    %max3A_18 = vector.broadcast %max3A : f32 to vector<2000x256xf32>
    %max3A_19 = arith.maximumf %div3A_17, %max3A_18 : vector<2000x256xf32>
    %dot_general3A = arith.constant dense<0.000000e+00> : vector<2000x256xf32>
    %dot_general3A_20 = tpu.matmul %max3A_19, %get3A_9, %dot_general3A {dimension_numbers = #tpu.dot_dimension_numbers<[1], [0], [0], [1], [0, 0, 1, 1], [], []>, transpose_lhs_hint = false} : vector<2000x256xf32>, vector<256x256xf32>, vector<2000x256xf32> -> vector<2000x256xf32>
    %add3A_21 = vector.broadcast %get3A_12 : vector<1x256xf32> to vector<2000x256xf32>
    %add3A_22 = arith.addf %dot_general3A_20, %add3A_21 : vector<2000x256xf32>
    %max3A_23 = arith.constant 0.000000e+00 : f32
    %max3A_24 = vector.broadcast %max3A_23 : f32 to vector<2000x256xf32>
    %max3A_25 = arith.maximumf %add3A_22, %max3A_24 : vector<2000x256xf32>
    %swap3A = arith.constant 0 : index
    %swap3A_26 = arith.constant 0 : index
    %swap3A_27 = vector.load %arg5[%swap3A, %swap3A_26] : memref<10240x256xf32, #tpu.memory_space<vmem>>, vector<2000x256xf32>
    tpu.vector_store %arg5[%swap3A, %swap3A_26], %max3A_25 {strides = array<i32>} : memref<10240x256xf32, #tpu.memory_space<vmem>>, vector<2000x256xf32>,
    %get3A_28 = arith.constant 2000 : index
    %get3A_29 = arith.constant 0 : index
    %get3A_30 = vector.load %arg0[%get3A_28, %get3A_29] : memref<10000x256xf32, #tpu.memory_space<vmem>>, vector<2000x256xf32>
    %sub3A_31 = vector.broadcast %get3A_1 : vector<1x256xf32> to vector<2000x256xf32>
    %sub3A_32 = arith.subf %get3A_30, %sub3A_31 : vector<2000x256xf32>
    %div3A_33 = vector.broadcast %sqrt3A : vector<1x256xf32> to vector<2000x256xf32>
    %div3A_34 = arith.divf %sub3A_32, %div3A_33 : vector<2000x256xf32>
    %max3A_35 = arith.constant 0.000000e+00 : f32
    %max3A_36 = vector.broadcast %max3A_35 : f32 to vector<2000x256xf32>
    %max3A_37 = arith.maximumf %div3A_34, %max3A_36 : vector<2000x256xf32>
    %dot_general3A_38 = arith.constant dense<0.000000e+00> : vector<2000x256xf32>
    %dot_general3A_39 = tpu.matmul %max3A_37, %get3A_9, %dot_general3A_38 {dimension_numbers = #tpu.dot_dimension_numbers<[1], [0], [0], [1], [0, 0, 1, 1], [], []>, transpose_lhs_hint = false} : vector<2000x256xf32>, vector<256x256xf32>, vector<2000x256xf32> -> vector<2000x256xf32>
    %add3A_40 = vector.broadcast %get3A_12 : vector<1x256xf32> to vector<2000x256xf32>
    %add3A_41 = arith.addf %dot_general3A_39, %add3A_40 : vector<2000x256xf32>
    %max3A_42 = arith.constant 0.000000e+00 : f32
    %max3A_43 = vector.broadcast %max3A_42 : f32 to vector<2000x256xf32>
    %max3A_44 = arith.maximumf %add3A_41, %max3A_43 : vector<2000x256xf32>
    %swap3A_45 = arith.constant 2000 : index
    %swap3A_46 = arith.constant 0 : index
    %swap3A_47 = vector.load %arg5[%swap3A_45, %swap3A_46] : memref<10240x256xf32, #tpu.memory_space<vmem>>, vector<2000x256xf32>
    tpu.vector_store %arg5[%swap3A_45, %swap3A_46], %max3A_44 {strides = array<i32>} : memref<10240x256xf32, #tpu.memory_space<vmem>>, vector<2000x256xf32>,
    %get3A_48 = arith.constant 4000 : index
    %get3A_49 = arith.constant 0 : index
    %get3A_50 = vector.load %arg0[%get3A_48, %get3A_49] : memref<10000x256xf32, #tpu.memory_space<vmem>>, vector<2000x256xf32>
    %sub3A_51 = vector.broadcast %get3A_1 : vector<1x256xf32> to vector<2000x256xf32>
    %sub3A_52 = arith.subf %get3A_50, %sub3A_51 : vector<2000x256xf32>
    %div3A_53 = vector.broadcast %sqrt3A : vector<1x256xf32> to vector<2000x256xf32>
    %div3A_54 = arith.divf %sub3A_52, %div3A_53 : vector<2000x256xf32>
    %max3A_55 = arith.constant 0.000000e+00 : f32
    %max3A_56 = vector.broadcast %max3A_55 : f32 to vector<2000x256xf32>
    %max3A_57 = arith.maximumf %div3A_54, %max3A_56 : vector<2000x256xf32>
    %dot_general3A_58 = arith.constant dense<0.000000e+00> : vector<2000x256xf32>
    %dot_general3A_59 = tpu.matmul %max3A_57, %get3A_9, %dot_general3A_58 {dimension_numbers = #tpu.dot_dimension_numbers<[1], [0], [0], [1], [0, 0, 1, 1], [], []>, transpose_lhs_hint = false} : vector<2000x256xf32>, vector<256x256xf32>, vector<2000x256xf32> -> vector<2000x256xf32>
    %add3A_60 = vector.broadcast %get3A_12 : vector<1x256xf32> to vector<2000x256xf32>
    %add3A_61 = arith.addf %dot_general3A_59, %add3A_60 : vector<2000x256xf32>
    %max3A_62 = arith.constant 0.000000e+00 : f32
    %max3A_63 = vector.broadcast %max3A_62 : f32 to vector<2000x256xf32>
    %max3A_64 = arith.maximumf %add3A_61, %max3A_63 : vector<2000x256xf32>
    %swap3A_65 = arith.constant 4000 : index
    %swap3A_66 = arith.constant 0 : index
    %swap3A_67 = vector.load %arg5[%swap3A_65, %swap3A_66] : memref<10240x256xf32, #tpu.memory_space<vmem>>, vector<2000x256xf32>
    tpu.vector_store %arg5[%swap3A_65, %swap3A_66], %max3A_64 {strides = array<i32>} : memref<10240x256xf32, #tpu.memory_space<vmem>>, vector<2000x256xf32>,
    %get3A_68 = arith.constant 6000 : index
    %get3A_69 = arith.constant 0 : index
    %get3A_70 = vector.load %arg0[%get3A_68, %get3A_69] : memref<10000x256xf32, #tpu.memory_space<vmem>>, vector<2000x256xf32>
    %sub3A_71 = vector.broadcast %get3A_1 : vector<1x256xf32> to vector<2000x256xf32>
    %sub3A_72 = arith.subf %get3A_70, %sub3A_71 : vector<2000x256xf32>
    %div3A_73 = vector.broadcast %sqrt3A : vector<1x256xf32> to vector<2000x256xf32>
    %div3A_74 = arith.divf %sub3A_72, %div3A_73 : vector<2000x256xf32>
    %max3A_75 = arith.constant 0.000000e+00 : f32
    %max3A_76 = vector.broadcast %max3A_75 : f32 to vector<2000x256xf32>
    %max3A_77 = arith.maximumf %div3A_74, %max3A_76 : vector<2000x256xf32>
    %dot_general3A_78 = arith.constant dense<0.000000e+00> : vector<2000x256xf32>
    %dot_general3A_79 = tpu.matmul %max3A_77, %get3A_9, %dot_general3A_78 {dimension_numbers = #tpu.dot_dimension_numbers<[1], [0], [0], [1], [0, 0, 1, 1], [], []>, transpose_lhs_hint = false} : vector<2000x256xf32>, vector<256x256xf32>, vector<2000x256xf32> -> vector<2000x256xf32>
    %add3A_80 = vector.broadcast %get3A_12 : vector<1x256xf32> to vector<2000x256xf32>
    %add3A_81 = arith.addf %dot_general3A_79, %add3A_80 : vector<2000x256xf32>
    %max3A_82 = arith.constant 0.000000e+00 : f32
    %max3A_83 = vector.broadcast %max3A_82 : f32 to vector<2000x256xf32>
    %max3A_84 = arith.maximumf %add3A_81, %max3A_83 : vector<2000x256xf32>
    %swap3A_85 = arith.constant 6000 : index
    %swap3A_86 = arith.constant 0 : index
    %swap3A_87 = vector.load %arg5[%swap3A_85, %swap3A_86] : memref<10240x256xf32, #tpu.memory_space<vmem>>, vector<2000x256xf32>
    tpu.vector_store %arg5[%swap3A_85, %swap3A_86], %max3A_84 {strides = array<i32>} : memref<10240x256xf32, #tpu.memory_space<vmem>>, vector<2000x256xf32>,
    %get3A_88 = arith.constant 8000 : index
    %get3A_89 = arith.constant 0 : index
    %get3A_90 = vector.load %arg0[%get3A_88, %get3A_89] : memref<10000x256xf32, #tpu.memory_space<vmem>>, vector<2000x256xf32>
    %sub3A_91 = vector.broadcast %get3A_1 : vector<1x256xf32> to vector<2000x256xf32>
    %sub3A_92 = arith.subf %get3A_90, %sub3A_91 : vector<2000x256xf32>
    %div3A_93 = vector.broadcast %sqrt3A : vector<1x256xf32> to vector<2000x256xf32>
    %div3A_94 = arith.divf %sub3A_92, %div3A_93 : vector<2000x256xf32>
    %max3A_95 = arith.constant 0.000000e+00 : f32
    %max3A_96 = vector.broadcast %max3A_95 : f32 to vector<2000x256xf32>
    %max3A_97 = arith.maximumf %div3A_94, %max3A_96 : vector<2000x256xf32>
    %dot_general3A_98 = arith.constant dense<0.000000e+00> : vector<2000x256xf32>
    %dot_general3A_99 = tpu.matmul %max3A_97, %get3A_9, %dot_general3A_98 {dimension_numbers = #tpu.dot_dimension_numbers<[1], [0], [0], [1], [0, 0, 1, 1], [], []>, transpose_lhs_hint = false} : vector<2000x256xf32>, vector<256x256xf32>, vector<2000x256xf32> -> vector<2000x256xf32>
    %add3A_100 = vector.broadcast %get3A_12 : vector<1x256xf32> to vector<2000x256xf32>
    %add3A_101 = arith.addf %dot_general3A_99, %add3A_100 : vector<2000x256xf32>
    %max3A_102 = arith.constant 0.000000e+00 : f32
    %max3A_103 = vector.broadcast %max3A_102 : f32 to vector<2000x256xf32>
    %max3A_104 = arith.maximumf %add3A_101, %max3A_103 : vector<2000x256xf32>
    %swap3A_105 = arith.constant 8000 : index
    %swap3A_106 = arith.constant 0 : index
    %swap3A_107 = vector.load %arg5[%swap3A_105, %swap3A_106] : memref<10240x256xf32, #tpu.memory_space<vmem>>, vector<2000x256xf32>
    tpu.vector_store %arg5[%swap3A_105, %swap3A_106], %max3A_104 {strides = array<i32>} : memref<10240x256xf32, #tpu.memory_space<vmem>>, vector<2000x256xf32>,
    %broadcast_in_dim3A = arith.constant 0.000000e+00 : f32
    %broadcast_in_dim3A_108 = vector.broadcast %broadcast_in_dim3A : f32 to vector<240x256xf32>
    %swap3A_109 = arith.constant 10000 : index
    %swap3A_110 = arith.constant 0 : index
    %swap3A_111 = vector.load %arg5[%swap3A_109, %swap3A_110] : memref<10240x256xf32, #tpu.memory_space<vmem>>, vector<240x256xf32>
    tpu.vector_store %arg5[%swap3A_109, %swap3A_110], %broadcast_in_dim3A_108 {strides = array<i32>} : memref<10240x256xf32, #tpu.memory_space<vmem>>, vector<240x256xf32>,
    return
  }
}

module attributes {stable_mosaic.version = 14 : i64} {
  func.func @_pool1_body(%arg0: memref<10240x256xf32, #tpu.memory_space<vmem>>, %arg1: memref<1x10240xi32, #tpu.memory_space<vmem>>, %arg2: memref<256x256xf32, #tpu.memory_space<vmem>>, %arg3: memref<1x256xf32, #tpu.memory_space<vmem>>, %arg4: memref<256x128xf32, #tpu.memory_space<vmem>>, %arg5: memref<1x128xf32, #tpu.memory_space<vmem>>, %arg6: memref<64x128xf32, #tpu.memory_space<vmem>>) attributes {dimension_semantics = [], scalar_prefetch = 0 : i64, scratch_operands = 0 : i64, tpu.core_type = #tpu.core_type<tc>} {
    %get3A = arith.constant 0 : index
    %get3A_0 = arith.constant 0 : index
    %get3A_1 = vector.load %arg1[%get3A, %get3A_0] : memref<1x10240xi32, #tpu.memory_space<vmem>>, vector<1x10240xi32>
    %iota3A = tpu.iota {dimensions = array<i32: 0>} : vector<64x10240xi32>
    %eq3A = vector.broadcast %get3A_1 : vector<1x10240xi32> to vector<64x10240xi32>
    %eq3A_2 = arith.cmpi eq, %eq3A, %iota3A : vector<64x10240xi32>
    %jit3A = arith.constant 1.000000e+00 : f32
    %jit3A_3 = arith.constant 0.000000e+00 : f32
    %broadcast_in_dim3A = vector.broadcast %jit3A : f32 to vector<64x10240xf32>
    %broadcast_in_dim3A_4 = vector.broadcast %jit3A_3 : f32 to vector<64x10240xf32>
    %select_n3A = arith.select %eq3A_2, %broadcast_in_dim3A, %broadcast_in_dim3A_4 : vector<64x10240xi1>, vector<64x10240xf32>
    %get3A_5 = arith.constant 0 : index
    %get3A_6 = arith.constant 0 : index
    %get3A_7 = vector.load %arg0[%get3A_5, %get3A_6] : memref<10240x256xf32, #tpu.memory_space<vmem>>, vector<10240x256xf32>
    %dot_general3A = arith.constant dense<0.000000e+00> : vector<64x256xf32>
    %dot_general3A_8 = tpu.matmul %select_n3A, %get3A_7, %dot_general3A {dimension_numbers = #tpu.dot_dimension_numbers<[1], [0], [0], [1], [0, 0, 1, 1], [], []>, precision = #tpu.contract_precision<fp32>, transpose_lhs_hint = false} : vector<64x10240xf32>, vector<10240x256xf32>, vector<64x256xf32> -> vector<64x256xf32>
    %reduce_sum3A = arith.constant dense<0.000000e+00> : vector<64xf32>
    %reduce_sum3A_9 = vector.multi_reduction <add>, %select_n3A, %reduce_sum3A [1] : vector<64x10240xf32> to vector<64xf32>
    %broadcast_in_dim3A_10 = vector.shape_cast %reduce_sum3A_9 : vector<64xf32> to vector<64x1xf32>
    %max3A = arith.constant 1.000000e+00 : f32
    %max3A_11 = vector.broadcast %max3A : f32 to vector<64x1xf32>
    %max3A_12 = arith.maximumf %broadcast_in_dim3A_10, %max3A_11 : vector<64x1xf32>
    %div3A = vector.broadcast %max3A_12 : vector<64x1xf32> to vector<64x256xf32>
    %div3A_13 = arith.divf %dot_general3A_8, %div3A : vector<64x256xf32>
    %get3A_14 = arith.constant 0 : index
    %get3A_15 = arith.constant 0 : index
    %get3A_16 = vector.load %arg2[%get3A_14, %get3A_15] : memref<256x256xf32, #tpu.memory_space<vmem>>, vector<256x256xf32>
    %dot_general3A_17 = arith.constant dense<0.000000e+00> : vector<64x256xf32>
    %dot_general3A_18 = tpu.matmul %div3A_13, %get3A_16, %dot_general3A_17 {dimension_numbers = #tpu.dot_dimension_numbers<[1], [0], [0], [1], [0, 0, 1, 1], [], []>, transpose_lhs_hint = false} : vector<64x256xf32>, vector<256x256xf32>, vector<64x256xf32> -> vector<64x256xf32>
    %get3A_19 = arith.constant 0 : index
    %get3A_20 = arith.constant 0 : index
    %get3A_21 = vector.load %arg3[%get3A_19, %get3A_20] : memref<1x256xf32, #tpu.memory_space<vmem>>, vector<1x256xf32>
    %add3A = vector.broadcast %get3A_21 : vector<1x256xf32> to vector<64x256xf32>
    %add3A_22 = arith.addf %dot_general3A_18, %add3A : vector<64x256xf32>
    %get3A_23 = arith.constant 0 : index
    %get3A_24 = arith.constant 0 : index
    %get3A_25 = vector.load %arg4[%get3A_23, %get3A_24] : memref<256x128xf32, #tpu.memory_space<vmem>>, vector<256x128xf32>
    %dot_general3A_26 = arith.constant dense<0.000000e+00> : vector<64x128xf32>
    %dot_general3A_27 = tpu.matmul %add3A_22, %get3A_25, %dot_general3A_26 {dimension_numbers = #tpu.dot_dimension_numbers<[1], [0], [0], [1], [0, 0, 1, 1], [], []>, transpose_lhs_hint = false} : vector<64x256xf32>, vector<256x128xf32>, vector<64x128xf32> -> vector<64x128xf32>
    %get3A_28 = arith.constant 0 : index
    %get3A_29 = arith.constant 0 : index
    %get3A_30 = vector.load %arg5[%get3A_28, %get3A_29] : memref<1x128xf32, #tpu.memory_space<vmem>>, vector<1x128xf32>
    %add3A_31 = vector.broadcast %get3A_30 : vector<1x128xf32> to vector<64x128xf32>
    %add3A_32 = arith.addf %dot_general3A_27, %add3A_31 : vector<64x128xf32>
    %swap3A = arith.constant 0 : index
    %swap3A_33 = arith.constant 0 : index
    %swap3A_34 = vector.load %arg6[%swap3A, %swap3A_33] : memref<64x128xf32, #tpu.memory_space<vmem>>, vector<64x128xf32>
    tpu.vector_store %arg6[%swap3A, %swap3A_33], %add3A_32 {strides = array<i32>} : memref<64x128xf32, #tpu.memory_space<vmem>>, vector<64x128xf32>,
    return
  }
}

module attributes {stable_mosaic.version = 14 : i64} {
  func.func @_pool2_body(%arg0: memref<64x128xf32, #tpu.memory_space<vmem>>, %arg1: memref<1x128xf32, #tpu.memory_space<vmem>>, %arg2: memref<1x128xf32, #tpu.memory_space<vmem>>, %arg3: memref<128x128xf32, #tpu.memory_space<vmem>>, %arg4: memref<1x128xf32, #tpu.memory_space<vmem>>, %arg5: memref<64x128xf32, #tpu.memory_space<vmem>>) attributes {dimension_semantics = [], scalar_prefetch = 0 : i64, scratch_operands = 0 : i64, tpu.core_type = #tpu.core_type<tc>} {
    %get3A = arith.constant 0 : index
    %get3A_0 = arith.constant 0 : index
    %get3A_1 = vector.load %arg0[%get3A, %get3A_0] : memref<64x128xf32, #tpu.memory_space<vmem>>, vector<64x128xf32>
    %get3A_2 = arith.constant 0 : index
    %get3A_3 = arith.constant 0 : index
    %get3A_4 = vector.load %arg1[%get3A_2, %get3A_3] : memref<1x128xf32, #tpu.memory_space<vmem>>, vector<1x128xf32>
    %sub3A = vector.broadcast %get3A_4 : vector<1x128xf32> to vector<64x128xf32>
    %sub3A_5 = arith.subf %get3A_1, %sub3A : vector<64x128xf32>
    %get3A_6 = arith.constant 0 : index
    %get3A_7 = arith.constant 0 : index
    %get3A_8 = vector.load %arg2[%get3A_6, %get3A_7] : memref<1x128xf32, #tpu.memory_space<vmem>>, vector<1x128xf32>
    %add3A = arith.constant 9.99999974E-6 : f32
    %add3A_9 = vector.broadcast %add3A : f32 to vector<1x128xf32>
    %add3A_10 = arith.addf %get3A_8, %add3A_9 : vector<1x128xf32>
    %sqrt3A = math.sqrt %add3A_10 : vector<1x128xf32>
    %div3A = vector.broadcast %sqrt3A : vector<1x128xf32> to vector<64x128xf32>
    %div3A_11 = arith.divf %sub3A_5, %div3A : vector<64x128xf32>
    %max3A = arith.constant 0.000000e+00 : f32
    %max3A_12 = vector.broadcast %max3A : f32 to vector<64x128xf32>
    %max3A_13 = arith.maximumf %div3A_11, %max3A_12 : vector<64x128xf32>
    %get3A_14 = arith.constant 0 : index
    %get3A_15 = arith.constant 0 : index
    %get3A_16 = vector.load %arg3[%get3A_14, %get3A_15] : memref<128x128xf32, #tpu.memory_space<vmem>>, vector<128x128xf32>
    %dot_general3A = arith.constant dense<0.000000e+00> : vector<64x128xf32>
    %dot_general3A_17 = tpu.matmul %max3A_13, %get3A_16, %dot_general3A {dimension_numbers = #tpu.dot_dimension_numbers<[1], [0], [0], [1], [0, 0, 1, 1], [], []>, transpose_lhs_hint = false} : vector<64x128xf32>, vector<128x128xf32>, vector<64x128xf32> -> vector<64x128xf32>
    %get3A_18 = arith.constant 0 : index
    %get3A_19 = arith.constant 0 : index
    %get3A_20 = vector.load %arg4[%get3A_18, %get3A_19] : memref<1x128xf32, #tpu.memory_space<vmem>>, vector<1x128xf32>
    %add3A_21 = vector.broadcast %get3A_20 : vector<1x128xf32> to vector<64x128xf32>
    %add3A_22 = arith.addf %dot_general3A_17, %add3A_21 : vector<64x128xf32>
    %swap3A = arith.constant 0 : index
    %swap3A_23 = arith.constant 0 : index
    %swap3A_24 = vector.load %arg5[%swap3A, %swap3A_23] : memref<64x128xf32, #tpu.memory_space<vmem>>, vector<64x128xf32>
    tpu.vector_store %arg5[%swap3A, %swap3A_23], %add3A_22 {strides = array<i32>} : memref<64x128xf32, #tpu.memory_space<vmem>>, vector<64x128xf32>,
    return
  }
}

</mosaic_0001>

<sc_bundles>
// kernel: scatter_offload_async_start.1
scs
__scs_entry_jumppad:
0x0: {  	(pc) =	sbr.rel $0x88, $3  }
0x1: {  	(tag) =	ssettag $0x0;
	lr =	simm.s32 $0x1  }
0x2: {  	[smem:$0x3F89] =	sst lr;
	_ =	strace $0xD0000000  }
0x3: {  	_ = 	snop  }
0x4: {  	_ = 	snop  }
0x5: {  	_ = 	snop  }
0x6: {  	_ = 	snop  }
0x7: {  	_ = 	snop  }
__scs_overlays_trampoline_lowered:
0x8: {  	[smem:$0x3F98] =	sst s0  }
0x9: {  	[smem:$0x3F99] =	sst s1  }
0xa: {  	[smem:$0x3F9A] =	sst s2  }
0xb: {  	[smem:$0x3F9B] =	sst s3  }
0xc: {  	[smem:$0x3F9C] =	sst s4  }
0xd: {  	[smem:$0x3F9D] =	sst s5  }
0xe: {  	[smem:$0x3F9E] =	sst s6  }
0xf: {  	[smem:$0x3F9F] =	sst s7  }
0x10: {  	[smem:$0x3FA0] =	sst s8  }
0x11: {  	[smem:$0x3FA1] =	sst s9;
	s0 =	simm.s32 @!p0 $0x0  }
0x12: {  	s1 =	sld [smem:$0x3F87];
	s0 =	simm.s32 @p0 $0x1  }
0x13: {  	[smem:$0x3FA2] =	sst s0;
	s0 =	simm.s32 @!p1 $0x0  }
0x14: {  	s2 =	sld [smem:$0x3F86];
	s0 =	simm.s32 @p1 $0x1  }
0x15: {  	[smem:$0x3FA3] =	sst s0;
	s0 =	simm.s32 @!p2 $0x0  }
0x16: {  	s3 =	sld [smem:$0x3FDB];
	s0 =	simm.s32 @p2 $0x1  }
0x17: {  	s4 =	simm.s32 $0x1BF5;
	[smem:$0x3FA5] =	sst s0  }
0x18: {  	s0 =	sld [smem:$0x3F88];
	_ =	swait.ge [sflag:s4], $0x0  }
0x19: {  	s7 =	sld [smem:$0x3F89]  }
0x1a: {  	s8 =	sadd.s32 $0xFFFFE003, lr  }
0x1b: {  	s9 =	sadd.s32 $0xFFFFFEF7, lr;
	s5 =	simm.s32 $0xFFFFFFFF;
	p2 =	slt.u32 s8, $0xFFFFF086  }
0x1c: {  	p1 =	slt.u32 s9, $0xF7A;
	s5 =	simm.s32 @!p2 $0x0  }
0x1d: {  	s5 =	simm.s32 @p1 $0x1;
	p0 =	seq.s32 s7, s2  }
0x1e: {  	s7 =	smul.u32 @!p0 $0xF7A, s2;
	p2 =	seq.s32 @!p0 s5, $0x0  }
0x1f: {  	s9 =	smul.u32 $0xF7A, s1;
	s8 =	simm.s32 @!p0 $0x1BF5;
	p2 =	por !p2, p0  }
0x20: {  	[sflag:s8] =	ssyncset.s32 @!p0 $0xFFFFF086;
	s6 =	sadd.s32 @!p0 s3, s7;
	s7 =	simm.s32 @!p0 $0x108  }
0x21: {  	s3 =	sadd.s32 s3, s9;
	s6 =	sadd.s32 @!p0 $0x88, s6;
	s7 =	simm.s32 @p2 $0x1082  }
0x22: {  	[simem:s7], [sflag:s8] =	dma.local @!p0 [hbm:s6], $0xF7A  }
0x23: {  	s9 =	sor.u32 $0xD0000000, s2;
	s6 =	simm.s32 $0x108;
	_ =	swait.ge @!p0 [sflag:s8], $0x0  }
0x24: {  	s3 =	sadd.s32 $0x88, s3;
	s6 =	simm.s32 @!p1 $0x1082;
	[sflag:s4] =	ssyncset.s32 $0xFFFFF086  }
0x25: {  	[simem:s6], [sflag:s4] =	dma.local [hbm:s3], $0xF7A  }
0x26: {  	[smem:$0x3F89] =	sst s1;
	(tag) =	ssettag s2;
	_ =	strace s9  }
0x27: {  	s1 =	sld [smem:$0x3F99]  }
0x28: {  	s2 =	sld [smem:$0x3F9A]  }
0x29: {  	s4 =	sld [smem:$0x3F9C]  }
0x2a: {  	p0 =	seq.s32 s5, $0x0;
	s5 =	sld [smem:$0x3F9D]  }
0x2b: {  	s6 =	sld [smem:$0x3F9E]  }
0x2c: {  	s7 =	sld [smem:$0x3F9F]  }
0x2d: {  	s3 =	simm.s32 $0x108;
	s8 =	sld [smem:$0x3FA0]  }
0x2e: {  	s3 =	simm.s32 @!p0 $0x1082;
	s9 =	sld [smem:$0x3FA1]  }
0x2f: {  	lr =	sadd.s32 s0, s3;
	s0 =	sld [smem:$0x3F98]  }
0x30: {  	s3 =	sld [smem:$0x3F9B]  }
0x31: {  	[smem:$0x3FA4] =	sst s10  }
0x32: {  	s10 =	sld [smem:$0x3FA2];
	_ =	sdelay $0x3  }
0x33: {  	p0 =	seq.s32 s10, $0x1;
	s10 =	sld [smem:$0x3FA4];
	_ =	sdelay $0x3  }
0x34: {  	[smem:$0x3FA4] =	sst s10  }
0x35: {  	s10 =	sld [smem:$0x3FA3];
	_ =	sdelay $0x3  }
0x36: {  	p1 =	seq.s32 s10, $0x1;
	s10 =	sld [smem:$0x3FA4];
	_ =	sdelay $0x3  }
0x37: {  	[smem:$0x3FA4] =	sst s10  }
0x38: {  	s10 =	sld [smem:$0x3FA5]  }
0x39: {  	_ = 	snop;
	(pc) =	sbr.ind lr, $3  }
0x3a: {  	_ = 	snop  }
0x3b: {  	_ = 	snop  }
0x3c: {  	p2 =	seq.s32 s10, $0x1;
	s10 =	sld [smem:$0x3FA4]  }
0x3d: {  	_ =	shalt  }
0x3e: {  	_ =	shalt  }
0x3f: {  	_ =	shalt  }
0x40: {  	_ =	shalt  }
0x41: {  	_ =	shalt  }
0x42: {  	_ =	shalt  }
0x43: {  	_ =	shalt  }
0x44: {  	_ =	shalt  }
0x45: {  	_ =	shalt  }
0x46: {  	_ =	shalt  }
0x47: {  	_ =	shalt  }
0x48: {  	_ =	shalt  }
0x49: {  	_ =	shalt  }
0x4a: {  	_ =	shalt  }
0x4b: {  	_ =	shalt  }
0x4c: {  	_ =	shalt  }
0x4d: {  	_ =	shalt  }
0x4e: {  	_ =	shalt  }
0x4f: {  	_ =	shalt  }
0x50: {  	_ =	shalt  }
0x51: {  	_ =	shalt  }
0x52: {  	_ =	shalt  }
0x53: {  	_ =	shalt  }
0x54: {  	_ =	shalt  }
0x55: {  	_ =	shalt  }
0x56: {  	_ =	shalt  }
0x57: {  	_ =	shalt  }
0x58: {  	_ =	shalt  }
0x59: {  	_ =	shalt  }
0x5a: {  	_ =	shalt  }
0x5b: {  	_ =	shalt  }
0x5c: {  	_ =	shalt  }
0x5d: {  	_ =	shalt  }
0x5e: {  	_ =	shalt  }
0x5f: {  	_ =	shalt  }
0x60: {  	_ =	shalt  }
0x61: {  	_ =	shalt  }
0x62: {  	_ =	shalt  }
0x63: {  	_ =	shalt  }
0x64: {  	_ =	shalt  }
0x65: {  	_ =	shalt  }
0x66: {  	_ =	shalt  }
0x67: {  	_ =	shalt  }
0x68: {  	_ =	shalt  }
0x69: {  	_ =	shalt  }
0x6a: {  	_ =	shalt  }
0x6b: {  	_ =	shalt  }
0x6c: {  	_ =	shalt  }
0x6d: {  	_ =	shalt  }
0x6e: {  	_ =	shalt  }
0x6f: {  	_ =	shalt  }
0x70: {  	_ =	shalt  }
0x71: {  	_ =	shalt  }
0x72: {  	_ =	shalt  }
0x73: {  	_ =	shalt  }
0x74: {  	_ =	shalt  }
0x75: {  	_ =	shalt  }
0x76: {  	_ =	shalt  }
0x77: {  	_ =	shalt  }
0x78: {  	_ =	shalt  }
0x79: {  	_ =	shalt  }
0x7a: {  	_ =	shalt  }
0x7b: {  	_ =	shalt  }
0x7c: {  	_ =	shalt  }
0x7d: {  	_ =	shalt  }
0x7e: {  	_ =	shalt  }
0x7f: {  	_ =	shalt  }
0x80: {  	_ =	shalt  }
0x81: {  	_ =	shalt  }
0x82: {  	_ =	shalt  }
0x83: {  	_ =	shalt  }
0x84: {  	_ =	shalt  }
0x85: {  	_ =	shalt  }
0x86: {  	_ =	shalt  }
0x87: {  	_ =	shalt  }
.Lfunc_end0:
.L_simem_size_0:
called_computation.1_lowered:
.L_overlay_start_0:
0x88: {  	s2 =	sld [smem:$0x3FD9]  }
0x89: {  	s3 =	sld [smem:$0x3FFE];
	_ =	sdelay $0x1  }
0x8a: {  	s1 =	srdreg.scid  }
0x8b: {  	s0 =	sand.u32 $0x1, s1  }
0x8c: {  	s15 =	sshll.u32 s0, $0xA;
	s2 =	sadd.s32 s3, s2  }
0x8d: {  	s2 =	sadd.s32 s2, s15  }
0x8e: {  	[smem:$0x3FB0] =	sst s2  }
0x8f: {  	_ = 	snop  }
0x90: {  	(tm) =	ssettm $0x1  }
0x91: {  	s16 =	sld [smem:$0x3FFB];
	_ =	sdelay $0x3  }
0x92: {  	_ =	strace s16  }
0x93: {  	s2 =	sld [smem:$0x3FFC];
	_ =	sdelay $0x3  }
0x94: {  	_ =	strace s2  }
0x95: {  	s2 =	sld [smem:$0x3FFD];
	_ =	sdelay $0x3  }
0x96: {  	_ =	strace s2  }
0x97: {  	_ =	strace $0x8FFFFFFF  }
0x98: {  	s17 =	sld [smem:$0x3FDB];
	_ =	sdelay $0x1  }
0x99: {  	s18 =	simm.s32 $_scs_section_size  }
0x9a: {  	s4 =	simm.s32 $_size__tile_overlayer_lowered;
	s5 =	simm.s32 $_tile_overlayer_lowered  }
0x9b: {  	s21 =	simm.s32 $0x1BFF;
	s20 =	sshll.u32 s5, $0x1;
	s2 =	sadd.s32 s18, s17  }
0x9c: {  	s6 =	simm.s32 $0x0;
	s19 =	sshll.u32 s4, $0x1;
	s4 =	sadd.s32 s20, s2  }
0x9d: {  	[timem:s6], [sflag:s21] =	dma.local [hbm:s4], s19  }
0x9e: {  	_ =	swait.ge [sflag:s21], s19  }
0x9f: {  	s3 =	ssub.s32 $0x0, s19;
	[sflag:s21] =	ssyncset.done $0x0  }
0xa0: {  	[sflag:s21] =	ssyncadd.s32 s3;
	_ =	sdelay $0x1  }
0xa1: {  	s22 =	simm.s32 $0x1B8B  }
0xa2: {  	_ =	swait.ge [sflag:s22], $0x1  }
0xa3: {  	[sflag:s22] =	ssyncset.done $0x0  }
0xa4: {  	s23 =	sld [smem:$0x3FFE];
	[sflag:s22] =	ssyncadd.s32 $0xFFFFFFFF  }
0xa5: {  	s25 =	simm.s32 $0x1B8E;
	s24 =	sld [smem:$0x0]  }
0xa6: {  	s26 =	simm.s32 $execute0_lowered;
	[smem:$0x3FD2] =	sst s25  }
0xa7: {  	s5 =	sshll.u32 s26, $0x1;
	_ =	strace $0x80000049;
	[dreg:$0x1] =	wrdreg $0xFFFFFFFF  }
0xa8: {  	s28 =	simm.s32 $_size_execute0_lowered;
	s2 =	sadd.s32 s2, s5;
	[dreg:$0x0] =	wrdreg $0x0  }
0xa9: {  	s5 =	sshll.u32 s28, $0x1;
	[dreg:$0x2] =	wrdreg s2  }
0xaa: {  	[dreg:$0x3] =	wrdreg s5  }
0xab: {  	[dreg:$0x4] =	wrdreg $0xC0  }
0xac: {  	_ =	task [dreg:s6], $0x5FFFF  }
0xad: {  	[dreg:$0x1] =	wrdreg $0xFFFFFFFF  }
0xae: {  	[dreg:$0x0] =	wrdreg $0x60  }
0xaf: {  	[dreg:$0x2] =	wrdreg s23  }
0xb0: {  	[dreg:$0x3] =	wrdreg s1  }
0xb1: {  	[dreg:$0x4] =	wrdreg s24  }
0xb2: {  	[dreg:$0x5] =	wrdreg $0x9  }
0xb3: {  	_ =	task.clear_ibuf [dreg:s6], $0x6FFFF;
	_ =	strace $0x90000049  }
0xb4: {  	s29 =	simm.s32 $0x9;
	_ =	strace $0x8000004B  }
0xb5: {  	_ =	swait.ge [sflag:s29], $0x1  }
0xb6: {  	[sflag:s29] =	ssyncadd.s32 $0xFFFFFFFF  }
0xb7: {  	_ =	strace $0x9000004B  }
0xb8: {  	_ =	sfence  }
0xb9: {  	s30 =	sld [smem:$0x0];
	_ =	sdelay $0x2  }
0xba: {  	s31 =	sshll.u32 s1, $0xD;
	s1 =	sshrl.u32 s1, $0x2  }
0xbb: {  	s3 =	sand.u32 $0x4000, s31;
	s1 =	sadd.s32 s1, s30  }
0xbc: {  	s0 =	sor.u32 s3, s0;
	s1 =	sshll.u32 s1, $0x11  }
0xbd: {  	s0 =	sor.u32 s1, s0  }
0xbe: {  	s0 =	sadd.s32 $0x8F2B, s0  }
0xbf: {  	[sflag:s0] =	ssyncadd.remote.s32 $0x1  }
0xc0: {  	_ =	sfence.sel $0xFFFF  }
0xc1: {  	[dreg:$0x0] =	wrdreg $0xFFFFFFFF;
	(pc) =	sbr.abs _section_cstart, $3  }
0xc2: {  	[dreg:$0x1] =	wrdreg $0xFFFFFFFF  }
0xc3: {  	_ =	task.clear_ibuf [dreg:s6], $0x2FFFF;
	_ =	strace $0x9FFFFFFF  }
0xc4: {  	(tm) =	ssettm $0x7FFFFFFF  }
0xc5: {  	_ =	shalt  }
tec
execute0_lowered:
.L_overlay_start_1:
0x0: {  	(tag) =	ssettag $0x1  }
0x1: {  	s0 =	rddreg [dreg:$0x0]  }
0x2: {  	s2 =	rddreg [dreg:$0x1];
	_ =	strace $0x8000004A;
	s1 =	simm.s32 $0x1  }
0x3: {  	s5 =	simm.s32 $0x208;
	v0 =	vimm.s32 $0x0;
	[sflag:s1] =	ssyncpa.u1 $0x0  }
0x4: {  	[tilespmem:s5+$0x70] =	vst v0  }
0x5: {  	[tilespmem:s5+$0x60] =	vst v0  }
0x6: {  	[tilespmem:s5+$0x50] =	vst v0  }
0x7: {  	[tilespmem:s5+$0x40] =	vst v0  }
0x8: {  	[tilespmem:s5+$0x30] =	vst v0  }
0x9: {  	s1 =	sadd.s32 $0x13C00, s0;
	s6 =	sadd.s32 $0x526C00, s0;
	[tilespmem:s5+$0x20] =	vst v0  }
0xa: {  	s4 =	sadd.s32 $0x51CE00, s0;
	s10 =	sand.u32 $0x1, s2;
	s2 =	simm.s32 $0x40;
	[tilespmem:s5+$0x10] =	vst v0  }
.LBB2_1:
0xb: {  	s2 =	sadd.s32 $0x40, s2;
	[tilespmem:s5+$0x0] =	vst v0;
	s5 =	sadd.s32 $0x80, s5  }
0xc: {  	p0 =	slt.u32 s2, $0x3880;
	[tilespmem:s5+$0x70] =	vst v0  }
0xd: {  	[tilespmem:s5+$0x60] =	vst v0  }
.Ltmp0:
0xe: {  	[tilespmem:s5+$0x50] =	vst v0;
	(pc) =	sbr.rel @p0 .LBB2_1-.Ltmp0, $4  }
0xf: {  	[tilespmem:s5+$0x40] =	vst v0  }
0x10: {  	[tilespmem:s5+$0x30] =	vst v0  }
0x11: {  	[tilespmem:s5+$0x20] =	vst v0  }
0x12: {  	[tilespmem:s5+$0x10] =	vst v0  }
0x13: {  	s11 =	stileid.u32  }
0x14: {  	s2 =	smul.u32 $0x59, s11  }
0x15: {  	s3 =	smin.u32 s11, $0x5  }
0x16: {  	s2 =	sadd.s32 s3, s2  }
0x17: {  	p0 =	slt.u32 s11, $0x5;
	s20 =	smul.u32 $0x70, s2;
	s2 =	simm.s32 $0x2760  }
0x18: {  	s2 =	simm.s32 @!p0 $0x26F0  }
0x19: {  	s2 =	sadd.s32 s2, s20  }
0x1a: {  	s8 =	smin.u32 s2, $0x27100  }
0x1b: {  	s26 =	simm.s32 $0x2;
	s2 =	ssub.s32 s8, s20  }
0x1c: {  	s9 =	simm.s32 $0x9;
	s29 =	simm.s32 $0xA;
	p0 =	sgt.s32 s2, $0x0  }
0x1d: {  	s30 =	simm.s32 $0xB;
	s31 =	smul.u32 $0x4E20, s10;
	s2 =	simm.s32 @!p0 $0x0  }
0x1e: {  	[dreg:$0x4] =	wrdreg s10;
	s12 =	simm.s32 $0x1;
	s25 =	smulhi.u32 $0x92492493, s2  }
0x1f: {  	s24 =	simm.s32 $0x0;
	p1 =	por $0x0, $0x0;
	s18 =	simm.s32 $0x80  }
0x20: {  	s19 =	simm.s32 $0x400;
	s17 =	simm.s32 $0xC;
	s3 =	sshrl.u32 s25, $0x6  }
0x21: {  	s21 =	simm.s32 $0x0;
	s23 =	simm.s32 $0x0;
	s28 =	smul.u32 $0x70, s3  }
.Ltmp1:
0x22: {  	[tilespmem:s5+$0x0] =	vst v0;
	v0 =	vimm.s32 $0xFFFFFFFF;
	[sflag:s26] =	ssyncpa.u1 $0x0;
	s16 =	sshll.u32 s11, $0x9;
	(pc) =	sbr.rel .LBB2_3-.Ltmp1, $4  }
0x23: {  	[tilespmem:$0xE408] =	vst v0;
	[sflag:s9] =	ssyncpa.u1 $0x0;
	p0 =	sne.s32 s2, s28;
	s2 =	simm.s32 $0x1  }
0x24: {  	s14 =	sadd.s32 s31, s4;
	[sflag:s29] =	ssyncpa.u1 $0x0;
	s2 =	simm.s32 @!p0 $0x0  }
0x25: {  	s15 =	sadd.s32 s31, s0;
	[sflag:s30] =	ssyncpa.u1 $0x0;
	s13 =	sadd.s32 s2, s3  }
0x26: {  	v0 =	vlaneseq.u32;
	s22 =	smov.u32 s20;
	p0 =	por $0x1, $0x1;
	s11 =	sadd.s32 $0x1, s13  }
.LBB2_24:
0x27: {  	s2 =	sshrl.u32 s4, $0x2  }
.LBB2_26:
0x28: {  	_ =	swait.ge [sflag:s17], s2  }
0x29: {  	s31 =	ssub.s32 $0x0, s2;
	v1 =	vmov s26;
	vm0 =	veq.s32 v0, $0x0;
	[sflag:s17] =	ssyncset.done $0x0  }
0x2a: {  	vm15 =	veq.s32 v0, $0x2;
	v1 =	vsel vm0, s0, v1;
	[sflag:s17] =	ssyncadd.s32 s31  }
0x2b: {  	v1 =	vsel vm15, s24, v1;
	[sflag:s17] =	ssyncpa.u1 $0x1  }
0x2c: {  	[tilespmem:$0xE408] =	vst v1  }
.LBB2_27:
0x2d: {  	s0 =	sadd.s32 $0x70, s22  }
0x2e: {  	s2 =	smov.u32 s20;
	p2 =	slt.s32 s0, s8  }
0x2f: {  	s2 =	smov.u32 @p2 s0;
	p2 =	sne.s32 s23, s11  }
.Ltmp2:
0x30: {  	_ = 	snop;
	(pc) =	sbr.rel @!p2 .LBB2_28-.Ltmp2, $4  }
0x31: {  	_ = 	snop  }
0x32: {  	s24 =	smov.u32 s21  }
0x33: {  	s31 =	sadd.s32 $0x1, s23;
	s21 =	smov.u32 s22;
	p0 =	por !p0, !p0  }
0x34: {  	p1 =	por !p1, !p1;
	s23 =	smov.u32 s31;
	s22 =	smov.u32 s2  }
.LBB2_3:
0x35: {  	p2 =	sge.u32 s23, s13  }
0x36: {  	s0 =	smulhi.u32 @!p2 $0xAAAAAAAB, s23  }
0x37: {  	s2 =	smov.u32 s22;
	p3 =	sgt.s32 @!p2 s22, $0x27090  }
0x38: {  	s3 =	sshra.s32 @!p2 s22, $0x1F;
	p3 =	por !p3, p2;
	s0 =	sshrl.u32 @!p2 s0, $0x1  }
0x39: {  	s3 =	sand.u32 @!p2 s3, s22;
	s2 =	simm.s32 @p3 $0x27090;
	s0 =	smul.u32 @!p2 $0x3, s0  }
0x3a: {  	s2 =	ssub.s32 @!p2 s2, s3  }
0x3b: {  	s2 =	sadd.s32 @!p2 $0xFFFD8F70, s2;
	s0 =	ssub.s32 @!p2 s23, s0  }
0x3c: {  	s3 =	sshll.u32 @!p2 s2, $0x2;
	p3 =	sgt.s32 @!p2 s2, $0x6F;
	s0 =	smul.u32 @!p2 $0x1C0, s0  }
0x3d: {  	s4 =	sand.u32 @!p2 $0x7, s22;
	s2 =	ssub.s32 @!p2 $0x1C0, s3;
	p3 =	por !p3, p2  }
0x3e: {  	s3 =	sshrl.u32 @!p2 s22, $0x3;
	s2 =	sshrl.u32 @!p2 s2, $0x2;
	s0 =	sshrl.u32 @!p2 s0, $0x2  }
0x3f: {  	s3 =	sadd.s32 @!p2 s3, s14;
	s2 =	simm.s32 @!p3 $0x0;
	s0 =	sadd.s32 @!p2 $0x10448, s0  }
0x40: {  	[tilespmem:s0], [sflag:$0xA] =	stream.linear.gather @!p2 [hbm4b:s3+s4], s2, $0x38;
	[tilespmem:$0x1E678] =	vst v63  }
0x41: {  	s2 =	sadd.s32 $0xFFFFFFFF, s23  }
0x42: {  	p2 =	sge.u32 s2, s13  }
0x43: {  	p3 =	sgt.s32 @!p2 s21, $0x27090  }
0x44: {  	s0 =	smov.u32 s21;
	s3 =	sshra.s32 @!p2 s21, $0x1F;
	p3 =	por !p3, p2  }
0x45: {  	s3 =	sand.u32 @!p2 s3, s21;
	s0 =	simm.s32 @p3 $0x27090  }
0x46: {  	s0 =	ssub.s32 @!p2 s0, s3  }
0x47: {  	s0 =	sadd.s32 @!p2 $0xFFFD8F70, s0  }
0x48: {  	s3 =	sshll.u32 @!p2 s0, $0x2  }
0x49: {  	p3 =	sgt.s32 @!p2 s0, $0x6F;
	s0 =	ssub.s32 @!p2 $0x1C0, s3  }
0x4a: {  	p3 =	por !p3, p2;
	s0 =	sshrl.u32 @!p2 s0, $0x2  }
0x4b: {  	s4 =	simm.s32 @!p2 $0xA;
	s3 =	sand.u32 @!p2 $0x1, s2;
	s0 =	simm.s32 @!p3 $0x0  }
0x4c: {  	s3 =	smul.u32 @!p2 $0x1C0, s3;
	_ =	swait.ge @!p2 [sflag:s4], s0  }
0x4d: {  	s5 =	ssub.s32 @!p2 $0x0, s0;
	[sflag:s4] =	ssyncset.done @!p2 $0x0  }
0x4e: {  	s3 =	sshrl.u32 @!p2 s3, $0x2;
	[sflag:s4] =	ssyncadd.s32 @!p2 s5;
	s4 =	sshrl.u32 @!p2 s21, $0x3  }
0x4f: {  	s3 =	sadd.s32 @!p2 $0x10598, s3;
	s5 =	sand.u32 @!p2 $0x7, s21;
	s4 =	sadd.s32 @!p2 s4, s15  }
0x50: {  	[tilespmem:s3], [sflag:$0xB] =	stream.linear.gather @!p2 [hbm4b:s4+s5], s0, $0x38;
	[tilespmem:$0x1E678] =	vst v63  }
0x51: {  	s0 =	ssub.s32 @!p2 $0x27100, s21  }
0x52: {  	p3 =	slt.s32 @!p2 s0, $0x1  }
0x53: {  	p3 =	por p2, p3  }
.Ltmp3:
0x54: {  	_ = 	snop;
	(pc) =	sbr.rel @p3 .LBB2_9-.Ltmp3, $1  }
0x55: {  	_ =	sdelay $0x3  }
0x56: {  	s3 =	smulhi.u32 $0xAAAAAAAB, s2;
	_ =	sdelay $0x1  }
0x57: {  	s3 =	sshrl.u32 s3, $0x1  }
0x58: {  	s3 =	smul.u32 $0x3, s3;
	_ =	sdelay $0x1  }
0x59: {  	s30 =	ssub.s32 s2, s3  }
0x5a: {  	s4 =	simm.s32 $0x1;
	s2 =	smul.u32 $0x1C0, s30  }
.Ltmp4:
0x5b: {  	s4 =	simm.s32 @!p0 $0x0;
	(pc) =	sbr.rel .LBB2_6-.Ltmp4, $4  }
0x5c: {  	s31 =	smul.u32 $0x1C000, s4  }
0x5d: {  	p3 =	slt.s32 @!p2 s0, $0x70;
	s2 =	sshrl.u32 s2, $0x2  }
0x5e: {  	p2 =	por !p3, p2;
	s3 =	sshrl.u32 s31, $0x2;
	s5 =	sadd.s32 $0x10448, s2  }
0x5f: {  	s0 =	simm.s32 @p2 $0x70;
	s4 =	sor.u32 $0x10678, s3;
	s2 =	simm.s32 $0x0;
	v1 =	vmov s5  }
.LBB2_5:
0x60: {  	p2 =	sge.s32 s2, s0  }
.Ltmp5:
0x61: {  	_ = 	snop;
	(pc) =	sbr.rel @p2 .LBB2_9-.Ltmp5, $2  }
0x62: {  	_ =	sdelay $0x2  }
0x63: {  	s4 =	sadd.s32 $0x1000, s4  }
.LBB2_6:
0x64: {  	p2 =	sle.s32 s0, s2  }
.Ltmp6:
0x65: {  	_ = 	snop;
	(pc) =	sbr.rel @p2 .LBB2_5-.Ltmp6, $2  }
0x66: {  	_ =	sdelay $0x2  }
0x67: {  	s5 =	smov.u32 s2;
	s2 =	sadd.s32 $0x10, s2  }
0x68: {  	s3 =	ssub.s32 s0, s5  }
0x69: {  	p2 =	slt.s32 s3, $0x10  }
0x6a: {  	s3 =	simm.s32 @!p2 $0x10  }
0x6b: {  	v2 =	vmov s3  }
0x6c: {  	vm0 =	vgt.s32 v2, v0;
	_ =	sdelay $0x5  }
0x6d: {  	v2 =	vld.idx.msk [tilespmem:v1+s5+$0x0 ss:$0x1], vm0;
	_ =	sdelay $0x2  }
0x6e: {  	p2 =	slt.s32 s2, s0;
	s3 =	smov.u32 s0  }
0x6f: {  	s9 =	smov.u32 s4;
	s25 =	simm.s32 $0x0;
	s3 =	smov.u32 @p2 s2  }
.LBB2_8:
0x70: {  	(v2sf) =	vpush v2, s25;
	_ =	sdelay $0xe  }
0x71: {  	s25 =	sadd.s32 $0x1, s25;
	s10 =	spop (v2sf)  }
0x72: {  	s31 =	sadd.s32 s25, s5;
	s26 =	sshll.u32 s10, $0x8;
	s10 =	sshll.u32 s10, $0x7  }
0x73: {  	p2 =	slt.s32 s31, s3;
	s26 =	sand.u32 $0xFFFFF800, s26;
	s10 =	sand.u32 $0x380, s10  }
.Ltmp7:
0x74: {  	s10 =	sor.u32 s10, s26;
	(pc) =	sbr.rel @p2 .LBB2_8-.Ltmp7, $4  }
0x75: {  	s10 =	sshrl.u32 s10, $0x3  }
0x76: {  	s10 =	sadd.s32 s6, s10  }
0x77: {  	[tilespmem:s9], [sflag:$0x9] =	stream.strided.gather [hbm4b:s10+s18], $0x100, s19, s18, $0x38;
	[tilespmem:$0x1E678] =	vst v63  }
0x78: {  	s9 =	sadd.s32 $0x100, s9  }
.Ltmp8:
0x79: {  	_ = 	snop;
	(pc) =	sbr.rel .LBB2_5-.Ltmp8, $1  }
0x7a: {  	_ =	sdelay $0x3  }
.LBB2_9:
0x7b: {  	p2 =	slt.u32 s23, $0x2  }
.Ltmp9:
0x7c: {  	_ = 	snop;
	(pc) =	sbr.rel @p2 .LBB2_27-.Ltmp9, $1  }
0x7d: {  	_ =	sdelay $0x3  }
0x7e: {  	p2 =	sgt.s32 s24, $0x27090  }
0x7f: {  	s0 =	smov.u32 s24;
	s2 =	sshra.s32 s24, $0x1F;
	s3 =	ssub.s32 $0x27100, s24  }
0x80: {  	s0 =	simm.s32 @!p2 $0x27090;
	s2 =	sand.u32 s2, s24;
	p2 =	slt.s32 s3, $0x70  }
0x81: {  	s0 =	ssub.s32 s0, s2;
	s3 =	simm.s32 @!p2 $0x70  }
0x82: {  	s0 =	sadd.s32 $0xFFFD8F70, s0;
	s9 =	sshll.u32 s3, $0x8  }
0x83: {  	s26 =	simm.s32 $0x9;
	s10 =	sshll.u32 s0, $0x2;
	s2 =	sand.u32 $0x3FFFFF00, s9  }
0x84: {  	p2 =	sgt.s32 s0, $0x6F;
	s25 =	ssub.s32 $0x1C0, s10;
	_ =	swait.ge [sflag:s26], s2  }
0x85: {  	s2 =	ssub.s32 $0x0, s2;
	[sflag:s26] =	ssyncset.done $0x0;
	s0 =	sshrl.u32 s25, $0x2  }
0x86: {  	s29 =	simm.s32 $0xB;
	[sflag:s26] =	ssyncadd.s32 s2;
	s0 =	simm.s32 @p2 $0x0  }
0x87: {  	_ =	swait.ge [sflag:s29], s0  }
0x88: {  	s0 =	ssub.s32 $0x0, s0;
	[sflag:s29] =	ssyncset.done $0x0  }
0x89: {  	[sflag:s29] =	ssyncadd.s32 s0  }
0x8a: {  	v1 =	vld [tilespmem:$0xE408];
	_ =	sdelay $0x4  }
0x8b: {  	(v2sf) =	vpush v1, $0x0  }
0x8c: {  	(v2sf) =	vpush v1, $0x1  }
0x8d: {  	(v2sf) =	vpush v1, $0x2;
	_ =	sdelay $0x3  }
0x8e: {  	s0 =	sadd.s32 $0x70, s24  }
0x8f: {  	s2 =	ssub.s32 $0x4E200, s24;
	p2 =	slt.s32 s8, s0  }
0x90: {  	s0 =	smov.u32 @p2 s8;
	p2 =	sgt.s32 s2, $0x0  }
0x91: {  	s0 =	ssub.s32 s0, s24;
	s2 =	simm.s32 @!p2 $0x0  }
0x92: {  	p2 =	slt.s32 s2, s0  }
0x93: {  	s0 =	smov.u32 @p2 s2  }
0x94: {  	s4 =	simm.s32 $0x1;
	p2 =	slt.s32 s0, $0x1  }
.Ltmp10:
0x95: {  	s4 =	simm.s32 @!p1 $0x0;
	(pc) =	sbr.rel @p2 .LBB2_14-.Ltmp10, $4  }
0x96: {  	s30 =	smul.u32 $0x1C0, s4  }
0x97: {  	s5 =	spop (v2sf)  }
0x98: {  	s31 =	sshrl.u32 s30, $0x2;
	s28 =	spop (v2sf)  }
0x99: {  	s25 =	sadd.s32 $0x10598, s31;
	s24 =	spop (v2sf)  }
0x9a: {  	s2 =	smin.u32 s0, $0x10  }
0x9b: {  	v1 =	vmov s2  }
0x9c: {  	vm1 =	vgt.u32 v1, v0  }
0x9d: {  	p3 =	sgt.s32 s0, $0x10  }
.Ltmp11:
0x9e: {  	_ = 	snop;
	(pc) =	sbr.rel @!p3 .LBB2_13-.Ltmp11, $2  }
0x9f: {  	_ =	sdelay $0x2  }
0xa0: {  	s26 =	simm.s32 $0x10;
	s29 =	sadd.s32 $0xFFFFFFF0, s0;
	s2 =	smov.u32 s25;
	vm0 =	vmmov vm1;
	v1 =	vld.msk [tilespmem:s25+$0x0 ss:$0x1], vm1  }
.LBB2_12:
0xa1: {  	s3 =	smin.u32 s29, $0x10;
	s26 =	sadd.s32 $0x10, s26  }
0xa2: {  	v2 =	vmov s3;
	p3 =	slt.s32 s26, s0  }
0xa3: {  	vm1 =	vgt.u32 v2, v0;
	_ =	sdelay $0x1  }
0xa4: {  	v2 =	vshll.u32 v1, $0x5;
	v1 =	vshll.u32 v1, $0x4  }
.Ltmp12:
0xa5: {  	v2 =	vand.u32 $0xFFFFFF00, v2;
	v1 =	vand.u32 $0x70, v1;
	(pc) =	sbr.rel @p3 .LBB2_12-.Ltmp12, $4  }
0xa6: {  	v1 =	vor.u32 v1, v2  }
0xa7: {  	[tilespmem:s2+$0x0] =	vst.msk vm0, v1;
	s2 =	sadd.s32 $0x10, s2;
	vm0 =	vmmov vm1  }
0xa8: {  	v1 =	vld.msk [tilespmem:s2+$0x0 ss:$0x1], vm1  }
0xa9: {  	s29 =	sadd.s32 $0xFFFFFFF0, s29  }
.LBB2_13:
0xaa: {  	_ =	sdelay $0x3  }
0xab: {  	v2 =	vshll.u32 v1, $0x5;
	v1 =	vshll.u32 v1, $0x4  }
0xac: {  	v2 =	vand.u32 $0xFFFFFF00, v2;
	v1 =	vand.u32 $0x70, v1  }
0xad: {  	v1 =	vor.u32 v1, v2  }
0xae: {  	[tilespmem:s2+$0x0] =	vst.msk vm0, v1  }
.LBB2_14:
0xaf: {  	s2 =	sand.u32 $0x1, s23  }
0xb0: {  	s2 =	smul.u32 $0x70, s2  }
0xb1: {  	p3 =	sne.s32 s28, $0xFFFFFFFF  }
0xb2: {  	v1 =	vld.msk @!p3 [tilespmem:s2+$0x10598], $0x1;
	_ =	sdelay $0x4  }
0xb3: {  	(v2sf) =	vpush @!p3 v1, $0x0;
	_ =	sdelay $0xc  }
.Ltmp13:
0xb4: {  	_ = 	snop;
	(pc) =	sbr.rel @p2 .LBB2_25-.Ltmp13, $4  }
0xb5: {  	_ = 	snop  }
0xb6: {  	s31 =	spop @!p3 (v2sf)  }
0xb7: {  	s24 =	simm.s32 @!p3 $0x0;
	s26 =	smov.u32 s31  }
0xb8: {  	[sflag:s17] =	ssyncpa.u1 $0x0;
	s31 =	smov.u32 @p3 s5;
	s26 =	smov.u32 @p3 s28  }
0xb9: {  	v1 =	vld.msk [tilespmem:s25+$0x0], $0x1;
	_ =	sdelay $0x4  }
0xba: {  	(v2sf) =	vpush v1, $0x0;
	_ =	sdelay $0xe  }
0xbb: {  	s7 =	smov.u32 s11;
	s5 =	spop (v2sf)  }
0xbc: {  	s17 =	smov.u32 s15;
	s2 =	smul.u32 $0x1C000, s4;
	p2 =	seq.s32 s31, s5  }
0xbd: {  	s3 =	smov.u32 s31;
	s29 =	ssub.s32 $0x0, s0;
	p3 =	sgt.s32 @!p2 s31, $0x0  }
0xbe: {  	s30 =	simm.s32 $0x0;
	s2 =	sshrl.u32 s2, $0x2;
	p3 =	por !p3, p2  }
0xbf: {  	s0 =	sadd.s32 $0x1, s29;
	s28 =	sor.u32 $0x106F8, s2;
	s3 =	simm.s32 @p3 $0x0  }
0xc0: {  	s2 =	simm.s32 @!p2 $0x1;
	p3 =	seq.s32 s0, $0x0;
	s3 =	smin.u32 @!p2 s3, $0x4E170  }
.Ltmp14:
0xc1: {  	s4 =	simm.s32 @!p2 $0x7308;
	s9 =	sand.u32 @!p2 $0x7FFF8, s3;
	(pc) =	sbr.rel @p3 .LBB2_17-.Ltmp14, $4  }
0xc2: {  	s10 =	sadd.s32 @!p2 $0x80, s3;
	s11 =	sadd.s32 @!p2 s1, s9;
	s9 =	sand.u32 @!p2 $0x7, s3  }
0xc3: {  	[tilespmem:s4], [sflag:$0x2] =	stream.linear.gather @!p2 [hbm4b:s11+s9], $0x80, $0x38;
	[tilespmem:$0x1E678] =	vst v63  }
0xc4: {  	s15 =	smov.u32 s14;
	s2 =	smov.u32 @p2 s30;
	s4 =	sand.u32 @!p2 $0xFFFF8, s10  }
0xc5: {  	s3 =	simm.s32 @!p2 $0x7388;
	s10 =	sadd.s32 @!p2 s1, s4;
	s4 =	sadd.s32 $0x1, s25  }
.LBB2_16:
0xc6: {  	s11 =	smov.u32 s2  }
0xc7: {  	[tilespmem:s3], [sflag:$0x2] =	stream.linear.gather @!p2 [hbm4b:s10+s9], $0x80, $0x38;
	[tilespmem:$0x1E678] =	vst v63  }
0xc8: {  	s0 =	sadd.s32 $0x1, s0;
	s9 =	smov.u32 s5;
	v1 =	vld.msk [tilespmem:s4+$0x0], $0x1  }
0xc9: {  	p3 =	seq.s32 s0, $0x0;
	_ =	sdelay $0x3  }
0xca: {  	(v2sf) =	vpush v1, $0x0;
	_ =	sdelay $0xe  }
0xcb: {  	s5 =	spop (v2sf)  }
0xcc: {  	p2 =	seq.s32 s9, s5  }
0xcd: {  	p4 =	sgt.s32 @!p2 s9, $0x0;
	s3 =	sshll.u32 @!p2 s2, $0xA;
	s2 =	sadd.s32 @!p2 $0x1, s2  }
0xce: {  	p4 =	por !p4, p2;
	s3 =	sshra.s32 @!p2 s3, $0x2;
	s2 =	smov.u32 @p2 s11  }
0xcf: {  	s9 =	simm.s32 @p4 $0x0;
	s10 =	sadd.s32 @!p2 $0x7308, s3;
	s3 =	sadd.s32 @!p2 $0x7388, s3  }
.Ltmp15:
0xd0: {  	s9 =	smin.u32 @!p2 s9, $0x4E170;
	(pc) =	sbr.rel @!p3 .LBB2_16-.Ltmp15, $4  }
0xd1: {  	s11 =	sand.u32 @!p2 $0x7FFF8, s9;
	s14 =	sadd.s32 @!p2 $0x80, s9  }
0xd2: {  	s9 =	sand.u32 @!p2 $0x7, s9;
	s11 =	sadd.s32 @!p2 s1, s11;
	s14 =	sand.u32 @!p2 $0xFFFF8, s14  }
0xd3: {  	[tilespmem:s10], [sflag:$0x2] =	stream.linear.gather @!p2 [hbm4b:s11+s9], $0x80, $0x38;
	[tilespmem:$0x1E678] =	vst v63  }
0xd4: {  	s4 =	sadd.s32 $0x1, s4;
	s10 =	sadd.s32 @!p2 s1, s14  }
.LBB2_17:
0xd5: {  	[tilespmem:s3], [sflag:$0x2] =	stream.linear.gather @!p2 [hbm4b:s10+s9], $0x80, $0x38;
	[tilespmem:$0x1E678] =	vst v63  }
0xd6: {  	s0 =	sshll.u32 s2, $0x8  }
.Ltmp16:
0xd7: {  	s14 =	simm.s32 $0x2;
	s0 =	sand.u32 $0x3FFFFF00, s0;
	(pc) =	sbr.rel .LBB2_18-.Ltmp16, $4  }
0xd8: {  	_ =	swait.ge [sflag:s14], s0  }
0xd9: {  	s0 =	ssub.s32 $0x0, s0;
	[sflag:s14] =	ssyncset.done $0x0  }
0xda: {  	s4 =	simm.s32 $0x0;
	s11 =	smov.u32 s7;
	[sflag:s14] =	ssyncadd.s32 s0  }
0xdb: {  	s14 =	smov.u32 s15;
	s15 =	smov.u32 s17;
	s17 =	simm.s32 $0xC  }
.LBB2_19:
0xdc: {  	v1 =	vld [tilespmem:s28+$0xFFFFFF80];
	_ =	sdelay $0x4  }
0xdd: {  	[tilespmem:s5+$0x208] =	vst.add.f32.msk $0xffff, v1  }
0xde: {  	v1 =	vld [tilespmem:s28+$0xFFFFFF90];
	_ =	sdelay $0x4  }
0xdf: {  	[tilespmem:s5+$0x218] =	vst.add.f32.msk $0xffff, v1  }
0xe0: {  	v1 =	vld [tilespmem:s28+$0xFFFFFFA0];
	_ =	sdelay $0x4  }
0xe1: {  	[tilespmem:s5+$0x228] =	vst.add.f32.msk $0xffff, v1  }
0xe2: {  	v1 =	vld [tilespmem:s28+$0xFFFFFFB0];
	_ =	sdelay $0x4  }
0xe3: {  	[tilespmem:s5+$0x238] =	vst.add.f32.msk $0xffff, v1  }
0xe4: {  	v1 =	vld [tilespmem:s28+$0xFFFFFFC0];
	_ =	sdelay $0x4  }
0xe5: {  	[tilespmem:s5+$0x248] =	vst.add.f32.msk $0xffff, v1  }
0xe6: {  	v1 =	vld [tilespmem:s28+$0xFFFFFFD0];
	_ =	sdelay $0x4  }
0xe7: {  	[tilespmem:s5+$0x258] =	vst.add.f32.msk $0xffff, v1  }
0xe8: {  	v1 =	vld [tilespmem:s28+$0xFFFFFFE0];
	_ =	sdelay $0x4  }
0xe9: {  	[tilespmem:s5+$0x268] =	vst.add.f32.msk $0xffff, v1  }
0xea: {  	v1 =	vld [tilespmem:s28+$0xFFFFFFF0];
	_ =	sdelay $0x4  }
0xeb: {  	[tilespmem:s5+$0x278] =	vst.add.f32.msk $0xffff, v1  }
0xec: {  	v1 =	vld [tilespmem:s28+$0x0];
	_ =	sdelay $0x4  }
0xed: {  	[tilespmem:s5+$0x288] =	vst.add.f32.msk $0xffff, v1  }
0xee: {  	v1 =	vld [tilespmem:s28+$0x10];
	_ =	sdelay $0x4  }
0xef: {  	[tilespmem:s5+$0x298] =	vst.add.f32.msk $0xffff, v1  }
0xf0: {  	v1 =	vld [tilespmem:s28+$0x20];
	_ =	sdelay $0x4  }
0xf1: {  	[tilespmem:s5+$0x2A8] =	vst.add.f32.msk $0xffff, v1  }
0xf2: {  	v1 =	vld [tilespmem:s28+$0x30];
	_ =	sdelay $0x4  }
0xf3: {  	[tilespmem:s5+$0x2B8] =	vst.add.f32.msk $0xffff, v1  }
0xf4: {  	v1 =	vld [tilespmem:s28+$0x40];
	_ =	sdelay $0x4  }
0xf5: {  	[tilespmem:s5+$0x2C8] =	vst.add.f32.msk $0xffff, v1  }
0xf6: {  	v1 =	vld [tilespmem:s28+$0x50];
	_ =	sdelay $0x4  }
0xf7: {  	[tilespmem:s5+$0x2D8] =	vst.add.f32.msk $0xffff, v1  }
0xf8: {  	v1 =	vld [tilespmem:s28+$0x60];
	_ =	sdelay $0x4  }
0xf9: {  	[tilespmem:s5+$0x2E8] =	vst.add.f32.msk $0xffff, v1  }
0xfa: {  	v1 =	vld [tilespmem:s28+$0x70];
	_ =	sdelay $0x4  }
0xfb: {  	[tilespmem:s5+$0x2F8] =	vst.add.f32.msk $0xffff, v1  }
.LBB2_23:
0xfc: {  	s29 =	sadd.s32 $0x1, s29  }
0xfd: {  	p2 =	seq.s32 s29, $0x0  }
.Ltmp17:
0xfe: {  	_ = 	snop;
	(pc) =	sbr.rel @p2 .LBB2_24-.Ltmp17, $2  }
0xff: {  	_ =	sdelay $0x2  }
0x100: {  	s25 =	sadd.s32 $0x1, s25;
	s28 =	sadd.s32 $0x100, s28;
	s31 =	smov.u32 s0  }
.LBB2_18:
0x101: {  	v1 =	vld.msk [tilespmem:s25+$0x0], $0x1;
	_ =	sdelay $0x4  }
0x102: {  	(v2sf) =	vpush v1, $0x0;
	_ =	sdelay $0xe  }
0x103: {  	s0 =	spop (v2sf)  }
0x104: {  	p2 =	sne.s32 s31, s0  }
.Ltmp18:
0x105: {  	_ = 	snop;
	(pc) =	sbr.rel @!p2 .LBB2_19-.Ltmp18, $3  }
0x106: {  	_ =	sdelay $0x1  }
0x107: {  	s2 =	sshll.u32 s24, $0xA  }
0x108: {  	s5 =	sshra.s32 s2, $0x2  }
0x109: {  	p2 =	seq.s32 s31, s26  }
.Ltmp19:
0x10a: {  	_ = 	snop;
	(pc) =	sbr.rel @!p2 .LBB2_21-.Ltmp19, $1  }
0x10b: {  	_ =	sdelay $0x3  }
.Ltmp20:
0x10c: {  	s2 =	sadd.s32 $0x208, s5;
	(pc) =	sbr.rel .LBB2_22-.Ltmp20, $4  }
0x10d: {  	[spmem:s16] =	stream.linear.scatter [tilespmem:s2], [sflag:$0x1], $0x100, $0x38;
	[tilespmem:$0x1E678] =	vst v63  }
0x10e: {  	_ =	swait.ge [sflag:s12], $0x100  }
0x10f: {  	[sflag:s12] =	ssyncset.done $0x0  }
0x110: {  	[sflag:s12] =	ssyncadd.s32 $0xFFFFFF00  }
.LBB2_21:
0x111: {  	s2 =	sshll.u32 s30, $0xA  }
0x112: {  	s2 =	sshra.s32 s2, $0x2  }
0x113: {  	v1 =	vld [tilespmem:s2+$0x7308];
	_ =	sdelay $0x4  }
0x114: {  	[tilespmem:s5+$0x208] =	vst.add.f32.msk $0xffff, v1  }
0x115: {  	v1 =	vld [tilespmem:s2+$0x7318];
	_ =	sdelay $0x4  }
0x116: {  	[tilespmem:s5+$0x218] =	vst.add.f32.msk $0xffff, v1  }
0x117: {  	v1 =	vld [tilespmem:s2+$0x7328];
	_ =	sdelay $0x4  }
0x118: {  	[tilespmem:s5+$0x228] =	vst.add.f32.msk $0xffff, v1  }
0x119: {  	v1 =	vld [tilespmem:s2+$0x7338];
	_ =	sdelay $0x4  }
0x11a: {  	[tilespmem:s5+$0x238] =	vst.add.f32.msk $0xffff, v1  }
0x11b: {  	v1 =	vld [tilespmem:s2+$0x7348];
	_ =	sdelay $0x4  }
0x11c: {  	[tilespmem:s5+$0x248] =	vst.add.f32.msk $0xffff, v1  }
0x11d: {  	v1 =	vld [tilespmem:s2+$0x7358];
	_ =	sdelay $0x4  }
0x11e: {  	[tilespmem:s5+$0x258] =	vst.add.f32.msk $0xffff, v1  }
0x11f: {  	v1 =	vld [tilespmem:s2+$0x7368];
	_ =	sdelay $0x4  }
0x120: {  	[tilespmem:s5+$0x268] =	vst.add.f32.msk $0xffff, v1  }
0x121: {  	v1 =	vld [tilespmem:s2+$0x7378];
	_ =	sdelay $0x4  }
0x122: {  	[tilespmem:s5+$0x278] =	vst.add.f32.msk $0xffff, v1  }
0x123: {  	v1 =	vld [tilespmem:s2+$0x7388];
	_ =	sdelay $0x4  }
0x124: {  	[tilespmem:s5+$0x288] =	vst.add.f32.msk $0xffff, v1  }
0x125: {  	v1 =	vld [tilespmem:s2+$0x7398];
	_ =	sdelay $0x4  }
0x126: {  	[tilespmem:s5+$0x298] =	vst.add.f32.msk $0xffff, v1  }
0x127: {  	v1 =	vld [tilespmem:s2+$0x73A8];
	_ =	sdelay $0x4  }
0x128: {  	[tilespmem:s5+$0x2A8] =	vst.add.f32.msk $0xffff, v1  }
0x129: {  	v1 =	vld [tilespmem:s2+$0x73B8];
	_ =	sdelay $0x4  }
0x12a: {  	[tilespmem:s5+$0x2B8] =	vst.add.f32.msk $0xffff, v1  }
0x12b: {  	v1 =	vld [tilespmem:s2+$0x73C8];
	_ =	sdelay $0x4  }
0x12c: {  	[tilespmem:s5+$0x2C8] =	vst.add.f32.msk $0xffff, v1  }
0x12d: {  	v1 =	vld [tilespmem:s2+$0x73D8];
	_ =	sdelay $0x4  }
0x12e: {  	[tilespmem:s5+$0x2D8] =	vst.add.f32.msk $0xffff, v1  }
0x12f: {  	v1 =	vld [tilespmem:s2+$0x73E8];
	_ =	sdelay $0x4  }
0x130: {  	[tilespmem:s5+$0x2E8] =	vst.add.f32.msk $0xffff, v1  }
0x131: {  	v1 =	vld [tilespmem:s2+$0x73F8];
	_ =	sdelay $0x2  }
0x132: {  	p2 =	sgt.u32 s31, $0x4E170  }
0x133: {  	s2 =	sand.u32 @!p2 $0x7FFF8, s31  }
0x134: {  	s3 =	sadd.s32 $0x208, s5;
	s9 =	sand.u32 @!p2 $0x7, s31;
	s2 =	sadd.s32 @!p2 s1, s2;
	[tilespmem:s5+$0x2F8] =	vst.add.f32.msk $0xffff, v1  }
0x135: {  	[hbm4b:s2+s9] =	stream.linear.scatter @!p2 [tilespmem:s3], [sflag:$0xC], $0x80, $0x38;
	[tilespmem:$0x1E678] =	vst v63  }
0x136: {  	s2 =	sadd.s32 @!p2 $0x80, s31  }
0x137: {  	s2 =	sand.u32 @!p2 $0xFFFF8, s2  }
0x138: {  	s3 =	sadd.s32 $0x288, s5;
	s2 =	sadd.s32 @!p2 s1, s2  }
0x139: {  	[hbm4b:s2+s9] =	stream.linear.scatter @!p2 [tilespmem:s3], [sflag:$0xC], $0x80, $0x38;
	[tilespmem:$0x1E678] =	vst v63  }
0x13a: {  	s2 =	simm.s32 $0x0  }
0x13b: {  	s2 =	simm.s32 @!p2 $0x400  }
0x13c: {  	s4 =	sadd.s32 s2, s4  }
.LBB2_22:
0x13d: {  	s2 =	sadd.s32 $0x1, s24  }
0x13e: {  	s3 =	sshrl.u32 s2, $0x4  }
0x13f: {  	s3 =	smulhi.u32 $0x24924925, s3  }
0x140: {  	v1 =	vld [tilespmem:s28+$0xFFFFFF80]  }
0x141: {  	s3 =	smul.u32 $0x70, s3;
	_ =	sdelay $0x1  }
0x142: {  	s24 =	ssub.s32 s2, s3  }
0x143: {  	s2 =	sshll.u32 s24, $0x8  }
0x144: {  	[tilespmem:s2+$0x208] =	vst v1  }
0x145: {  	v1 =	vld [tilespmem:s28+$0xFFFFFF90];
	_ =	sdelay $0x4  }
0x146: {  	[tilespmem:s2+$0x218] =	vst v1  }
0x147: {  	v1 =	vld [tilespmem:s28+$0xFFFFFFA0];
	_ =	sdelay $0x4  }
0x148: {  	[tilespmem:s2+$0x228] =	vst v1  }
0x149: {  	v1 =	vld [tilespmem:s28+$0xFFFFFFB0];
	_ =	sdelay $0x4  }
0x14a: {  	[tilespmem:s2+$0x238] =	vst v1  }
0x14b: {  	v1 =	vld [tilespmem:s28+$0xFFFFFFC0];
	_ =	sdelay $0x4  }
0x14c: {  	[tilespmem:s2+$0x248] =	vst v1  }
0x14d: {  	v1 =	vld [tilespmem:s28+$0xFFFFFFD0];
	_ =	sdelay $0x4  }
0x14e: {  	[tilespmem:s2+$0x258] =	vst v1  }
0x14f: {  	v1 =	vld [tilespmem:s28+$0xFFFFFFE0];
	_ =	sdelay $0x4  }
0x150: {  	[tilespmem:s2+$0x268] =	vst v1  }
0x151: {  	v1 =	vld [tilespmem:s28+$0xFFFFFFF0];
	_ =	sdelay $0x4  }
0x152: {  	[tilespmem:s2+$0x278] =	vst v1  }
0x153: {  	v1 =	vld [tilespmem:s28+$0x0];
	_ =	sdelay $0x4  }
0x154: {  	[tilespmem:s2+$0x288] =	vst v1  }
0x155: {  	v1 =	vld [tilespmem:s28+$0x10];
	_ =	sdelay $0x4  }
0x156: {  	[tilespmem:s2+$0x298] =	vst v1  }
0x157: {  	v1 =	vld [tilespmem:s28+$0x20];
	_ =	sdelay $0x4  }
0x158: {  	[tilespmem:s2+$0x2A8] =	vst v1  }
0x159: {  	v1 =	vld [tilespmem:s28+$0x30];
	_ =	sdelay $0x4  }
0x15a: {  	[tilespmem:s2+$0x2B8] =	vst v1  }
0x15b: {  	v1 =	vld [tilespmem:s28+$0x40];
	_ =	sdelay $0x4  }
0x15c: {  	[tilespmem:s2+$0x2C8] =	vst v1  }
0x15d: {  	v1 =	vld [tilespmem:s28+$0x50];
	_ =	sdelay $0x4  }
0x15e: {  	[tilespmem:s2+$0x2D8] =	vst v1  }
0x15f: {  	v1 =	vld [tilespmem:s28+$0x60];
	_ =	sdelay $0x4  }
0x160: {  	[tilespmem:s2+$0x2E8] =	vst v1  }
0x161: {  	v1 =	vld [tilespmem:s28+$0x70]  }
.Ltmp21:
0x162: {  	_ = 	snop;
	(pc) =	sbr.rel .LBB2_23-.Ltmp21, $2  }
0x163: {  	_ =	sdelay $0x2  }
0x164: {  	s30 =	sadd.s32 $0x1, s30;
	[tilespmem:s2+$0x2F8] =	vst v1  }
.LBB2_25:
.Ltmp22:
0x165: {  	(pc) =	sbr.rel .LBB2_26-.Ltmp22, $4  }
0x166: {  	_ = 	snop  }
0x167: {  	s0 =	simm.s32 $0x2  }
0x168: {  	_ =	swait.ge [sflag:s0], $0x0  }
0x169: {  	s2 =	simm.s32 $0x0;
	[sflag:s0] =	ssyncset.done $0x0;
	s0 =	smov.u32 s31  }
.LBB2_28:
0x16a: {  	_ =	sfence.sel $0x180000  }
0x16b: {  	s0 =	simm.s32 $0x9;
	[bflag:$0x0] =	sbarrier.arrive $0xFFFF  }
0x16c: {  	s24 =	simm.s32 $0xA;
	[sflag:s0] =	ssyncpa.u1 $0x1  }
0x16d: {  	s25 =	simm.s32 $0xB;
	[sflag:s24] =	ssyncpa.u1 $0x1  }
0x16e: {  	s26 =	simm.s32 $0x2;
	[sflag:s25] =	ssyncpa.u1 $0x1  }
0x16f: {  	[sflag:s26] =	ssyncpa.u1 $0x1  }
0x170: {  	v0 =	vld [tilespmem:$0xE408];
	_ =	sdelay $0x4  }
0x171: {  	(v2sf) =	vpush v0, $0x0  }
0x172: {  	(v2sf) =	vpush v0, $0x1;
	_ =	sdelay $0x1  }
0x173: {  	(v2sf) =	vpush v0, $0x2;
	_ =	sdelay $0xb  }
0x174: {  	s0 =	spop (v2sf)  }
0x175: {  	s2 =	spop (v2sf)  }
0x176: {  	s3 =	smov.u32 s0;
	p0 =	sne.s32 s0, s2  }
0x177: {  	s4 =	spop (v2sf);
	s3 =	simm.s32 @!p0 $0xFFFFFFFF  }
0x178: {  	v2 =	vimm.s32 $0x1;
	v3 =	vlaneseq.u32;
	p0 =	seq.s32 s4, $0xFFFFFFFF;
	v1 =	vmov s3  }
0x179: {  	s15 =	stileid.u32;
	v0 =	vperm.xlane v0, v2;
	p1 =	sne.s32 @!p0 s0, s2;
	v1 =	vperm.xlane v1, v3  }
0x17a: {  	vm0 =	vcmask $0x3F04;
	s6 =	simm.s32 $0xE408;
	s0 =	simm.s32 @!p0 $0x1;
	p1 =	por !p1, p0  }
0x17b: {  	s3 =	sshll.u32 s15, $0x1;
	s2 =	sshll.u32 @!p0 s4, $0xA;
	s0 =	simm.s32 @p1 $0x0;
	v0 =	vsel vm0, v1, v0  }
0x17c: {  	s5 =	sor.u32 $0x2000, s3;
	s2 =	sshra.s32 @!p0 s2, $0x2;
	s0 =	sor.u32 @!p0 s0, s3;
	[tilespmem:$0xE408] =	vst v0  }
0x17d: {  	[spmem:s5] =	stream.linear.scatter [tilespmem:s6], [sflag:$0x1], $0x2, $0x38;
	[tilespmem:$0x1E678] =	vst v63  }
0x17e: {  	s2 =	sadd.s32 @!p0 $0x208, s2;
	s0 =	sshll.u32 @!p0 s0, $0x8  }
0x17f: {  	[spmem:s0] =	stream.linear.scatter @!p0 [tilespmem:s2], [sflag:$0x1], $0x100, $0x38;
	[tilespmem:$0x1E678] =	vst v63  }
0x180: {  	s0 =	simm.s32 @!p0 $0x102  }
0x181: {  	s28 =	simm.s32 $0x1;
	s0 =	simm.s32 @p0 $0x2  }
0x182: {  	_ =	swait.ge [sflag:s28], s0  }
0x183: {  	s0 =	ssub.s32 $0x0, s0;
	[sflag:s28] =	ssyncset.done $0x0  }
0x184: {  	p0 =	sne.s32 s15, $0x0;
	[sflag:s28] =	ssyncadd.s32 s0  }
.Ltmp23:
0x185: {  	_ =	sfence.stream.spmem;
	(pc) =	sbr.rel @p0 .LBB2_45-.Ltmp23, $4  }
0x186: {  	s29 =	simm.s32 $0x3;
	[bflag:$0x0] =	sbarrier.arrive $0xFFFF  }
0x187: {  	s30 =	simm.s32 $0x4;
	[sflag:s29] =	ssyncpa.u1 $0x1  }
0x188: {  	s31 =	simm.s32 $0x3C;
	[sflag:s30] =	ssyncpa.u1 $0x1  }
0x189: {  	s14 =	rddreg [dreg:$0x4];
	[sflag:s31] =	ssyncpa.u1 $0x1  }
0x18a: {  	_ =	sfence.stream.spmem;
	s0 =	simm.s32 $0x5  }
0x18b: {  	s2 =	simm.s32 $0x2000;
	s3 =	simm.s32 $0xE418;
	[sflag:s0] =	ssyncpa.u1 $0x0  }
0x18c: {  	[tilespmem:s3], [sflag:$0x5] =	stream.linear.gather [spmem:s2], $0x20, $0x38;
	[tilespmem:$0x1E678] =	vst v63  }
0x18d: {  	s26 =	simm.s32 $0x0;
	s28 =	simm.s32 $0xE438  }
0x18e: {  	[tilespmem:s28], [sflag:$0x5] =	stream.linear.gather [spmem:s26], $0x2000, $0x38;
	[tilespmem:$0x1E678] =	vst v63  }
0x18f: {  	_ =	swait.ge [sflag:s0], $0x2020  }
0x190: {  	[sflag:s0] =	ssyncset.done $0x0  }
0x191: {  	s29 =	simm.s32 $0x0;
	[sflag:s0] =	ssyncadd.s32 $0xFFFFDFE0  }
0x192: {  	v0 =	vld.msk [tilespmem:s29+$0xE418], $0x1;
	_ =	sdelay $0x1  }
0x193: {  	s30 =	simm.s32 $0x1  }
0x194: {  	v1 =	vld.msk [tilespmem:s30+$0xE418], $0x1;
	_ =	sdelay $0x1  }
0x195: {  	(v2sf) =	vpush v0, $0x0;
	_ =	sdelay $0x2  }
0x196: {  	(v2sf) =	vpush v1, $0x0;
	_ =	sdelay $0x2  }
0x197: {  	s31 =	simm.s32 $0x2  }
0x198: {  	v0 =	vld.msk [tilespmem:s31+$0xE418], $0x1;
	_ =	sdelay $0x2  }
0x199: {  	s2 =	simm.s32 $0xFFFFFFFF;
	s3 =	simm.s32 $0xFFFFFFFF;
	s0 =	simm.s32 $0xC  }
.LBB2_30:
0x19a: {  	s4 =	smov.u32 s3;
	s5 =	smov.u32 s2  }
0x19b: {  	s2 =	sshra.s32 s0, $0x2;
	p1 =	sne.s32 s0, $0x7C;
	s0 =	sadd.s32 $0x4, s0;
	(v2sf) =	vpush v0, $0x0  }
0x19c: {  	v0 =	vld.msk [tilespmem:s2+$0xE418], $0x1  }
.Ltmp24:
0x19d: {  	(pc) =	sbr.rel @p1 .LBB2_30-.Ltmp24, $4  }
0x19e: {  	s3 =	spop (v2sf)  }
0x19f: {  	p2 =	sne.s32 s5, $0xFFFFFFFF;
	s2 =	smov.u32 s3  }
0x1a0: {  	p3 =	seq.s32 s3, $0xFFFFFFFF;
	s2 =	smov.u32 @p2 s5  }
0x1a1: {  	s3 =	smov.u32 @p3 s4;
	s2 =	smov.u32 @p3 s5  }
0x1a2: {  	(v2sf) =	vpush v0, $0x0;
	_ =	sdelay $0x8  }
0x1a3: {  	s0 =	spop (v2sf)  }
0x1a4: {  	p1 =	sne.s32 s2, $0xFFFFFFFF;
	s9 =	simm.s32 $0x6;
	s4 =	smov.u32 s0  }
0x1a5: {  	s6 =	simm.s32 $0x0;
	p2 =	seq.s32 s0, $0xFFFFFFFF;
	s4 =	smov.u32 @p1 s2  }
0x1a6: {  	s10 =	simm.s32 $0xE308;
	s4 =	smov.u32 @p2 s2;
	s2 =	spop (v2sf)  }
0x1a7: {  	s0 =	smov.u32 @p2 s3;
	p1 =	sne.s32 s4, $0xFFFFFFFF;
	s5 =	smov.u32 s2  }
.Ltmp25:
0x1a8: {  	p2 =	seq.s32 s2, $0xFFFFFFFF;
	s5 =	smov.u32 @p1 s4;
	(pc) =	sbr.rel .LBB2_32-.Ltmp25, $4  }
0x1a9: {  	s11 =	simm.s32 $0xE388;
	s5 =	smov.u32 @p2 s4;
	s7 =	spop (v2sf)  }
0x1aa: {  	s12 =	simm.s32 $0x0;
	p1 =	sne.s32 s5, $0xFFFFFFFF;
	s8 =	smov.u32 s7  }
0x1ab: {  	s2 =	smov.u32 @p2 s0;
	p2 =	seq.s32 s7, $0xFFFFFFFF;
	s8 =	smov.u32 @p1 s5  }
0x1ac: {  	[sflag:s9] =	ssyncpa.u1 $0x0;
	s7 =	smov.u32 @p2 s2;
	s8 =	smov.u32 @p2 s5  }
.LBB2_38:
0x1ad: {  	p1 =	sgt.u32 s0, $0x4E170  }
0x1ae: {  	p2 =	seq.s32 @!p1 s0, s8  }
0x1af: {  	p1 =	por p1, p2  }
0x1b0: {  	p2 =	sne.s32 @!p1 s0, s7  }
0x1b1: {  	p1 =	por p1, !p2  }
0x1b2: {  	s0 =	sshll.u32 @p1 s12, $0xA  }
0x1b3: {  	s2 =	sand.u32 @!p1 $0x7FFF8, s0;
	s3 =	sand.u32 @!p1 $0x7, s0;
	s0 =	sadd.s32 @!p1 $0x80, s0  }
0x1b4: {  	s2 =	sadd.s32 @!p1 s1, s2;
	s0 =	sand.u32 @!p1 $0xFFFF8, s0  }
0x1b5: {  	[tilespmem:s10], [sflag:$0x6] =	stream.linear.gather @!p1 [hbm4b:s2+s3], $0x80, $0x38;
	[tilespmem:$0x1E678] =	vst v63  }
0x1b6: {  	s0 =	sadd.s32 @!p1 s1, s0  }
0x1b7: {  	[tilespmem:s11], [sflag:$0x6] =	stream.linear.gather @!p1 [hbm4b:s0+s3], $0x80, $0x38;
	[tilespmem:$0x1E678] =	vst v63  }
0x1b8: {  	_ =	swait.ge @!p1 [sflag:s9], $0x100  }
0x1b9: {  	[sflag:s9] =	ssyncset.done @!p1 $0x0  }
0x1ba: {  	[sflag:s9] =	ssyncadd.s32 @!p1 $0xFFFFFF00  }
0x1bb: {  	v1 =	vld @!p1 [tilespmem:$0xE308];
	_ =	sdelay $0x2  }
0x1bc: {  	s0 =	sshll.u32 @!p1 s12, $0xA  }
0x1bd: {  	s2 =	sshrl.u32 @!p1 s0, $0x2  }
0x1be: {  	[tilespmem:s2+$0xE438] =	vst.add.f32.msk @!p1 $0xffff, v1  }
0x1bf: {  	v1 =	vld @!p1 [tilespmem:$0xE318];
	_ =	sdelay $0x4  }
0x1c0: {  	[tilespmem:s2+$0xE448] =	vst.add.f32.msk @!p1 $0xffff, v1  }
0x1c1: {  	v1 =	vld @!p1 [tilespmem:$0xE328];
	_ =	sdelay $0x4  }
0x1c2: {  	[tilespmem:s2+$0xE458] =	vst.add.f32.msk @!p1 $0xffff, v1  }
0x1c3: {  	v1 =	vld @!p1 [tilespmem:$0xE338];
	_ =	sdelay $0x4  }
0x1c4: {  	[tilespmem:s2+$0xE468] =	vst.add.f32.msk @!p1 $0xffff, v1  }
0x1c5: {  	v1 =	vld @!p1 [tilespmem:$0xE348];
	_ =	sdelay $0x4  }
0x1c6: {  	[tilespmem:s2+$0xE478] =	vst.add.f32.msk @!p1 $0xffff, v1  }
0x1c7: {  	v1 =	vld @!p1 [tilespmem:$0xE358];
	_ =	sdelay $0x4  }
0x1c8: {  	[tilespmem:s2+$0xE488] =	vst.add.f32.msk @!p1 $0xffff, v1  }
0x1c9: {  	v1 =	vld @!p1 [tilespmem:$0xE368];
	_ =	sdelay $0x4  }
0x1ca: {  	[tilespmem:s2+$0xE498] =	vst.add.f32.msk @!p1 $0xffff, v1  }
0x1cb: {  	v1 =	vld @!p1 [tilespmem:$0xE378];
	_ =	sdelay $0x4  }
0x1cc: {  	[tilespmem:s2+$0xE4A8] =	vst.add.f32.msk @!p1 $0xffff, v1  }
0x1cd: {  	v1 =	vld @!p1 [tilespmem:$0xE388];
	_ =	sdelay $0x4  }
0x1ce: {  	[tilespmem:s2+$0xE4B8] =	vst.add.f32.msk @!p1 $0xffff, v1  }
0x1cf: {  	v1 =	vld @!p1 [tilespmem:$0xE398];
	_ =	sdelay $0x4  }
0x1d0: {  	[tilespmem:s2+$0xE4C8] =	vst.add.f32.msk @!p1 $0xffff, v1  }
0x1d1: {  	v1 =	vld @!p1 [tilespmem:$0xE3A8];
	_ =	sdelay $0x4  }
0x1d2: {  	[tilespmem:s2+$0xE4D8] =	vst.add.f32.msk @!p1 $0xffff, v1  }
0x1d3: {  	v1 =	vld @!p1 [tilespmem:$0xE3B8];
	_ =	sdelay $0x4  }
0x1d4: {  	[tilespmem:s2+$0xE4E8] =	vst.add.f32.msk @!p1 $0xffff, v1  }
0x1d5: {  	v1 =	vld @!p1 [tilespmem:$0xE3C8];
	_ =	sdelay $0x4  }
0x1d6: {  	[tilespmem:s2+$0xE4F8] =	vst.add.f32.msk @!p1 $0xffff, v1  }
0x1d7: {  	v1 =	vld @!p1 [tilespmem:$0xE3D8];
	_ =	sdelay $0x4  }
0x1d8: {  	[tilespmem:s2+$0xE508] =	vst.add.f32.msk @!p1 $0xffff, v1  }
0x1d9: {  	v1 =	vld @!p1 [tilespmem:$0xE3E8];
	_ =	sdelay $0x4  }
0x1da: {  	[tilespmem:s2+$0xE518] =	vst.add.f32.msk @!p1 $0xffff, v1  }
0x1db: {  	v1 =	vld @!p1 [tilespmem:$0xE3F8];
	_ =	sdelay $0x4  }
0x1dc: {  	[tilespmem:s2+$0xE528] =	vst.add.f32.msk @!p1 $0xffff, v1  }
0x1dd: {  	s0 =	sshrl.u32 s0, $0x2;
	[tilespmem:s6+$0xE418] =	vst.msk $0x1, v0  }
0x1de: {  	v0 =	vld [tilespmem:s0+$0xE438];
	_ =	sdelay $0x2  }
0x1df: {  	s31 =	sshll.u32 s6, $0xA  }
0x1e0: {  	s2 =	sshra.s32 s31, $0x2  }
0x1e1: {  	[tilespmem:s2+$0xE438] =	vst v0  }
0x1e2: {  	v0 =	vld [tilespmem:s0+$0xE448];
	_ =	sdelay $0x4  }
0x1e3: {  	[tilespmem:s2+$0xE448] =	vst v0  }
0x1e4: {  	v0 =	vld [tilespmem:s0+$0xE458];
	_ =	sdelay $0x4  }
0x1e5: {  	[tilespmem:s2+$0xE458] =	vst v0  }
0x1e6: {  	v0 =	vld [tilespmem:s0+$0xE468];
	_ =	sdelay $0x4  }
0x1e7: {  	[tilespmem:s2+$0xE468] =	vst v0  }
0x1e8: {  	v0 =	vld [tilespmem:s0+$0xE478];
	_ =	sdelay $0x4  }
0x1e9: {  	[tilespmem:s2+$0xE478] =	vst v0  }
0x1ea: {  	v0 =	vld [tilespmem:s0+$0xE488];
	_ =	sdelay $0x4  }
0x1eb: {  	[tilespmem:s2+$0xE488] =	vst v0  }
0x1ec: {  	v0 =	vld [tilespmem:s0+$0xE498];
	_ =	sdelay $0x4  }
0x1ed: {  	[tilespmem:s2+$0xE498] =	vst v0  }
0x1ee: {  	v0 =	vld [tilespmem:s0+$0xE4A8];
	_ =	sdelay $0x4  }
0x1ef: {  	[tilespmem:s2+$0xE4A8] =	vst v0  }
0x1f0: {  	v0 =	vld [tilespmem:s0+$0xE4B8];
	_ =	sdelay $0x4  }
0x1f1: {  	[tilespmem:s2+$0xE4B8] =	vst v0  }
0x1f2: {  	v0 =	vld [tilespmem:s0+$0xE4C8];
	_ =	sdelay $0x4  }
0x1f3: {  	[tilespmem:s2+$0xE4C8] =	vst v0  }
0x1f4: {  	v0 =	vld [tilespmem:s0+$0xE4D8];
	_ =	sdelay $0x4  }
0x1f5: {  	[tilespmem:s2+$0xE4D8] =	vst v0  }
0x1f6: {  	v0 =	vld [tilespmem:s0+$0xE4E8];
	_ =	sdelay $0x4  }
0x1f7: {  	[tilespmem:s2+$0xE4E8] =	vst v0  }
0x1f8: {  	v0 =	vld [tilespmem:s0+$0xE4F8];
	_ =	sdelay $0x4  }
0x1f9: {  	[tilespmem:s2+$0xE4F8] =	vst v0  }
0x1fa: {  	v0 =	vld [tilespmem:s0+$0xE508];
	_ =	sdelay $0x4  }
0x1fb: {  	[tilespmem:s2+$0xE508] =	vst v0  }
0x1fc: {  	v0 =	vld [tilespmem:s0+$0xE518];
	_ =	sdelay $0x4  }
0x1fd: {  	[tilespmem:s2+$0xE518] =	vst v0  }
0x1fe: {  	v0 =	vld [tilespmem:s0+$0xE528];
	_ =	sdelay $0x4  }
0x1ff: {  	s6 =	sadd.s32 $0x1, s6;
	[tilespmem:s2+$0xE528] =	vst v0  }
.LBB2_39:
0x200: {  	s12 =	sadd.s32 $0x1, s12  }
0x201: {  	p1 =	sne.s32 s12, $0x20  }
.Ltmp26:
0x202: {  	_ = 	snop;
	(pc) =	sbr.rel @!p1 .LBB2_40-.Ltmp26, $1  }
0x203: {  	_ =	sdelay $0x3  }
.LBB2_32:
0x204: {  	v0 =	vld.msk [tilespmem:s12+$0xE418], $0x1;
	_ =	sdelay $0x4  }
0x205: {  	(v2sf) =	vpush v0, $0x0;
	_ =	sdelay $0xe  }
0x206: {  	s0 =	spop (v2sf)  }
0x207: {  	p1 =	seq.s32 s0, $0xFFFFFFFF  }
.Ltmp27:
0x208: {  	_ = 	snop;
	(pc) =	sbr.rel @p1 .LBB2_39-.Ltmp27, $1  }
0x209: {  	_ =	sdelay $0x3  }
0x20a: {  	p1 =	slt.s32 s6, $0x1  }
.Ltmp28:
0x20b: {  	_ = 	snop;
	(pc) =	sbr.rel @p1 .LBB2_38-.Ltmp28, $1  }
0x20c: {  	_ =	sdelay $0x3  }
0x20d: {  	s4 =	simm.s32 $0xE418;
	p1 =	por $0x0, $0x0  }
0x20e: {  	v1 =	vld.msk @!p1 [tilespmem:s4+$0x0], $0x1;
	_ =	sdelay $0x4  }
0x20f: {  	(v2sf) =	vpush @!p1 v1, $0x0;
	_ =	sdelay $0xd  }
0x210: {  	p3 =	sne.s32 s6, $0x1  }
.Ltmp29:
0x211: {  	s2 =	spop @!p1 (v2sf);
	(pc) =	sbr.rel @!p3 .LBB2_36-.Ltmp29, $4  }
0x212: {  	p2 =	seq.s32 @!p1 s0, s2  }
0x213: {  	s5 =	simm.s32 $0x0;
	p2 =	por !p2, p1  }
0x214: {  	s2 =	simm.s32 $0xFFFFFFFF;
	s5 =	simm.s32 @p2 $0xFFFFFFFF  }
0x215: {  	s13 =	simm.s32 $0x1;
	s5 =	smov.u32 @p1 s2  }
.LBB2_35:
0x216: {  	s2 =	smov.u32 s5;
	p1 =	sne.s32 s5, $0xFFFFFFFF  }
0x217: {  	s4 =	sadd.s32 $0x1, s4;
	s5 =	smov.u32 s13;
	s13 =	sadd.s32 $0x1, s13  }
0x218: {  	p2 =	sne.s32 s6, s13;
	v1 =	vld.msk @!p1 [tilespmem:s4+$0x0], $0x1;
	_ =	sdelay $0x4  }
0x219: {  	(v2sf) =	vpush @!p1 v1, $0x0;
	_ =	sdelay $0xe  }
.Ltmp30:
0x21a: {  	s3 =	spop @!p1 (v2sf);
	(pc) =	sbr.rel @p2 .LBB2_35-.Ltmp30, $4  }
0x21b: {  	p3 =	seq.s32 @!p1 s0, s3  }
0x21c: {  	p3 =	por !p3, p1  }
0x21d: {  	s5 =	simm.s32 @p3 $0xFFFFFFFF  }
0x21e: {  	s5 =	smov.u32 @p1 s2  }
.LBB2_36:
0x21f: {  	p1 =	seq.s32 s5, $0xFFFFFFFF  }
.Ltmp31:
0x220: {  	_ = 	snop;
	(pc) =	sbr.rel @p1 .LBB2_38-.Ltmp31, $1  }
0x221: {  	_ =	sdelay $0x3  }
0x222: {  	s0 =	sshll.u32 s12, $0x8  }
0x223: {  	s0 =	sand.u32 $0x3FFFFF00, s0  }
0x224: {  	v0 =	vld [tilespmem:s0+$0xE438];
	_ =	sdelay $0x2  }
0x225: {  	s2 =	sshll.u32 s5, $0xA  }
0x226: {  	s2 =	sshra.s32 s2, $0x2  }
0x227: {  	[tilespmem:s2+$0xE438] =	vst.add.f32.msk $0xffff, v0  }
0x228: {  	v0 =	vld [tilespmem:s0+$0xE448];
	_ =	sdelay $0x4  }
0x229: {  	[tilespmem:s2+$0xE448] =	vst.add.f32.msk $0xffff, v0  }
0x22a: {  	v0 =	vld [tilespmem:s0+$0xE458];
	_ =	sdelay $0x4  }
0x22b: {  	[tilespmem:s2+$0xE458] =	vst.add.f32.msk $0xffff, v0  }
0x22c: {  	v0 =	vld [tilespmem:s0+$0xE468];
	_ =	sdelay $0x4  }
0x22d: {  	[tilespmem:s2+$0xE468] =	vst.add.f32.msk $0xffff, v0  }
0x22e: {  	v0 =	vld [tilespmem:s0+$0xE478];
	_ =	sdelay $0x4  }
0x22f: {  	[tilespmem:s2+$0xE478] =	vst.add.f32.msk $0xffff, v0  }
0x230: {  	v0 =	vld [tilespmem:s0+$0xE488];
	_ =	sdelay $0x4  }
0x231: {  	[tilespmem:s2+$0xE488] =	vst.add.f32.msk $0xffff, v0  }
0x232: {  	v0 =	vld [tilespmem:s0+$0xE498];
	_ =	sdelay $0x4  }
0x233: {  	[tilespmem:s2+$0xE498] =	vst.add.f32.msk $0xffff, v0  }
0x234: {  	v0 =	vld [tilespmem:s0+$0xE4A8];
	_ =	sdelay $0x4  }
0x235: {  	[tilespmem:s2+$0xE4A8] =	vst.add.f32.msk $0xffff, v0  }
0x236: {  	v0 =	vld [tilespmem:s0+$0xE4B8];
	_ =	sdelay $0x4  }
0x237: {  	[tilespmem:s2+$0xE4B8] =	vst.add.f32.msk $0xffff, v0  }
0x238: {  	v0 =	vld [tilespmem:s0+$0xE4C8];
	_ =	sdelay $0x4  }
0x239: {  	[tilespmem:s2+$0xE4C8] =	vst.add.f32.msk $0xffff, v0  }
0x23a: {  	v0 =	vld [tilespmem:s0+$0xE4D8];
	_ =	sdelay $0x4  }
0x23b: {  	[tilespmem:s2+$0xE4D8] =	vst.add.f32.msk $0xffff, v0  }
0x23c: {  	v0 =	vld [tilespmem:s0+$0xE4E8];
	_ =	sdelay $0x4  }
0x23d: {  	[tilespmem:s2+$0xE4E8] =	vst.add.f32.msk $0xffff, v0  }
0x23e: {  	v0 =	vld [tilespmem:s0+$0xE4F8];
	_ =	sdelay $0x4  }
0x23f: {  	[tilespmem:s2+$0xE4F8] =	vst.add.f32.msk $0xffff, v0  }
0x240: {  	v0 =	vld [tilespmem:s0+$0xE508];
	_ =	sdelay $0x4  }
0x241: {  	[tilespmem:s2+$0xE508] =	vst.add.f32.msk $0xffff, v0  }
0x242: {  	v0 =	vld [tilespmem:s0+$0xE518];
	_ =	sdelay $0x4  }
0x243: {  	[tilespmem:s2+$0xE518] =	vst.add.f32.msk $0xffff, v0  }
0x244: {  	v0 =	vld [tilespmem:s0+$0xE528]  }
.Ltmp32:
0x245: {  	_ = 	snop;
	(pc) =	sbr.rel .LBB2_39-.Ltmp32, $2  }
0x246: {  	_ =	sdelay $0x2  }
0x247: {  	[tilespmem:s2+$0xE528] =	vst.add.f32.msk $0xffff, v0  }
.LBB2_40:
0x248: {  	s0 =	simm.s32 $0x6;
	p1 =	seq.s32 s6, $0x0  }
0x249: {  	[sflag:s0] =	ssyncpa.u1 $0x1;
	v0 =	vimm.s32 @p1 $0xFFFFFFFF  }
0x24a: {  	s0 =	sadd.s32 $0xFFFFFFFF, s6;
	[tilespmem:$0x10438] =	vst @p1 v0  }
0x24b: {  	v0 =	vld.msk @!p1 [tilespmem:s0+$0xE418], $0x1;
	_ =	sdelay $0x1  }
0x24c: {  	v1 =	vld.msk @!p1 [tilespmem:$0xE418], $0x1;
	_ =	sdelay $0x2  }
0x24d: {  	p2 =	seq.s32 @!p1 s0, $0x0;
	v0 =	vbroadcast @!p1 v0, $0x0  }
0x24e: {  	vm0 =	vmmov @!p1 $0x1;
	p2 =	por !p2, p1  }
0x24f: {  	v1 =	vnsel @!p1 vm0, $0xFFFFFFFF, v1;
	vm0 =	vcmask @!p1 $0x308;
	v0 =	vpsel !p2, $0xFFFFFFFF, v0  }
0x250: {  	p2 =	sne.s32 @!p1 s8, s7;
	v0 =	vsel @!p1 vm0, v1, v0  }
0x251: {  	s2 =	simm.s32 @!p1 $0xE438;
	s3 =	simm.s32 @!p1 $0x0;
	p3 =	por !p2, p1;
	[tilespmem:$0x10438] =	vst @!p1 v0  }
0x252: {  	[spmem:s3] =	stream.linear.scatter @!p1 [tilespmem:s2], [sflag:$0x1], $0x100, $0x38;
	[tilespmem:$0x1E678] =	vst v63  }
0x253: {  	s2 =	sshll.u32 @!p3 s0, $0xA  }
0x254: {  	s2 =	sshra.s32 @!p3 s2, $0x2  }
0x255: {  	s3 =	simm.s32 @!p3 $0x100;
	s2 =	sadd.s32 @!p3 $0xE438, s2  }
0x256: {  	[spmem:s3] =	stream.linear.scatter @!p3 [tilespmem:s2], [sflag:$0x1], $0x100, $0x38;
	[tilespmem:$0x1E678] =	vst v63  }
0x257: {  	s2 =	simm.s32 @!p3 $0x1  }
0x258: {  	_ =	swait.ge @!p3 [sflag:s2], $0x200  }
0x259: {  	p1 =	por p2, p1;
	[sflag:s2] =	ssyncset.done @!p3 $0x0  }
0x25a: {  	[sflag:s2] =	ssyncadd.s32 @!p3 $0xFFFFFE00;
	s2 =	simm.s32 @!p1 $0x1  }
0x25b: {  	_ =	swait.ge @!p1 [sflag:s2], $0x100  }
0x25c: {  	s29 =	simm.s32 $0x10438;
	[sflag:s2] =	ssyncset.done @!p1 $0x0  }
0x25d: {  	s30 =	simm.s32 $0x2000;
	s31 =	simm.s32 $0x1;
	[sflag:s2] =	ssyncadd.s32 @!p1 $0xFFFFFF00  }
0x25e: {  	[spmem:s30] =	stream.linear.scatter [tilespmem:s29], [sflag:$0x1], $0x10, $0x38;
	[tilespmem:$0x1E678] =	vst v63  }
0x25f: {  	_ =	swait.ge [sflag:s31], $0x10  }
0x260: {  	[sflag:s31] =	ssyncset.done $0x0  }
0x261: {  	p1 =	seq.s32 s14, $0x0;
	s9 =	rddreg [dreg:$0x1];
	[sflag:s31] =	ssyncadd.s32 $0xFFFFFFF0  }
0x262: {  	s3 =	sshll.u32 @p1 s9, $0xE;
	s8 =	rddreg [dreg:$0x2]  }
0x263: {  	s2 =	sadd.s32 @p1 $0x15C3C, s3;
	s3 =	sshll.u32 @p1 s8, $0x11  }
0x264: {  	_ =	sfence.stream.spmem;
	s2 =	sor.u32 @p1 s3, s2  }
0x265: {  	[sflag:s2] =	ssyncadd.remote.s32 @p1 $0x1;
	s2 =	simm.s32 @p1 $0x4  }
0x266: {  	s4 =	simm.s32 @!p1 $0x3C;
	s3 =	sand.u32 $0xFFFFFFFE, s9;
	_ =	swait.ge @p1 [sflag:s2], $0x42  }
0x267: {  	s5 =	simm.s32 @!p1 $0x0;
	s3 =	sadd.s32 @!p1 $0x4, s3;
	[sflag:s2] =	ssyncset.done @p1 $0x0  }
0x268: {  	s7 =	simm.s32 @!p1 $0x200;
	[sflag:s2] =	ssyncadd.s32 @p1 $0xFFFFFFBE;
	s2 =	sshll.u32 @!p1 s3, $0x1A  }
0x269: {  	s3 =	sshll.u32 @!p1 s3, $0xD;
	s2 =	sor.u32 @!p1 s2, s8;
	_ =	swait.eq @!p1 [sflag:s4], $0x1  }
0x26a: {  	s3 =	sor.u32 @!p1 $0x1C04, s3;
	s4 =	simm.s32 @!p1 $0x1C03;
	s2 =	sor.u32 @!p1 $0x80004000, s2  }
0x26b: {  	[spmem:s7], [sflag:s3] =	dma.general @!p1 [spmem:s5], [sflag:s4], length:$0x40, [dreg:$0x0], stride_count:$0x0, ici_dest:s2, dma_misc:DstOpCode:WRITE  }
0x26c: {  	p2 =	slt.s32 s0, $0x2;
	s5 =	simm.s32 @!p1 $0x400;
	s7 =	simm.s32 @!p1 $0x402  }
0x26d: {  	[spmem:s7], [sflag:s3] =	dma.general @!p1 [spmem:s5], [sflag:s4], length:$0x2, [dreg:$0x0], stride_count:$0x0, ici_dest:s2, dma_misc:DstOpCode:WRITE  }
.Ltmp33:
0x26e: {  	s2 =	simm.s32 @!p1 $0x3;
	(pc) =	sbr.rel @p2 .LBB2_44-.Ltmp33, $4  }
0x26f: {  	s3 =	sshll.u32 @!p1 s9, $0xE;
	_ =	swait.ge @!p1 [sflag:s2], $0x42  }
0x270: {  	s4 =	sshll.u32 @!p1 s8, $0x11;
	s3 =	sadd.s32 @!p1 $0x11C3C, s3;
	[sflag:s2] =	ssyncset.done @!p1 $0x0  }
0x271: {  	[sflag:s2] =	ssyncadd.s32 @!p1 $0xFFFFFFBE;
	s2 =	sor.u32 @!p1 s4, s3  }
0x272: {  	s0 =	simm.s32 $0x0;
	[sflag:s2] =	ssyncadd.remote.s32 @!p1 $0xFFFFFFFF  }
0x273: {  	s0 =	simm.s32 $0xE419  }
0x274: {  	v0 =	vld.msk [tilespmem:s0+$0x0], $0x1;
	_ =	sdelay $0x4  }
0x275: {  	(v2sf) =	vpush v0, $0x0;
	_ =	sdelay $0xd  }
0x276: {  	s31 =	sadd.s32 $0xFFFFFFFE, s6  }
0x277: {  	s6 =	simm.s32 $0x0;
	s0 =	sadd.s32 $0xFFFFFFFF, s31;
	s2 =	spop (v2sf)  }
0x278: {  	s3 =	simm.s32 $0xE538;
	p1 =	sne.s32 s0, $0x0;
	p2 =	sgt.u32 s2, $0x4E170  }
.Ltmp34:
0x279: {  	s4 =	simm.s32 $0xE638;
	s5 =	sand.u32 @!p2 $0x7FFF8, s2;
	(pc) =	sbr.rel @!p1 .LBB2_43-.Ltmp34, $4  }
0x27a: {  	s7 =	sadd.s32 @!p2 $0x80, s2;
	s2 =	sand.u32 @!p2 $0x7, s2;
	s6 =	simm.s32 @!p2 $0x400  }
0x27b: {  	s5 =	sadd.s32 @!p2 s1, s5;
	s7 =	sand.u32 @!p2 $0xFFFF8, s7;
	s6 =	sadd.s32 $0x0, s6  }
0x27c: {  	[hbm4b:s5+s2] =	stream.linear.scatter @!p2 [tilespmem:s3], [sflag:$0x5], $0x80, $0x38;
	[tilespmem:$0x1E678] =	vst v63  }
0x27d: {  	s5 =	simm.s32 $0xE41A;
	s3 =	simm.s32 @!p2 $0xE5B8;
	s7 =	sadd.s32 @!p2 s1, s7  }
.LBB2_42:
0x27e: {  	[hbm4b:s7+s2] =	stream.linear.scatter @!p2 [tilespmem:s3], [sflag:$0x5], $0x80, $0x38;
	[tilespmem:$0x1E678] =	vst v63  }
0x27f: {  	s0 =	sadd.s32 $0xFFFFFFFF, s0;
	s3 =	smov.u32 s4;
	v0 =	vld.msk [tilespmem:s5+$0x0], $0x1  }
0x280: {  	p1 =	sne.s32 s0, $0x0;
	_ =	sdelay $0x3  }
0x281: {  	(v2sf) =	vpush v0, $0x0;
	_ =	sdelay $0xe  }
0x282: {  	s4 =	sadd.s32 $0x100, s4;
	s8 =	simm.s32 $0x0;
	s2 =	spop (v2sf)  }
.Ltmp35:
0x283: {  	s5 =	sadd.s32 $0x1, s5;
	p2 =	sgt.u32 s2, $0x4E170;
	(pc) =	sbr.rel @p1 .LBB2_42-.Ltmp35, $4  }
0x284: {  	s8 =	simm.s32 @!p2 $0x400;
	s7 =	sand.u32 @!p2 $0x7FFF8, s2;
	s9 =	sadd.s32 @!p2 $0x80, s2  }
0x285: {  	s2 =	sand.u32 @!p2 $0x7, s2;
	s7 =	sadd.s32 @!p2 s1, s7;
	s9 =	sand.u32 @!p2 $0xFFFF8, s9  }
0x286: {  	[hbm4b:s7+s2] =	stream.linear.scatter @!p2 [tilespmem:s3], [sflag:$0x5], $0x80, $0x38;
	[tilespmem:$0x1E678] =	vst v63  }
0x287: {  	s6 =	sadd.s32 s6, s8;
	s3 =	sadd.s32 @!p2 $0x80, s3;
	s7 =	sadd.s32 @!p2 s1, s9  }
.LBB2_43:
0x288: {  	[hbm4b:s7+s2] =	stream.linear.scatter @!p2 [tilespmem:s3], [sflag:$0x5], $0x80, $0x38;
	[tilespmem:$0x1E678] =	vst v63  }
0x289: {  	s0 =	sshrl.u32 s6, $0x2  }
.LBB2_44:
0x28a: {  	s2 =	simm.s32 $0x5  }
0x28b: {  	_ =	swait.ge [sflag:s2], s0  }
0x28c: {  	s31 =	ssub.s32 $0x0, s0;
	[sflag:s2] =	ssyncset.done $0x0  }
0x28d: {  	[sflag:s2] =	ssyncadd.s32 s31  }
0x28e: {  	[sflag:s2] =	ssyncpa.u1 $0x1  }
.LBB2_45:
0x28f: {  	s0 =	sor.u32 s14, s15  }
0x290: {  	p1 =	sne.s32 s0, $0x0  }
.Ltmp36:
0x291: {  	_ = 	snop;
	(pc) =	sbr.rel @p1 .LBB2_60-.Ltmp36, $3  }
0x292: {  	_ =	sdelay $0x1  }
0x293: {  	[bflag:$0x0] =	sbarrier.arrive $0xFFFF  }
0x294: {  	_ =	sfence  }
0x295: {  	s0 =	simm.s32 $0x7  }
0x296: {  	s2 =	simm.s32 $0x2000;
	s3 =	simm.s32 $0xE418;
	[sflag:s0] =	ssyncpa.u1 $0x0  }
0x297: {  	[tilespmem:s3], [sflag:$0x7] =	stream.linear.gather [spmem:s2], $0x20, $0x38;
	[tilespmem:$0x1E678] =	vst v63  }
0x298: {  	s30 =	simm.s32 $0xE438;
	s2 =	simm.s32 $0x0  }
0x299: {  	[tilespmem:s30], [sflag:$0x7] =	stream.linear.gather [spmem:s2], $0x2000, $0x38;
	[tilespmem:$0x1E678] =	vst v63  }
.Ltmp37:
0x29a: {  	_ = 	snop;
	(pc) =	sbr.rel .LBB2_47-.Ltmp37, $4  }
0x29b: {  	_ =	swait.ge [sflag:s0], $0x2020  }
0x29c: {  	[sflag:s0] =	ssyncset.done $0x0  }
0x29d: {  	s31 =	simm.s32 $0x8;
	[sflag:s0] =	ssyncadd.s32 $0xFFFFDFE0  }
0x29e: {  	s3 =	simm.s32 $0x0;
	[sflag:s31] =	ssyncpa.u1 $0x0  }
.LBB2_53:
0x29f: {  	p1 =	slt.u32 s0, $0x4E171  }
0x2a0: {  	s4 =	sand.u32 @p1 $0x7FFF8, s0;
	s5 =	sand.u32 @p1 $0x7, s0;
	s0 =	sadd.s32 @p1 $0x80, s0  }
0x2a1: {  	s6 =	simm.s32 @p1 $0xE308;
	s4 =	sadd.s32 @p1 s1, s4;
	s0 =	sand.u32 @p1 $0xFFFF8, s0  }
0x2a2: {  	[tilespmem:s6], [sflag:$0x8] =	stream.linear.gather @p1 [hbm4b:s4+s5], $0x80, $0x38;
	[tilespmem:$0x1E678] =	vst v63  }
0x2a3: {  	s0 =	sadd.s32 @p1 s1, s0;
	s4 =	simm.s32 @p1 $0xE388  }
0x2a4: {  	[tilespmem:s4], [sflag:$0x8] =	stream.linear.gather @p1 [hbm4b:s0+s5], $0x80, $0x38;
	[tilespmem:$0x1E678] =	vst v63  }
0x2a5: {  	s0 =	simm.s32 @p1 $0x8  }
0x2a6: {  	_ =	swait.ge @p1 [sflag:s0], $0x100  }
0x2a7: {  	[sflag:s0] =	ssyncset.done @p1 $0x0  }
0x2a8: {  	[sflag:s0] =	ssyncadd.s32 @p1 $0xFFFFFF00  }
0x2a9: {  	v1 =	vld @p1 [tilespmem:$0xE308];
	_ =	sdelay $0x2  }
0x2aa: {  	s0 =	sshll.u32 @p1 s3, $0xA  }
0x2ab: {  	s4 =	sshrl.u32 @p1 s0, $0x2  }
0x2ac: {  	[tilespmem:s4+$0xE438] =	vst.add.f32.msk @p1 $0xffff, v1  }
0x2ad: {  	v1 =	vld @p1 [tilespmem:$0xE318];
	_ =	sdelay $0x4  }
0x2ae: {  	[tilespmem:s4+$0xE448] =	vst.add.f32.msk @p1 $0xffff, v1  }
0x2af: {  	v1 =	vld @p1 [tilespmem:$0xE328];
	_ =	sdelay $0x4  }
0x2b0: {  	[tilespmem:s4+$0xE458] =	vst.add.f32.msk @p1 $0xffff, v1  }
0x2b1: {  	v1 =	vld @p1 [tilespmem:$0xE338];
	_ =	sdelay $0x4  }
0x2b2: {  	[tilespmem:s4+$0xE468] =	vst.add.f32.msk @p1 $0xffff, v1  }
0x2b3: {  	v1 =	vld @p1 [tilespmem:$0xE348];
	_ =	sdelay $0x4  }
0x2b4: {  	[tilespmem:s4+$0xE478] =	vst.add.f32.msk @p1 $0xffff, v1  }
0x2b5: {  	v1 =	vld @p1 [tilespmem:$0xE358];
	_ =	sdelay $0x4  }
0x2b6: {  	[tilespmem:s4+$0xE488] =	vst.add.f32.msk @p1 $0xffff, v1  }
0x2b7: {  	v1 =	vld @p1 [tilespmem:$0xE368];
	_ =	sdelay $0x4  }
0x2b8: {  	[tilespmem:s4+$0xE498] =	vst.add.f32.msk @p1 $0xffff, v1  }
0x2b9: {  	v1 =	vld @p1 [tilespmem:$0xE378];
	_ =	sdelay $0x4  }
0x2ba: {  	[tilespmem:s4+$0xE4A8] =	vst.add.f32.msk @p1 $0xffff, v1  }
0x2bb: {  	v1 =	vld @p1 [tilespmem:$0xE388];
	_ =	sdelay $0x4  }
0x2bc: {  	[tilespmem:s4+$0xE4B8] =	vst.add.f32.msk @p1 $0xffff, v1  }
0x2bd: {  	v1 =	vld @p1 [tilespmem:$0xE398];
	_ =	sdelay $0x4  }
0x2be: {  	[tilespmem:s4+$0xE4C8] =	vst.add.f32.msk @p1 $0xffff, v1  }
0x2bf: {  	v1 =	vld @p1 [tilespmem:$0xE3A8];
	_ =	sdelay $0x4  }
0x2c0: {  	[tilespmem:s4+$0xE4D8] =	vst.add.f32.msk @p1 $0xffff, v1  }
0x2c1: {  	v1 =	vld @p1 [tilespmem:$0xE3B8];
	_ =	sdelay $0x4  }
0x2c2: {  	[tilespmem:s4+$0xE4E8] =	vst.add.f32.msk @p1 $0xffff, v1  }
0x2c3: {  	v1 =	vld @p1 [tilespmem:$0xE3C8];
	_ =	sdelay $0x4  }
0x2c4: {  	[tilespmem:s4+$0xE4F8] =	vst.add.f32.msk @p1 $0xffff, v1  }
0x2c5: {  	v1 =	vld @p1 [tilespmem:$0xE3D8];
	_ =	sdelay $0x4  }
0x2c6: {  	[tilespmem:s4+$0xE508] =	vst.add.f32.msk @p1 $0xffff, v1  }
0x2c7: {  	v1 =	vld @p1 [tilespmem:$0xE3E8];
	_ =	sdelay $0x4  }
0x2c8: {  	[tilespmem:s4+$0xE518] =	vst.add.f32.msk @p1 $0xffff, v1  }
0x2c9: {  	v1 =	vld @p1 [tilespmem:$0xE3F8];
	_ =	sdelay $0x3  }
0x2ca: {  	s5 =	sshll.u32 @!p1 s3, $0xA  }
0x2cb: {  	s5 =	smov.u32 @p1 s0;
	[tilespmem:s4+$0xE528] =	vst.add.f32.msk @p1 $0xffff, v1  }
0x2cc: {  	s0 =	sshrl.u32 s5, $0x2;
	[tilespmem:s2+$0xE418] =	vst.msk $0x1, v0  }
0x2cd: {  	v0 =	vld [tilespmem:s0+$0xE438];
	_ =	sdelay $0x2  }
0x2ce: {  	s31 =	sshll.u32 s2, $0xA  }
0x2cf: {  	s4 =	sshra.s32 s31, $0x2  }
0x2d0: {  	[tilespmem:s4+$0xE438] =	vst v0  }
0x2d1: {  	v0 =	vld [tilespmem:s0+$0xE448];
	_ =	sdelay $0x4  }
0x2d2: {  	[tilespmem:s4+$0xE448] =	vst v0  }
0x2d3: {  	v0 =	vld [tilespmem:s0+$0xE458];
	_ =	sdelay $0x4  }
0x2d4: {  	[tilespmem:s4+$0xE458] =	vst v0  }
0x2d5: {  	v0 =	vld [tilespmem:s0+$0xE468];
	_ =	sdelay $0x4  }
0x2d6: {  	[tilespmem:s4+$0xE468] =	vst v0  }
0x2d7: {  	v0 =	vld [tilespmem:s0+$0xE478];
	_ =	sdelay $0x4  }
0x2d8: {  	[tilespmem:s4+$0xE478] =	vst v0  }
0x2d9: {  	v0 =	vld [tilespmem:s0+$0xE488];
	_ =	sdelay $0x4  }
0x2da: {  	[tilespmem:s4+$0xE488] =	vst v0  }
0x2db: {  	v0 =	vld [tilespmem:s0+$0xE498];
	_ =	sdelay $0x4  }
0x2dc: {  	[tilespmem:s4+$0xE498] =	vst v0  }
0x2dd: {  	v0 =	vld [tilespmem:s0+$0xE4A8];
	_ =	sdelay $0x4  }
0x2de: {  	[tilespmem:s4+$0xE4A8] =	vst v0  }
0x2df: {  	v0 =	vld [tilespmem:s0+$0xE4B8];
	_ =	sdelay $0x4  }
0x2e0: {  	[tilespmem:s4+$0xE4B8] =	vst v0  }
0x2e1: {  	v0 =	vld [tilespmem:s0+$0xE4C8];
	_ =	sdelay $0x4  }
0x2e2: {  	[tilespmem:s4+$0xE4C8] =	vst v0  }
0x2e3: {  	v0 =	vld [tilespmem:s0+$0xE4D8];
	_ =	sdelay $0x4  }
0x2e4: {  	[tilespmem:s4+$0xE4D8] =	vst v0  }
0x2e5: {  	v0 =	vld [tilespmem:s0+$0xE4E8];
	_ =	sdelay $0x4  }
0x2e6: {  	[tilespmem:s4+$0xE4E8] =	vst v0  }
0x2e7: {  	v0 =	vld [tilespmem:s0+$0xE4F8];
	_ =	sdelay $0x4  }
0x2e8: {  	[tilespmem:s4+$0xE4F8] =	vst v0  }
0x2e9: {  	v0 =	vld [tilespmem:s0+$0xE508];
	_ =	sdelay $0x4  }
0x2ea: {  	[tilespmem:s4+$0xE508] =	vst v0  }
0x2eb: {  	v0 =	vld [tilespmem:s0+$0xE518];
	_ =	sdelay $0x4  }
0x2ec: {  	[tilespmem:s4+$0xE518] =	vst v0  }
0x2ed: {  	v0 =	vld [tilespmem:s0+$0xE528];
	_ =	sdelay $0x4  }
0x2ee: {  	s2 =	sadd.s32 $0x1, s2;
	[tilespmem:s4+$0xE528] =	vst v0  }
.LBB2_54:
0x2ef: {  	s3 =	sadd.s32 $0x1, s3  }
0x2f0: {  	p1 =	sne.s32 s3, $0x20  }
.Ltmp38:
0x2f1: {  	_ = 	snop;
	(pc) =	sbr.rel @!p1 .LBB2_55-.Ltmp38, $1  }
0x2f2: {  	_ =	sdelay $0x3  }
.LBB2_47:
0x2f3: {  	v0 =	vld.msk [tilespmem:s3+$0xE418], $0x1;
	_ =	sdelay $0x4  }
0x2f4: {  	(v2sf) =	vpush v0, $0x0;
	_ =	sdelay $0xe  }
0x2f5: {  	s0 =	spop (v2sf)  }
0x2f6: {  	p1 =	seq.s32 s0, $0xFFFFFFFF  }
.Ltmp39:
0x2f7: {  	_ = 	snop;
	(pc) =	sbr.rel @p1 .LBB2_54-.Ltmp39, $1  }
0x2f8: {  	_ =	sdelay $0x3  }
0x2f9: {  	p1 =	slt.s32 s2, $0x1  }
.Ltmp40:
0x2fa: {  	_ = 	snop;
	(pc) =	sbr.rel @p1 .LBB2_53-.Ltmp40, $1  }
0x2fb: {  	_ =	sdelay $0x3  }
0x2fc: {  	s4 =	simm.s32 $0xE418;
	p1 =	por $0x0, $0x0  }
0x2fd: {  	v1 =	vld.msk @!p1 [tilespmem:s4+$0x0], $0x1;
	_ =	sdelay $0x4  }
0x2fe: {  	(v2sf) =	vpush @!p1 v1, $0x0;
	_ =	sdelay $0xd  }
0x2ff: {  	p3 =	sne.s32 s2, $0x1  }
.Ltmp41:
0x300: {  	s5 =	spop @!p1 (v2sf);
	(pc) =	sbr.rel @!p3 .LBB2_51-.Ltmp41, $4  }
0x301: {  	p2 =	seq.s32 @!p1 s0, s5  }
0x302: {  	s5 =	simm.s32 $0x0;
	p2 =	por !p2, p1  }
0x303: {  	s7 =	simm.s32 $0xFFFFFFFF;
	s5 =	simm.s32 @p2 $0xFFFFFFFF  }
0x304: {  	s6 =	simm.s32 $0x1;
	s5 =	smov.u32 @p1 s7  }
.LBB2_50:
0x305: {  	s7 =	smov.u32 s5;
	p1 =	sne.s32 s5, $0xFFFFFFFF  }
0x306: {  	s4 =	sadd.s32 $0x1, s4;
	s5 =	smov.u32 s6;
	s6 =	sadd.s32 $0x1, s6  }
0x307: {  	p2 =	sne.s32 s2, s6;
	v1 =	vld.msk @!p1 [tilespmem:s4+$0x0], $0x1;
	_ =	sdelay $0x4  }
0x308: {  	(v2sf) =	vpush @!p1 v1, $0x0;
	_ =	sdelay $0xe  }
.Ltmp42:
0x309: {  	s8 =	spop @!p1 (v2sf);
	(pc) =	sbr.rel @p2 .LBB2_50-.Ltmp42, $4  }
0x30a: {  	p3 =	seq.s32 @!p1 s0, s8  }
0x30b: {  	p3 =	por !p3, p1  }
0x30c: {  	s5 =	simm.s32 @p3 $0xFFFFFFFF  }
0x30d: {  	s5 =	smov.u32 @p1 s7  }
.LBB2_51:
0x30e: {  	p1 =	seq.s32 s5, $0xFFFFFFFF  }
.Ltmp43:
0x30f: {  	_ = 	snop;
	(pc) =	sbr.rel @p1 .LBB2_53-.Ltmp43, $1  }
0x310: {  	_ =	sdelay $0x3  }
0x311: {  	s0 =	sshll.u32 s3, $0x8  }
0x312: {  	s0 =	sand.u32 $0x3FFFFF00, s0  }
0x313: {  	v0 =	vld [tilespmem:s0+$0xE438];
	_ =	sdelay $0x2  }
0x314: {  	s4 =	sshll.u32 s5, $0xA  }
0x315: {  	s4 =	sshra.s32 s4, $0x2  }
0x316: {  	[tilespmem:s4+$0xE438] =	vst.add.f32.msk $0xffff, v0  }
0x317: {  	v0 =	vld [tilespmem:s0+$0xE448];
	_ =	sdelay $0x4  }
0x318: {  	[tilespmem:s4+$0xE448] =	vst.add.f32.msk $0xffff, v0  }
0x319: {  	v0 =	vld [tilespmem:s0+$0xE458];
	_ =	sdelay $0x4  }
0x31a: {  	[tilespmem:s4+$0xE458] =	vst.add.f32.msk $0xffff, v0  }
0x31b: {  	v0 =	vld [tilespmem:s0+$0xE468];
	_ =	sdelay $0x4  }
0x31c: {  	[tilespmem:s4+$0xE468] =	vst.add.f32.msk $0xffff, v0  }
0x31d: {  	v0 =	vld [tilespmem:s0+$0xE478];
	_ =	sdelay $0x4  }
0x31e: {  	[tilespmem:s4+$0xE478] =	vst.add.f32.msk $0xffff, v0  }
0x31f: {  	v0 =	vld [tilespmem:s0+$0xE488];
	_ =	sdelay $0x4  }
0x320: {  	[tilespmem:s4+$0xE488] =	vst.add.f32.msk $0xffff, v0  }
0x321: {  	v0 =	vld [tilespmem:s0+$0xE498];
	_ =	sdelay $0x4  }
0x322: {  	[tilespmem:s4+$0xE498] =	vst.add.f32.msk $0xffff, v0  }
0x323: {  	v0 =	vld [tilespmem:s0+$0xE4A8];
	_ =	sdelay $0x4  }
0x324: {  	[tilespmem:s4+$0xE4A8] =	vst.add.f32.msk $0xffff, v0  }
0x325: {  	v0 =	vld [tilespmem:s0+$0xE4B8];
	_ =	sdelay $0x4  }
0x326: {  	[tilespmem:s4+$0xE4B8] =	vst.add.f32.msk $0xffff, v0  }
0x327: {  	v0 =	vld [tilespmem:s0+$0xE4C8];
	_ =	sdelay $0x4  }
0x328: {  	[tilespmem:s4+$0xE4C8] =	vst.add.f32.msk $0xffff, v0  }
0x329: {  	v0 =	vld [tilespmem:s0+$0xE4D8];
	_ =	sdelay $0x4  }
0x32a: {  	[tilespmem:s4+$0xE4D8] =	vst.add.f32.msk $0xffff, v0  }
0x32b: {  	v0 =	vld [tilespmem:s0+$0xE4E8];
	_ =	sdelay $0x4  }
0x32c: {  	[tilespmem:s4+$0xE4E8] =	vst.add.f32.msk $0xffff, v0  }
0x32d: {  	v0 =	vld [tilespmem:s0+$0xE4F8];
	_ =	sdelay $0x4  }
0x32e: {  	[tilespmem:s4+$0xE4F8] =	vst.add.f32.msk $0xffff, v0  }
0x32f: {  	v0 =	vld [tilespmem:s0+$0xE508];
	_ =	sdelay $0x4  }
0x330: {  	[tilespmem:s4+$0xE508] =	vst.add.f32.msk $0xffff, v0  }
0x331: {  	v0 =	vld [tilespmem:s0+$0xE518];
	_ =	sdelay $0x4  }
0x332: {  	[tilespmem:s4+$0xE518] =	vst.add.f32.msk $0xffff, v0  }
0x333: {  	v0 =	vld [tilespmem:s0+$0xE528]  }
.Ltmp44:
0x334: {  	_ = 	snop;
	(pc) =	sbr.rel .LBB2_54-.Ltmp44, $2  }
0x335: {  	_ =	sdelay $0x2  }
0x336: {  	[tilespmem:s4+$0xE528] =	vst.add.f32.msk $0xffff, v0  }
.LBB2_55:
0x337: {  	p1 =	slt.s32 s2, $0x1  }
.Ltmp45:
0x338: {  	_ = 	snop;
	(pc) =	sbr.rel @p1 .LBB2_59-.Ltmp45, $3  }
0x339: {  	_ =	sdelay $0x1  }
0x33a: {  	s0 =	simm.s32 $0x8  }
0x33b: {  	s4 =	simm.s32 $0x0;
	[sflag:s0] =	ssyncpa.u1 $0x1  }
0x33c: {  	s0 =	simm.s32 $0xE418  }
0x33d: {  	v0 =	vld.msk [tilespmem:s0+$0x0], $0x1;
	_ =	sdelay $0x4  }
0x33e: {  	(v2sf) =	vpush v0, $0x0;
	_ =	sdelay $0xe  }
0x33f: {  	s0 =	sadd.s32 $0xFFFFFFFF, s2;
	s3 =	spop (v2sf)  }
0x340: {  	s6 =	simm.s32 $0xE438;
	p1 =	sne.s32 s0, $0x0;
	p2 =	sgt.u32 s3, $0x4E170  }
.Ltmp46:
0x341: {  	s2 =	simm.s32 $0xE538;
	s5 =	sand.u32 @!p2 $0x7FFF8, s3;
	(pc) =	sbr.rel @!p1 .LBB2_58-.Ltmp46, $4  }
0x342: {  	s7 =	sadd.s32 @!p2 $0x80, s3;
	s4 =	simm.s32 @!p2 $0x400;
	s8 =	sadd.s32 @!p2 s1, s5  }
0x343: {  	s5 =	sand.u32 @!p2 $0x7, s3;
	s3 =	simm.s32 $0xE419;
	s7 =	sand.u32 @!p2 $0xFFFF8, s7  }
0x344: {  	[hbm4b:s8+s5] =	stream.linear.scatter @!p2 [tilespmem:s6], [sflag:$0x7], $0x80, $0x38;
	[tilespmem:$0x1E678] =	vst v63  }
0x345: {  	s4 =	sadd.s32 $0x0, s4;
	s6 =	simm.s32 @!p2 $0xE4B8;
	s7 =	sadd.s32 @!p2 s1, s7  }
.LBB2_57:
0x346: {  	[hbm4b:s7+s5] =	stream.linear.scatter @!p2 [tilespmem:s6], [sflag:$0x7], $0x80, $0x38;
	[tilespmem:$0x1E678] =	vst v63  }
0x347: {  	s0 =	sadd.s32 $0xFFFFFFFF, s0;
	s6 =	smov.u32 s2;
	v0 =	vld.msk [tilespmem:s3+$0x0], $0x1  }
0x348: {  	p1 =	sne.s32 s0, $0x0;
	_ =	sdelay $0x3  }
0x349: {  	(v2sf) =	vpush v0, $0x0;
	_ =	sdelay $0xe  }
0x34a: {  	s2 =	sadd.s32 $0x100, s2;
	s8 =	simm.s32 $0x0;
	s5 =	spop (v2sf)  }
.Ltmp47:
0x34b: {  	s3 =	sadd.s32 $0x1, s3;
	p2 =	sgt.u32 s5, $0x4E170;
	(pc) =	sbr.rel @p1 .LBB2_57-.Ltmp47, $4  }
0x34c: {  	s8 =	simm.s32 @!p2 $0x400;
	s7 =	sand.u32 @!p2 $0x7FFF8, s5;
	s9 =	sadd.s32 @!p2 $0x80, s5  }
0x34d: {  	s5 =	sand.u32 @!p2 $0x7, s5;
	s7 =	sadd.s32 @!p2 s1, s7;
	s9 =	sand.u32 @!p2 $0xFFFF8, s9  }
0x34e: {  	[hbm4b:s7+s5] =	stream.linear.scatter @!p2 [tilespmem:s6], [sflag:$0x7], $0x80, $0x38;
	[tilespmem:$0x1E678] =	vst v63  }
0x34f: {  	s4 =	sadd.s32 s4, s8;
	s6 =	sadd.s32 @!p2 $0x80, s6;
	s7 =	sadd.s32 @!p2 s1, s9  }
.LBB2_58:
0x350: {  	[hbm4b:s7+s5] =	stream.linear.scatter @!p2 [tilespmem:s6], [sflag:$0x7], $0x80, $0x38;
	[tilespmem:$0x1E678] =	vst v63  }
0x351: {  	s4 =	sshrl.u32 s4, $0x2  }
.LBB2_59:
0x352: {  	s0 =	simm.s32 $0x7  }
0x353: {  	_ =	swait.ge [sflag:s0], s4  }
0x354: {  	s1 =	ssub.s32 $0x0, s4;
	[sflag:s0] =	ssyncset.done $0x0  }
0x355: {  	[sflag:s0] =	ssyncadd.s32 s1  }
0x356: {  	[sflag:s0] =	ssyncpa.u1 $0x1  }
.LBB2_60:
0x357: {  	_ =	sfence;
	s0 =	simm.s32 $0x1  }
0x358: {  	[sflag:s0] =	ssyncpa.u1 $0x1  }
0x359: {  	_ =	strace $0x9000004A  }
0x35a: {  	[bflag:$0x2] =	sbarrier.arrive $0xFFFF  }
0x35b: {  	s0 =	rddreg [dreg:$0x3]  }
0x35c: {  	s0 =	sadd.s32 @!p0 $0x100000, s0  }
0x35d: {  	[sflag:s0] =	ssyncadd.tile.s32 @!p0 $0x1;
	_ =	shalt  }
.Lfunc_end2:
_tile_overlayer_lowered:
.L_overlay_start_2:
0x35e: {  	(tag) =	ssettag $0x2  }
0x35f: {  	s0 =	rddreg [dreg:$0x0];
	s2 =	stileid.u32  }
0x360: {  	s1 =	rddreg [dreg:$0x1];
	p0 =	sne.s32 s2, $0x0  }
0x361: {  	s3 =	rddreg [dreg:$0x2];
	[bflag:$0x3] =	sbarrier.arrive $0xFFFF;
	s2 =	simm.s32 @!p0 $0x1C01  }
0x362: {  	[timem:s3], [sflag:s2] =	dma.local @!p0 [hbm:s0], s1  }
0x363: {  	s0 =	simm.s32 @!p0 $0x1  }
0x364: {  	_ =	swait.ge @!p0 [sflag:s0], s1  }
0x365: {  	s1 =	ssub.s32 @!p0 $0x0, s1;
	[sflag:s0] =	ssyncset.done @!p0 $0x0  }
0x366: {  	[sflag:s0] =	ssyncadd.s32 @!p0 s1  }
0x367: {  	[bflag:$0x3] =	sbarrier.arrive $0xFFFF  }
0x368: {  	_ =	shalt  }

// kernel: scatter_offload_async_start.2
scs
__scs_entry_jumppad:
0x0: {  	(pc) =	sbr.rel $0x88, $3  }
0x1: {  	(tag) =	ssettag $0x0;
	lr =	simm.s32 $0x1  }
0x2: {  	[smem:$0x3F89] =	sst lr;
	_ =	strace $0xD0000000  }
0x3: {  	_ = 	snop  }
0x4: {  	_ = 	snop  }
0x5: {  	_ = 	snop  }
0x6: {  	_ = 	snop  }
0x7: {  	_ = 	snop  }
__scs_overlays_trampoline_lowered:
0x8: {  	[smem:$0x3F98] =	sst s0  }
0x9: {  	[smem:$0x3F99] =	sst s1  }
0xa: {  	[smem:$0x3F9A] =	sst s2  }
0xb: {  	[smem:$0x3F9B] =	sst s3  }
0xc: {  	[smem:$0x3F9C] =	sst s4  }
0xd: {  	[smem:$0x3F9D] =	sst s5  }
0xe: {  	[smem:$0x3F9E] =	sst s6  }
0xf: {  	[smem:$0x3F9F] =	sst s7  }
0x10: {  	[smem:$0x3FA0] =	sst s8  }
0x11: {  	[smem:$0x3FA1] =	sst s9;
	s0 =	simm.s32 @!p0 $0x0  }
0x12: {  	s1 =	sld [smem:$0x3F87];
	s0 =	simm.s32 @p0 $0x1  }
0x13: {  	[smem:$0x3FA2] =	sst s0;
	s0 =	simm.s32 @!p1 $0x0  }
0x14: {  	s2 =	sld [smem:$0x3F86];
	s0 =	simm.s32 @p1 $0x1  }
0x15: {  	[smem:$0x3FA3] =	sst s0;
	s0 =	simm.s32 @!p2 $0x0  }
0x16: {  	s3 =	sld [smem:$0x3FDB];
	s0 =	simm.s32 @p2 $0x1  }
0x17: {  	s4 =	simm.s32 $0x1BF5;
	[smem:$0x3FA5] =	sst s0  }
0x18: {  	s0 =	sld [smem:$0x3F88];
	_ =	swait.ge [sflag:s4], $0x0  }
0x19: {  	s7 =	sld [smem:$0x3F89]  }
0x1a: {  	s8 =	sadd.s32 $0xFFFFE003, lr  }
0x1b: {  	s9 =	sadd.s32 $0xFFFFFEF7, lr;
	s5 =	simm.s32 $0xFFFFFFFF;
	p2 =	slt.u32 s8, $0xFFFFF086  }
0x1c: {  	p1 =	slt.u32 s9, $0xF7A;
	s5 =	simm.s32 @!p2 $0x0  }
0x1d: {  	s5 =	simm.s32 @p1 $0x1;
	p0 =	seq.s32 s7, s2  }
0x1e: {  	s7 =	smul.u32 @!p0 $0xF7A, s2;
	p2 =	seq.s32 @!p0 s5, $0x0  }
0x1f: {  	s9 =	smul.u32 $0xF7A, s1;
	s8 =	simm.s32 @!p0 $0x1BF5;
	p2 =	por !p2, p0  }
0x20: {  	[sflag:s8] =	ssyncset.s32 @!p0 $0xFFFFF086;
	s6 =	sadd.s32 @!p0 s3, s7;
	s7 =	simm.s32 @!p0 $0x108  }
0x21: {  	s3 =	sadd.s32 s3, s9;
	s6 =	sadd.s32 @!p0 $0x88, s6;
	s7 =	simm.s32 @p2 $0x1082  }
0x22: {  	[simem:s7], [sflag:s8] =	dma.local @!p0 [hbm:s6], $0xF7A  }
0x23: {  	s9 =	sor.u32 $0xD0000000, s2;
	s6 =	simm.s32 $0x108;
	_ =	swait.ge @!p0 [sflag:s8], $0x0  }
0x24: {  	s3 =	sadd.s32 $0x88, s3;
	s6 =	simm.s32 @!p1 $0x1082;
	[sflag:s4] =	ssyncset.s32 $0xFFFFF086  }
0x25: {  	[simem:s6], [sflag:s4] =	dma.local [hbm:s3], $0xF7A  }
0x26: {  	[smem:$0x3F89] =	sst s1;
	(tag) =	ssettag s2;
	_ =	strace s9  }
0x27: {  	s1 =	sld [smem:$0x3F99]  }
0x28: {  	s2 =	sld [smem:$0x3F9A]  }
0x29: {  	s4 =	sld [smem:$0x3F9C]  }
0x2a: {  	p0 =	seq.s32 s5, $0x0;
	s5 =	sld [smem:$0x3F9D]  }
0x2b: {  	s6 =	sld [smem:$0x3F9E]  }
0x2c: {  	s7 =	sld [smem:$0x3F9F]  }
0x2d: {  	s3 =	simm.s32 $0x108;
	s8 =	sld [smem:$0x3FA0]  }
0x2e: {  	s3 =	simm.s32 @!p0 $0x1082;
	s9 =	sld [smem:$0x3FA1]  }
0x2f: {  	lr =	sadd.s32 s0, s3;
	s0 =	sld [smem:$0x3F98]  }
0x30: {  	s3 =	sld [smem:$0x3F9B]  }
0x31: {  	[smem:$0x3FA4] =	sst s10  }
0x32: {  	s10 =	sld [smem:$0x3FA2];
	_ =	sdelay $0x3  }
0x33: {  	p0 =	seq.s32 s10, $0x1;
	s10 =	sld [smem:$0x3FA4];
	_ =	sdelay $0x3  }
0x34: {  	[smem:$0x3FA4] =	sst s10  }
0x35: {  	s10 =	sld [smem:$0x3FA3];
	_ =	sdelay $0x3  }
0x36: {  	p1 =	seq.s32 s10, $0x1;
	s10 =	sld [smem:$0x3FA4];
	_ =	sdelay $0x3  }
0x37: {  	[smem:$0x3FA4] =	sst s10  }
0x38: {  	s10 =	sld [smem:$0x3FA5]  }
0x39: {  	_ = 	snop;
	(pc) =	sbr.ind lr, $3  }
0x3a: {  	_ = 	snop  }
0x3b: {  	_ = 	snop  }
0x3c: {  	p2 =	seq.s32 s10, $0x1;
	s10 =	sld [smem:$0x3FA4]  }
0x3d: {  	_ =	shalt  }
0x3e: {  	_ =	shalt  }
0x3f: {  	_ =	shalt  }
0x40: {  	_ =	shalt  }
0x41: {  	_ =	shalt  }
0x42: {  	_ =	shalt  }
0x43: {  	_ =	shalt  }
0x44: {  	_ =	shalt  }
0x45: {  	_ =	shalt  }
0x46: {  	_ =	shalt  }
0x47: {  	_ =	shalt  }
0x48: {  	_ =	shalt  }
0x49: {  	_ =	shalt  }
0x4a: {  	_ =	shalt  }
0x4b: {  	_ =	shalt  }
0x4c: {  	_ =	shalt  }
0x4d: {  	_ =	shalt  }
0x4e: {  	_ =	shalt  }
0x4f: {  	_ =	shalt  }
0x50: {  	_ =	shalt  }
0x51: {  	_ =	shalt  }
0x52: {  	_ =	shalt  }
0x53: {  	_ =	shalt  }
0x54: {  	_ =	shalt  }
0x55: {  	_ =	shalt  }
0x56: {  	_ =	shalt  }
0x57: {  	_ =	shalt  }
0x58: {  	_ =	shalt  }
0x59: {  	_ =	shalt  }
0x5a: {  	_ =	shalt  }
0x5b: {  	_ =	shalt  }
0x5c: {  	_ =	shalt  }
0x5d: {  	_ =	shalt  }
0x5e: {  	_ =	shalt  }
0x5f: {  	_ =	shalt  }
0x60: {  	_ =	shalt  }
0x61: {  	_ =	shalt  }
0x62: {  	_ =	shalt  }
0x63: {  	_ =	shalt  }
0x64: {  	_ =	shalt  }
0x65: {  	_ =	shalt  }
0x66: {  	_ =	shalt  }
0x67: {  	_ =	shalt  }
0x68: {  	_ =	shalt  }
0x69: {  	_ =	shalt  }
0x6a: {  	_ =	shalt  }
0x6b: {  	_ =	shalt  }
0x6c: {  	_ =	shalt  }
0x6d: {  	_ =	shalt  }
0x6e: {  	_ =	shalt  }
0x6f: {  	_ =	shalt  }
0x70: {  	_ =	shalt  }
0x71: {  	_ =	shalt  }
0x72: {  	_ =	shalt  }
0x73: {  	_ =	shalt  }
0x74: {  	_ =	shalt  }
0x75: {  	_ =	shalt  }
0x76: {  	_ =	shalt  }
0x77: {  	_ =	shalt  }
0x78: {  	_ =	shalt  }
0x79: {  	_ =	shalt  }
0x7a: {  	_ =	shalt  }
0x7b: {  	_ =	shalt  }
0x7c: {  	_ =	shalt  }
0x7d: {  	_ =	shalt  }
0x7e: {  	_ =	shalt  }
0x7f: {  	_ =	shalt  }
0x80: {  	_ =	shalt  }
0x81: {  	_ =	shalt  }
0x82: {  	_ =	shalt  }
0x83: {  	_ =	shalt  }
0x84: {  	_ =	shalt  }
0x85: {  	_ =	shalt  }
0x86: {  	_ =	shalt  }
0x87: {  	_ =	shalt  }
.Lfunc_end0:
.L_simem_size_0:
called_computation.2_lowered:
.L_overlay_start_0:
0x88: {  	s2 =	sld [smem:$0x3FD9]  }
0x89: {  	s3 =	sld [smem:$0x3FFE];
	_ =	sdelay $0x1  }
0x8a: {  	s1 =	srdreg.scid  }
0x8b: {  	s0 =	sand.u32 $0x1, s1  }
0x8c: {  	s15 =	sshll.u32 s0, $0xA;
	s2 =	sadd.s32 s3, s2  }
0x8d: {  	s2 =	sadd.s32 s2, s15  }
0x8e: {  	[smem:$0x3FB0] =	sst s2  }
0x8f: {  	_ = 	snop  }
0x90: {  	(tm) =	ssettm $0x1  }
0x91: {  	s16 =	sld [smem:$0x3FFB];
	_ =	sdelay $0x3  }
0x92: {  	_ =	strace s16  }
0x93: {  	s2 =	sld [smem:$0x3FFC];
	_ =	sdelay $0x3  }
0x94: {  	_ =	strace s2  }
0x95: {  	s2 =	sld [smem:$0x3FFD];
	_ =	sdelay $0x3  }
0x96: {  	_ =	strace s2  }
0x97: {  	_ =	strace $0x8FFFFFFF  }
0x98: {  	s17 =	sld [smem:$0x3FDB];
	_ =	sdelay $0x1  }
0x99: {  	s18 =	simm.s32 $_scs_section_size  }
0x9a: {  	s4 =	simm.s32 $_size__tile_overlayer_lowered;
	s5 =	simm.s32 $_tile_overlayer_lowered  }
0x9b: {  	s21 =	simm.s32 $0x1BFF;
	s20 =	sshll.u32 s5, $0x1;
	s2 =	sadd.s32 s18, s17  }
0x9c: {  	s6 =	simm.s32 $0x0;
	s19 =	sshll.u32 s4, $0x1;
	s4 =	sadd.s32 s20, s2  }
0x9d: {  	[timem:s6], [sflag:s21] =	dma.local [hbm:s4], s19  }
0x9e: {  	_ =	swait.ge [sflag:s21], s19  }
0x9f: {  	s3 =	ssub.s32 $0x0, s19;
	[sflag:s21] =	ssyncset.done $0x0  }
0xa0: {  	[sflag:s21] =	ssyncadd.s32 s3;
	_ =	sdelay $0x1  }
0xa1: {  	s22 =	simm.s32 $0x1B8B  }
0xa2: {  	_ =	swait.ge [sflag:s22], $0x1  }
0xa3: {  	[sflag:s22] =	ssyncset.done $0x0  }
0xa4: {  	s23 =	sld [smem:$0x3FFE];
	[sflag:s22] =	ssyncadd.s32 $0xFFFFFFFF  }
0xa5: {  	s25 =	simm.s32 $0x1B8E;
	s24 =	sld [smem:$0x0]  }
0xa6: {  	s26 =	simm.s32 $execute0_lowered;
	[smem:$0x3FD2] =	sst s25  }
0xa7: {  	s5 =	sshll.u32 s26, $0x1;
	_ =	strace $0x8000004C;
	[dreg:$0x1] =	wrdreg $0xFFFFFFFF  }
0xa8: {  	s28 =	simm.s32 $_size_execute0_lowered;
	s2 =	sadd.s32 s2, s5;
	[dreg:$0x0] =	wrdreg $0x0  }
0xa9: {  	s5 =	sshll.u32 s28, $0x1;
	[dreg:$0x2] =	wrdreg s2  }
0xaa: {  	[dreg:$0x3] =	wrdreg s5  }
0xab: {  	[dreg:$0x4] =	wrdreg $0xC0  }
0xac: {  	_ =	task [dreg:s6], $0x5FFFF  }
0xad: {  	[dreg:$0x1] =	wrdreg $0xFFFFFFFF  }
0xae: {  	[dreg:$0x0] =	wrdreg $0x60  }
0xaf: {  	[dreg:$0x2] =	wrdreg s23  }
0xb0: {  	[dreg:$0x3] =	wrdreg s1  }
0xb1: {  	[dreg:$0x4] =	wrdreg s24  }
0xb2: {  	[dreg:$0x5] =	wrdreg $0x9  }
0xb3: {  	_ =	task.clear_ibuf [dreg:s6], $0x6FFFF;
	_ =	strace $0x9000004C  }
0xb4: {  	s29 =	simm.s32 $0x9;
	_ =	strace $0x8000004E  }
0xb5: {  	_ =	swait.ge [sflag:s29], $0x1  }
0xb6: {  	[sflag:s29] =	ssyncadd.s32 $0xFFFFFFFF  }
0xb7: {  	_ =	strace $0x9000004E  }
0xb8: {  	_ =	sfence  }
0xb9: {  	s30 =	sld [smem:$0x0];
	_ =	sdelay $0x2  }
0xba: {  	s31 =	sshll.u32 s1, $0xD;
	s1 =	sshrl.u32 s1, $0x2  }
0xbb: {  	s3 =	sand.u32 $0x4000, s31;
	s1 =	sadd.s32 s1, s30  }
0xbc: {  	s0 =	sor.u32 s3, s0;
	s1 =	sshll.u32 s1, $0x11  }
0xbd: {  	s0 =	sor.u32 s1, s0  }
0xbe: {  	s0 =	sadd.s32 $0x8F2B, s0  }
0xbf: {  	[sflag:s0] =	ssyncadd.remote.s32 $0x1  }
0xc0: {  	_ =	sfence.sel $0xFFFF  }
0xc1: {  	[dreg:$0x0] =	wrdreg $0xFFFFFFFF;
	(pc) =	sbr.abs _section_cstart, $3  }
0xc2: {  	[dreg:$0x1] =	wrdreg $0xFFFFFFFF  }
0xc3: {  	_ =	task.clear_ibuf [dreg:s6], $0x2FFFF;
	_ =	strace $0x9FFFFFFF  }
0xc4: {  	(tm) =	ssettm $0x7FFFFFFF  }
0xc5: {  	_ =	shalt  }
tec
execute0_lowered:
.L_overlay_start_1:
0x0: {  	(tag) =	ssettag $0x1  }
0x1: {  	s0 =	rddreg [dreg:$0x0]  }
0x2: {  	s2 =	rddreg [dreg:$0x1];
	_ =	strace $0x8000004D;
	s1 =	simm.s32 $0x1  }
0x3: {  	s5 =	simm.s32 $0x208;
	v0 =	vimm.s32 $0x0;
	[sflag:s1] =	ssyncpa.u1 $0x0  }
0x4: {  	[tilespmem:s5+$0x70] =	vst v0  }
0x5: {  	[tilespmem:s5+$0x60] =	vst v0  }
0x6: {  	[tilespmem:s5+$0x50] =	vst v0  }
0x7: {  	[tilespmem:s5+$0x40] =	vst v0  }
0x8: {  	[tilespmem:s5+$0x30] =	vst v0  }
0x9: {  	s1 =	sadd.s32 $0x13C00, s0;
	s6 =	sadd.s32 $0x526C00, s0;
	[tilespmem:s5+$0x20] =	vst v0  }
0xa: {  	s4 =	sadd.s32 $0x51CE00, s0;
	s10 =	sand.u32 $0x1, s2;
	s2 =	simm.s32 $0x40;
	[tilespmem:s5+$0x10] =	vst v0  }
.LBB2_1:
0xb: {  	s2 =	sadd.s32 $0x40, s2;
	[tilespmem:s5+$0x0] =	vst v0;
	s5 =	sadd.s32 $0x80, s5  }
0xc: {  	p0 =	slt.u32 s2, $0x3880;
	[tilespmem:s5+$0x70] =	vst v0  }
0xd: {  	[tilespmem:s5+$0x60] =	vst v0  }
.Ltmp0:
0xe: {  	[tilespmem:s5+$0x50] =	vst v0;
	(pc) =	sbr.rel @p0 .LBB2_1-.Ltmp0, $4  }
0xf: {  	[tilespmem:s5+$0x40] =	vst v0  }
0x10: {  	[tilespmem:s5+$0x30] =	vst v0  }
0x11: {  	[tilespmem:s5+$0x20] =	vst v0  }
0x12: {  	[tilespmem:s5+$0x10] =	vst v0  }
0x13: {  	s11 =	stileid.u32  }
0x14: {  	s2 =	smul.u32 $0x59, s11  }
0x15: {  	s3 =	smin.u32 s11, $0x5  }
0x16: {  	s2 =	sadd.s32 s3, s2  }
0x17: {  	p0 =	slt.u32 s11, $0x5;
	s20 =	smul.u32 $0x70, s2;
	s2 =	simm.s32 $0x2760  }
0x18: {  	s2 =	simm.s32 @!p0 $0x26F0  }
0x19: {  	s2 =	sadd.s32 s2, s20  }
0x1a: {  	s8 =	smin.u32 s2, $0x27100  }
0x1b: {  	s26 =	simm.s32 $0x2;
	s2 =	ssub.s32 s8, s20  }
0x1c: {  	s9 =	simm.s32 $0x9;
	s29 =	simm.s32 $0xA;
	p0 =	sgt.s32 s2, $0x0  }
0x1d: {  	s30 =	simm.s32 $0xB;
	s31 =	smul.u32 $0x4E20, s10;
	s2 =	simm.s32 @!p0 $0x0  }
0x1e: {  	[dreg:$0x4] =	wrdreg s10;
	s12 =	simm.s32 $0x1;
	s25 =	smulhi.u32 $0x92492493, s2  }
0x1f: {  	s24 =	simm.s32 $0x0;
	p1 =	por $0x0, $0x0;
	s18 =	simm.s32 $0x80  }
0x20: {  	s19 =	simm.s32 $0x400;
	s17 =	simm.s32 $0xC;
	s3 =	sshrl.u32 s25, $0x6  }
0x21: {  	s21 =	simm.s32 $0x0;
	s23 =	simm.s32 $0x0;
	s28 =	smul.u32 $0x70, s3  }
.Ltmp1:
0x22: {  	[tilespmem:s5+$0x0] =	vst v0;
	v0 =	vimm.s32 $0xFFFFFFFF;
	[sflag:s26] =	ssyncpa.u1 $0x0;
	s16 =	sshll.u32 s11, $0x9;
	(pc) =	sbr.rel .LBB2_3-.Ltmp1, $4  }
0x23: {  	[tilespmem:$0xE408] =	vst v0;
	[sflag:s9] =	ssyncpa.u1 $0x0;
	p0 =	sne.s32 s2, s28;
	s2 =	simm.s32 $0x1  }
0x24: {  	s14 =	sadd.s32 s31, s4;
	[sflag:s29] =	ssyncpa.u1 $0x0;
	s2 =	simm.s32 @!p0 $0x0  }
0x25: {  	s15 =	sadd.s32 s31, s0;
	[sflag:s30] =	ssyncpa.u1 $0x0;
	s13 =	sadd.s32 s2, s3  }
0x26: {  	v0 =	vlaneseq.u32;
	s22 =	smov.u32 s20;
	p0 =	por $0x1, $0x1;
	s11 =	sadd.s32 $0x1, s13  }
.LBB2_24:
0x27: {  	s2 =	sshrl.u32 s4, $0x2  }
.LBB2_26:
0x28: {  	_ =	swait.ge [sflag:s17], s2  }
0x29: {  	s31 =	ssub.s32 $0x0, s2;
	v1 =	vmov s26;
	vm0 =	veq.s32 v0, $0x0;
	[sflag:s17] =	ssyncset.done $0x0  }
0x2a: {  	vm15 =	veq.s32 v0, $0x2;
	v1 =	vsel vm0, s0, v1;
	[sflag:s17] =	ssyncadd.s32 s31  }
0x2b: {  	v1 =	vsel vm15, s24, v1;
	[sflag:s17] =	ssyncpa.u1 $0x1  }
0x2c: {  	[tilespmem:$0xE408] =	vst v1  }
.LBB2_27:
0x2d: {  	s0 =	sadd.s32 $0x70, s22  }
0x2e: {  	s2 =	smov.u32 s20;
	p2 =	slt.s32 s0, s8  }
0x2f: {  	s2 =	smov.u32 @p2 s0;
	p2 =	sne.s32 s23, s11  }
.Ltmp2:
0x30: {  	_ = 	snop;
	(pc) =	sbr.rel @!p2 .LBB2_28-.Ltmp2, $4  }
0x31: {  	_ = 	snop  }
0x32: {  	s24 =	smov.u32 s21  }
0x33: {  	s31 =	sadd.s32 $0x1, s23;
	s21 =	smov.u32 s22;
	p0 =	por !p0, !p0  }
0x34: {  	p1 =	por !p1, !p1;
	s23 =	smov.u32 s31;
	s22 =	smov.u32 s2  }
.LBB2_3:
0x35: {  	p2 =	sge.u32 s23, s13  }
0x36: {  	s0 =	smulhi.u32 @!p2 $0xAAAAAAAB, s23  }
0x37: {  	s2 =	smov.u32 s22;
	p3 =	sgt.s32 @!p2 s22, $0x27090  }
0x38: {  	s3 =	sshra.s32 @!p2 s22, $0x1F;
	p3 =	por !p3, p2;
	s0 =	sshrl.u32 @!p2 s0, $0x1  }
0x39: {  	s3 =	sand.u32 @!p2 s3, s22;
	s2 =	simm.s32 @p3 $0x27090;
	s0 =	smul.u32 @!p2 $0x3, s0  }
0x3a: {  	s2 =	ssub.s32 @!p2 s2, s3  }
0x3b: {  	s2 =	sadd.s32 @!p2 $0xFFFD8F70, s2;
	s0 =	ssub.s32 @!p2 s23, s0  }
0x3c: {  	s3 =	sshll.u32 @!p2 s2, $0x2;
	p3 =	sgt.s32 @!p2 s2, $0x6F;
	s0 =	smul.u32 @!p2 $0x1C0, s0  }
0x3d: {  	s4 =	sand.u32 @!p2 $0x7, s22;
	s2 =	ssub.s32 @!p2 $0x1C0, s3;
	p3 =	por !p3, p2  }
0x3e: {  	s3 =	sshrl.u32 @!p2 s22, $0x3;
	s2 =	sshrl.u32 @!p2 s2, $0x2;
	s0 =	sshrl.u32 @!p2 s0, $0x2  }
0x3f: {  	s3 =	sadd.s32 @!p2 s3, s14;
	s2 =	simm.s32 @!p3 $0x0;
	s0 =	sadd.s32 @!p2 $0x10448, s0  }
0x40: {  	[tilespmem:s0], [sflag:$0xA] =	stream.linear.gather @!p2 [hbm4b:s3+s4], s2, $0x38;
	[tilespmem:$0x1E678] =	vst v63  }
0x41: {  	s2 =	sadd.s32 $0xFFFFFFFF, s23  }
0x42: {  	p2 =	sge.u32 s2, s13  }
0x43: {  	p3 =	sgt.s32 @!p2 s21, $0x27090  }
0x44: {  	s0 =	smov.u32 s21;
	s3 =	sshra.s32 @!p2 s21, $0x1F;
	p3 =	por !p3, p2  }
0x45: {  	s3 =	sand.u32 @!p2 s3, s21;
	s0 =	simm.s32 @p3 $0x27090  }
0x46: {  	s0 =	ssub.s32 @!p2 s0, s3  }
0x47: {  	s0 =	sadd.s32 @!p2 $0xFFFD8F70, s0  }
0x48: {  	s3 =	sshll.u32 @!p2 s0, $0x2  }
0x49: {  	p3 =	sgt.s32 @!p2 s0, $0x6F;
	s0 =	ssub.s32 @!p2 $0x1C0, s3  }
0x4a: {  	p3 =	por !p3, p2;
	s0 =	sshrl.u32 @!p2 s0, $0x2  }
0x4b: {  	s4 =	simm.s32 @!p2 $0xA;
	s3 =	sand.u32 @!p2 $0x1, s2;
	s0 =	simm.s32 @!p3 $0x0  }
0x4c: {  	s3 =	smul.u32 @!p2 $0x1C0, s3;
	_ =	swait.ge @!p2 [sflag:s4], s0  }
0x4d: {  	s5 =	ssub.s32 @!p2 $0x0, s0;
	[sflag:s4] =	ssyncset.done @!p2 $0x0  }
0x4e: {  	s3 =	sshrl.u32 @!p2 s3, $0x2;
	[sflag:s4] =	ssyncadd.s32 @!p2 s5;
	s4 =	sshrl.u32 @!p2 s21, $0x3  }
0x4f: {  	s3 =	sadd.s32 @!p2 $0x10598, s3;
	s5 =	sand.u32 @!p2 $0x7, s21;
	s4 =	sadd.s32 @!p2 s4, s15  }
0x50: {  	[tilespmem:s3], [sflag:$0xB] =	stream.linear.gather @!p2 [hbm4b:s4+s5], s0, $0x38;
	[tilespmem:$0x1E678] =	vst v63  }
0x51: {  	s0 =	ssub.s32 @!p2 $0x27100, s21  }
0x52: {  	p3 =	slt.s32 @!p2 s0, $0x1  }
0x53: {  	p3 =	por p2, p3  }
.Ltmp3:
0x54: {  	_ = 	snop;
	(pc) =	sbr.rel @p3 .LBB2_9-.Ltmp3, $1  }
0x55: {  	_ =	sdelay $0x3  }
0x56: {  	s3 =	smulhi.u32 $0xAAAAAAAB, s2;
	_ =	sdelay $0x1  }
0x57: {  	s3 =	sshrl.u32 s3, $0x1  }
0x58: {  	s3 =	smul.u32 $0x3, s3;
	_ =	sdelay $0x1  }
0x59: {  	s30 =	ssub.s32 s2, s3  }
0x5a: {  	s4 =	simm.s32 $0x1;
	s2 =	smul.u32 $0x1C0, s30  }
.Ltmp4:
0x5b: {  	s4 =	simm.s32 @!p0 $0x0;
	(pc) =	sbr.rel .LBB2_6-.Ltmp4, $4  }
0x5c: {  	s31 =	smul.u32 $0x1C000, s4  }
0x5d: {  	p3 =	slt.s32 @!p2 s0, $0x70;
	s2 =	sshrl.u32 s2, $0x2  }
0x5e: {  	p2 =	por !p3, p2;
	s3 =	sshrl.u32 s31, $0x2;
	s5 =	sadd.s32 $0x10448, s2  }
0x5f: {  	s0 =	simm.s32 @p2 $0x70;
	s4 =	sor.u32 $0x10678, s3;
	s2 =	simm.s32 $0x0;
	v1 =	vmov s5  }
.LBB2_5:
0x60: {  	p2 =	sge.s32 s2, s0  }
.Ltmp5:
0x61: {  	_ = 	snop;
	(pc) =	sbr.rel @p2 .LBB2_9-.Ltmp5, $2  }
0x62: {  	_ =	sdelay $0x2  }
0x63: {  	s4 =	sadd.s32 $0x1000, s4  }
.LBB2_6:
0x64: {  	p2 =	sle.s32 s0, s2  }
.Ltmp6:
0x65: {  	_ = 	snop;
	(pc) =	sbr.rel @p2 .LBB2_5-.Ltmp6, $2  }
0x66: {  	_ =	sdelay $0x2  }
0x67: {  	s5 =	smov.u32 s2;
	s2 =	sadd.s32 $0x10, s2  }
0x68: {  	s3 =	ssub.s32 s0, s5  }
0x69: {  	p2 =	slt.s32 s3, $0x10  }
0x6a: {  	s3 =	simm.s32 @!p2 $0x10  }
0x6b: {  	v2 =	vmov s3  }
0x6c: {  	vm0 =	vgt.s32 v2, v0;
	_ =	sdelay $0x5  }
0x6d: {  	v2 =	vld.idx.msk [tilespmem:v1+s5+$0x0 ss:$0x1], vm0;
	_ =	sdelay $0x2  }
0x6e: {  	p2 =	slt.s32 s2, s0;
	s3 =	smov.u32 s0  }
0x6f: {  	s9 =	smov.u32 s4;
	s25 =	simm.s32 $0x0;
	s3 =	smov.u32 @p2 s2  }
.LBB2_8:
0x70: {  	(v2sf) =	vpush v2, s25;
	_ =	sdelay $0xe  }
0x71: {  	s25 =	sadd.s32 $0x1, s25;
	s10 =	spop (v2sf)  }
0x72: {  	s31 =	sadd.s32 s25, s5;
	s26 =	sshll.u32 s10, $0x8;
	s10 =	sshll.u32 s10, $0x7  }
0x73: {  	p2 =	slt.s32 s31, s3;
	s26 =	sand.u32 $0xFFFFF800, s26;
	s10 =	sand.u32 $0x380, s10  }
.Ltmp7:
0x74: {  	s10 =	sor.u32 s10, s26;
	(pc) =	sbr.rel @p2 .LBB2_8-.Ltmp7, $4  }
0x75: {  	s10 =	sshrl.u32 s10, $0x3  }
0x76: {  	s10 =	sadd.s32 s6, s10  }
0x77: {  	[tilespmem:s9], [sflag:$0x9] =	stream.strided.gather [hbm4b:s10+s18], $0x100, s19, s18, $0x38;
	[tilespmem:$0x1E678] =	vst v63  }
0x78: {  	s9 =	sadd.s32 $0x100, s9  }
.Ltmp8:
0x79: {  	_ = 	snop;
	(pc) =	sbr.rel .LBB2_5-.Ltmp8, $1  }
0x7a: {  	_ =	sdelay $0x3  }
.LBB2_9:
0x7b: {  	p2 =	slt.u32 s23, $0x2  }
.Ltmp9:
0x7c: {  	_ = 	snop;
	(pc) =	sbr.rel @p2 .LBB2_27-.Ltmp9, $1  }
0x7d: {  	_ =	sdelay $0x3  }
0x7e: {  	p2 =	sgt.s32 s24, $0x27090  }
0x7f: {  	s0 =	smov.u32 s24;
	s2 =	sshra.s32 s24, $0x1F;
	s3 =	ssub.s32 $0x27100, s24  }
0x80: {  	s0 =	simm.s32 @!p2 $0x27090;
	s2 =	sand.u32 s2, s24;
	p2 =	slt.s32 s3, $0x70  }
0x81: {  	s0 =	ssub.s32 s0, s2;
	s3 =	simm.s32 @!p2 $0x70  }
0x82: {  	s0 =	sadd.s32 $0xFFFD8F70, s0;
	s9 =	sshll.u32 s3, $0x8  }
0x83: {  	s26 =	simm.s32 $0x9;
	s10 =	sshll.u32 s0, $0x2;
	s2 =	sand.u32 $0x3FFFFF00, s9  }
0x84: {  	p2 =	sgt.s32 s0, $0x6F;
	s25 =	ssub.s32 $0x1C0, s10;
	_ =	swait.ge [sflag:s26], s2  }
0x85: {  	s2 =	ssub.s32 $0x0, s2;
	[sflag:s26] =	ssyncset.done $0x0;
	s0 =	sshrl.u32 s25, $0x2  }
0x86: {  	s29 =	simm.s32 $0xB;
	[sflag:s26] =	ssyncadd.s32 s2;
	s0 =	simm.s32 @p2 $0x0  }
0x87: {  	_ =	swait.ge [sflag:s29], s0  }
0x88: {  	s0 =	ssub.s32 $0x0, s0;
	[sflag:s29] =	ssyncset.done $0x0  }
0x89: {  	[sflag:s29] =	ssyncadd.s32 s0  }
0x8a: {  	v1 =	vld [tilespmem:$0xE408];
	_ =	sdelay $0x4  }
0x8b: {  	(v2sf) =	vpush v1, $0x0  }
0x8c: {  	(v2sf) =	vpush v1, $0x1  }
0x8d: {  	(v2sf) =	vpush v1, $0x2;
	_ =	sdelay $0x3  }
0x8e: {  	s0 =	sadd.s32 $0x70, s24  }
0x8f: {  	s2 =	ssub.s32 $0x4E200, s24;
	p2 =	slt.s32 s8, s0  }
0x90: {  	s0 =	smov.u32 @p2 s8;
	p2 =	sgt.s32 s2, $0x0  }
0x91: {  	s0 =	ssub.s32 s0, s24;
	s2 =	simm.s32 @!p2 $0x0  }
0x92: {  	p2 =	slt.s32 s2, s0  }
0x93: {  	s0 =	smov.u32 @p2 s2  }
0x94: {  	s4 =	simm.s32 $0x1;
	p2 =	slt.s32 s0, $0x1  }
.Ltmp10:
0x95: {  	s4 =	simm.s32 @!p1 $0x0;
	(pc) =	sbr.rel @p2 .LBB2_14-.Ltmp10, $4  }
0x96: {  	s30 =	smul.u32 $0x1C0, s4  }
0x97: {  	s5 =	spop (v2sf)  }
0x98: {  	s31 =	sshrl.u32 s30, $0x2;
	s28 =	spop (v2sf)  }
0x99: {  	s25 =	sadd.s32 $0x10598, s31;
	s24 =	spop (v2sf)  }
0x9a: {  	s2 =	smin.u32 s0, $0x10  }
0x9b: {  	v1 =	vmov s2  }
0x9c: {  	vm1 =	vgt.u32 v1, v0  }
0x9d: {  	p3 =	sgt.s32 s0, $0x10  }
.Ltmp11:
0x9e: {  	_ = 	snop;
	(pc) =	sbr.rel @!p3 .LBB2_13-.Ltmp11, $2  }
0x9f: {  	_ =	sdelay $0x2  }
0xa0: {  	s26 =	simm.s32 $0x10;
	s29 =	sadd.s32 $0xFFFFFFF0, s0;
	s2 =	smov.u32 s25;
	vm0 =	vmmov vm1;
	v1 =	vld.msk [tilespmem:s25+$0x0 ss:$0x1], vm1  }
.LBB2_12:
0xa1: {  	s3 =	smin.u32 s29, $0x10;
	s26 =	sadd.s32 $0x10, s26  }
0xa2: {  	v2 =	vmov s3;
	p3 =	slt.s32 s26, s0  }
0xa3: {  	vm1 =	vgt.u32 v2, v0;
	_ =	sdelay $0x1  }
0xa4: {  	v2 =	vshll.u32 v1, $0x5;
	v1 =	vshll.u32 v1, $0x4  }
.Ltmp12:
0xa5: {  	v2 =	vand.u32 $0xFFFFFF00, v2;
	v1 =	vand.u32 $0x70, v1;
	(pc) =	sbr.rel @p3 .LBB2_12-.Ltmp12, $4  }
0xa6: {  	v1 =	vor.u32 v1, v2  }
0xa7: {  	[tilespmem:s2+$0x0] =	vst.msk vm0, v1;
	s2 =	sadd.s32 $0x10, s2;
	vm0 =	vmmov vm1  }
0xa8: {  	v1 =	vld.msk [tilespmem:s2+$0x0 ss:$0x1], vm1  }
0xa9: {  	s29 =	sadd.s32 $0xFFFFFFF0, s29  }
.LBB2_13:
0xaa: {  	_ =	sdelay $0x3  }
0xab: {  	v2 =	vshll.u32 v1, $0x5;
	v1 =	vshll.u32 v1, $0x4  }
0xac: {  	v2 =	vand.u32 $0xFFFFFF00, v2;
	v1 =	vand.u32 $0x70, v1  }
0xad: {  	v1 =	vor.u32 v1, v2  }
0xae: {  	[tilespmem:s2+$0x0] =	vst.msk vm0, v1  }
.LBB2_14:
0xaf: {  	s2 =	sand.u32 $0x1, s23  }
0xb0: {  	s2 =	smul.u32 $0x70, s2  }
0xb1: {  	p3 =	sne.s32 s28, $0xFFFFFFFF  }
0xb2: {  	v1 =	vld.msk @!p3 [tilespmem:s2+$0x10598], $0x1;
	_ =	sdelay $0x4  }
0xb3: {  	(v2sf) =	vpush @!p3 v1, $0x0;
	_ =	sdelay $0xc  }
.Ltmp13:
0xb4: {  	_ = 	snop;
	(pc) =	sbr.rel @p2 .LBB2_25-.Ltmp13, $4  }
0xb5: {  	_ = 	snop  }
0xb6: {  	s31 =	spop @!p3 (v2sf)  }
0xb7: {  	s24 =	simm.s32 @!p3 $0x0;
	s26 =	smov.u32 s31  }
0xb8: {  	[sflag:s17] =	ssyncpa.u1 $0x0;
	s31 =	smov.u32 @p3 s5;
	s26 =	smov.u32 @p3 s28  }
0xb9: {  	v1 =	vld.msk [tilespmem:s25+$0x0], $0x1;
	_ =	sdelay $0x4  }
0xba: {  	(v2sf) =	vpush v1, $0x0;
	_ =	sdelay $0xe  }
0xbb: {  	s7 =	smov.u32 s11;
	s5 =	spop (v2sf)  }
0xbc: {  	s17 =	smov.u32 s15;
	s2 =	smul.u32 $0x1C000, s4;
	p2 =	seq.s32 s31, s5  }
0xbd: {  	s3 =	smov.u32 s31;
	s29 =	ssub.s32 $0x0, s0;
	p3 =	sgt.s32 @!p2 s31, $0x0  }
0xbe: {  	s30 =	simm.s32 $0x0;
	s2 =	sshrl.u32 s2, $0x2;
	p3 =	por !p3, p2  }
0xbf: {  	s0 =	sadd.s32 $0x1, s29;
	s28 =	sor.u32 $0x106F8, s2;
	s3 =	simm.s32 @p3 $0x0  }
0xc0: {  	s2 =	simm.s32 @!p2 $0x1;
	p3 =	seq.s32 s0, $0x0;
	s3 =	smin.u32 @!p2 s3, $0x4E170  }
.Ltmp14:
0xc1: {  	s4 =	simm.s32 @!p2 $0x7308;
	s9 =	sand.u32 @!p2 $0x7FFF8, s3;
	(pc) =	sbr.rel @p3 .LBB2_17-.Ltmp14, $4  }
0xc2: {  	s10 =	sadd.s32 @!p2 $0x80, s3;
	s11 =	sadd.s32 @!p2 s1, s9;
	s9 =	sand.u32 @!p2 $0x7, s3  }
0xc3: {  	[tilespmem:s4], [sflag:$0x2] =	stream.linear.gather @!p2 [hbm4b:s11+s9], $0x80, $0x38;
	[tilespmem:$0x1E678] =	vst v63  }
0xc4: {  	s15 =	smov.u32 s14;
	s2 =	smov.u32 @p2 s30;
	s4 =	sand.u32 @!p2 $0xFFFF8, s10  }
0xc5: {  	s3 =	simm.s32 @!p2 $0x7388;
	s10 =	sadd.s32 @!p2 s1, s4;
	s4 =	sadd.s32 $0x1, s25  }
.LBB2_16:
0xc6: {  	s11 =	smov.u32 s2  }
0xc7: {  	[tilespmem:s3], [sflag:$0x2] =	stream.linear.gather @!p2 [hbm4b:s10+s9], $0x80, $0x38;
	[tilespmem:$0x1E678] =	vst v63  }
0xc8: {  	s0 =	sadd.s32 $0x1, s0;
	s9 =	smov.u32 s5;
	v1 =	vld.msk [tilespmem:s4+$0x0], $0x1  }
0xc9: {  	p3 =	seq.s32 s0, $0x0;
	_ =	sdelay $0x3  }
0xca: {  	(v2sf) =	vpush v1, $0x0;
	_ =	sdelay $0xe  }
0xcb: {  	s5 =	spop (v2sf)  }
0xcc: {  	p2 =	seq.s32 s9, s5  }
0xcd: {  	p4 =	sgt.s32 @!p2 s9, $0x0;
	s3 =	sshll.u32 @!p2 s2, $0xA;
	s2 =	sadd.s32 @!p2 $0x1, s2  }
0xce: {  	p4 =	por !p4, p2;
	s3 =	sshra.s32 @!p2 s3, $0x2;
	s2 =	smov.u32 @p2 s11  }
0xcf: {  	s9 =	simm.s32 @p4 $0x0;
	s10 =	sadd.s32 @!p2 $0x7308, s3;
	s3 =	sadd.s32 @!p2 $0x7388, s3  }
.Ltmp15:
0xd0: {  	s9 =	smin.u32 @!p2 s9, $0x4E170;
	(pc) =	sbr.rel @!p3 .LBB2_16-.Ltmp15, $4  }
0xd1: {  	s11 =	sand.u32 @!p2 $0x7FFF8, s9;
	s14 =	sadd.s32 @!p2 $0x80, s9  }
0xd2: {  	s9 =	sand.u32 @!p2 $0x7, s9;
	s11 =	sadd.s32 @!p2 s1, s11;
	s14 =	sand.u32 @!p2 $0xFFFF8, s14  }
0xd3: {  	[tilespmem:s10], [sflag:$0x2] =	stream.linear.gather @!p2 [hbm4b:s11+s9], $0x80, $0x38;
	[tilespmem:$0x1E678] =	vst v63  }
0xd4: {  	s4 =	sadd.s32 $0x1, s4;
	s10 =	sadd.s32 @!p2 s1, s14  }
.LBB2_17:
0xd5: {  	[tilespmem:s3], [sflag:$0x2] =	stream.linear.gather @!p2 [hbm4b:s10+s9], $0x80, $0x38;
	[tilespmem:$0x1E678] =	vst v63  }
0xd6: {  	s0 =	sshll.u32 s2, $0x8  }
.Ltmp16:
0xd7: {  	s14 =	simm.s32 $0x2;
	s0 =	sand.u32 $0x3FFFFF00, s0;
	(pc) =	sbr.rel .LBB2_18-.Ltmp16, $4  }
0xd8: {  	_ =	swait.ge [sflag:s14], s0  }
0xd9: {  	s0 =	ssub.s32 $0x0, s0;
	[sflag:s14] =	ssyncset.done $0x0  }
0xda: {  	s4 =	simm.s32 $0x0;
	s11 =	smov.u32 s7;
	[sflag:s14] =	ssyncadd.s32 s0  }
0xdb: {  	s14 =	smov.u32 s15;
	s15 =	smov.u32 s17;
	s17 =	simm.s32 $0xC  }
.LBB2_19:
0xdc: {  	v1 =	vld [tilespmem:s28+$0xFFFFFF80];
	_ =	sdelay $0x4  }
0xdd: {  	[tilespmem:s5+$0x208] =	vst.add.f32.msk $0xffff, v1  }
0xde: {  	v1 =	vld [tilespmem:s28+$0xFFFFFF90];
	_ =	sdelay $0x4  }
0xdf: {  	[tilespmem:s5+$0x218] =	vst.add.f32.msk $0xffff, v1  }
0xe0: {  	v1 =	vld [tilespmem:s28+$0xFFFFFFA0];
	_ =	sdelay $0x4  }
0xe1: {  	[tilespmem:s5+$0x228] =	vst.add.f32.msk $0xffff, v1  }
0xe2: {  	v1 =	vld [tilespmem:s28+$0xFFFFFFB0];
	_ =	sdelay $0x4  }
0xe3: {  	[tilespmem:s5+$0x238] =	vst.add.f32.msk $0xffff, v1  }
0xe4: {  	v1 =	vld [tilespmem:s28+$0xFFFFFFC0];
	_ =	sdelay $0x4  }
0xe5: {  	[tilespmem:s5+$0x248] =	vst.add.f32.msk $0xffff, v1  }
0xe6: {  	v1 =	vld [tilespmem:s28+$0xFFFFFFD0];
	_ =	sdelay $0x4  }
0xe7: {  	[tilespmem:s5+$0x258] =	vst.add.f32.msk $0xffff, v1  }
0xe8: {  	v1 =	vld [tilespmem:s28+$0xFFFFFFE0];
	_ =	sdelay $0x4  }
0xe9: {  	[tilespmem:s5+$0x268] =	vst.add.f32.msk $0xffff, v1  }
0xea: {  	v1 =	vld [tilespmem:s28+$0xFFFFFFF0];
	_ =	sdelay $0x4  }
0xeb: {  	[tilespmem:s5+$0x278] =	vst.add.f32.msk $0xffff, v1  }
0xec: {  	v1 =	vld [tilespmem:s28+$0x0];
	_ =	sdelay $0x4  }
0xed: {  	[tilespmem:s5+$0x288] =	vst.add.f32.msk $0xffff, v1  }
0xee: {  	v1 =	vld [tilespmem:s28+$0x10];
	_ =	sdelay $0x4  }
0xef: {  	[tilespmem:s5+$0x298] =	vst.add.f32.msk $0xffff, v1  }
0xf0: {  	v1 =	vld [tilespmem:s28+$0x20];
	_ =	sdelay $0x4  }
0xf1: {  	[tilespmem:s5+$0x2A8] =	vst.add.f32.msk $0xffff, v1  }
0xf2: {  	v1 =	vld [tilespmem:s28+$0x30];
	_ =	sdelay $0x4  }
0xf3: {  	[tilespmem:s5+$0x2B8] =	vst.add.f32.msk $0xffff, v1  }
0xf4: {  	v1 =	vld [tilespmem:s28+$0x40];
	_ =	sdelay $0x4  }
0xf5: {  	[tilespmem:s5+$0x2C8] =	vst.add.f32.msk $0xffff, v1  }
0xf6: {  	v1 =	vld [tilespmem:s28+$0x50];
	_ =	sdelay $0x4  }
0xf7: {  	[tilespmem:s5+$0x2D8] =	vst.add.f32.msk $0xffff, v1  }
0xf8: {  	v1 =	vld [tilespmem:s28+$0x60];
	_ =	sdelay $0x4  }
0xf9: {  	[tilespmem:s5+$0x2E8] =	vst.add.f32.msk $0xffff, v1  }
0xfa: {  	v1 =	vld [tilespmem:s28+$0x70];
	_ =	sdelay $0x4  }
0xfb: {  	[tilespmem:s5+$0x2F8] =	vst.add.f32.msk $0xffff, v1  }
.LBB2_23:
0xfc: {  	s29 =	sadd.s32 $0x1, s29  }
0xfd: {  	p2 =	seq.s32 s29, $0x0  }
.Ltmp17:
0xfe: {  	_ = 	snop;
	(pc) =	sbr.rel @p2 .LBB2_24-.Ltmp17, $2  }
0xff: {  	_ =	sdelay $0x2  }
0x100: {  	s25 =	sadd.s32 $0x1, s25;
	s28 =	sadd.s32 $0x100, s28;
	s31 =	smov.u32 s0  }
.LBB2_18:
0x101: {  	v1 =	vld.msk [tilespmem:s25+$0x0], $0x1;
	_ =	sdelay $0x4  }
0x102: {  	(v2sf) =	vpush v1, $0x0;
	_ =	sdelay $0xe  }
0x103: {  	s0 =	spop (v2sf)  }
0x104: {  	p2 =	sne.s32 s31, s0  }
.Ltmp18:
0x105: {  	_ = 	snop;
	(pc) =	sbr.rel @!p2 .LBB2_19-.Ltmp18, $3  }
0x106: {  	_ =	sdelay $0x1  }
0x107: {  	s2 =	sshll.u32 s24, $0xA  }
0x108: {  	s5 =	sshra.s32 s2, $0x2  }
0x109: {  	p2 =	seq.s32 s31, s26  }
.Ltmp19:
0x10a: {  	_ = 	snop;
	(pc) =	sbr.rel @!p2 .LBB2_21-.Ltmp19, $1  }
0x10b: {  	_ =	sdelay $0x3  }
.Ltmp20:
0x10c: {  	s2 =	sadd.s32 $0x208, s5;
	(pc) =	sbr.rel .LBB2_22-.Ltmp20, $4  }
0x10d: {  	[spmem:s16] =	stream.linear.scatter [tilespmem:s2], [sflag:$0x1], $0x100, $0x38;
	[tilespmem:$0x1E678] =	vst v63  }
0x10e: {  	_ =	swait.ge [sflag:s12], $0x100  }
0x10f: {  	[sflag:s12] =	ssyncset.done $0x0  }
0x110: {  	[sflag:s12] =	ssyncadd.s32 $0xFFFFFF00  }
.LBB2_21:
0x111: {  	s2 =	sshll.u32 s30, $0xA  }
0x112: {  	s2 =	sshra.s32 s2, $0x2  }
0x113: {  	v1 =	vld [tilespmem:s2+$0x7308];
	_ =	sdelay $0x4  }
0x114: {  	[tilespmem:s5+$0x208] =	vst.add.f32.msk $0xffff, v1  }
0x115: {  	v1 =	vld [tilespmem:s2+$0x7318];
	_ =	sdelay $0x4  }
0x116: {  	[tilespmem:s5+$0x218] =	vst.add.f32.msk $0xffff, v1  }
0x117: {  	v1 =	vld [tilespmem:s2+$0x7328];
	_ =	sdelay $0x4  }
0x118: {  	[tilespmem:s5+$0x228] =	vst.add.f32.msk $0xffff, v1  }
0x119: {  	v1 =	vld [tilespmem:s2+$0x7338];
	_ =	sdelay $0x4  }
0x11a: {  	[tilespmem:s5+$0x238] =	vst.add.f32.msk $0xffff, v1  }
0x11b: {  	v1 =	vld [tilespmem:s2+$0x7348];
	_ =	sdelay $0x4  }
0x11c: {  	[tilespmem:s5+$0x248] =	vst.add.f32.msk $0xffff, v1  }
0x11d: {  	v1 =	vld [tilespmem:s2+$0x7358];
	_ =	sdelay $0x4  }
0x11e: {  	[tilespmem:s5+$0x258] =	vst.add.f32.msk $0xffff, v1  }
0x11f: {  	v1 =	vld [tilespmem:s2+$0x7368];
	_ =	sdelay $0x4  }
0x120: {  	[tilespmem:s5+$0x268] =	vst.add.f32.msk $0xffff, v1  }
0x121: {  	v1 =	vld [tilespmem:s2+$0x7378];
	_ =	sdelay $0x4  }
0x122: {  	[tilespmem:s5+$0x278] =	vst.add.f32.msk $0xffff, v1  }
0x123: {  	v1 =	vld [tilespmem:s2+$0x7388];
	_ =	sdelay $0x4  }
0x124: {  	[tilespmem:s5+$0x288] =	vst.add.f32.msk $0xffff, v1  }
0x125: {  	v1 =	vld [tilespmem:s2+$0x7398];
	_ =	sdelay $0x4  }
0x126: {  	[tilespmem:s5+$0x298] =	vst.add.f32.msk $0xffff, v1  }
0x127: {  	v1 =	vld [tilespmem:s2+$0x73A8];
	_ =	sdelay $0x4  }
0x128: {  	[tilespmem:s5+$0x2A8] =	vst.add.f32.msk $0xffff, v1  }
0x129: {  	v1 =	vld [tilespmem:s2+$0x73B8];
	_ =	sdelay $0x4  }
0x12a: {  	[tilespmem:s5+$0x2B8] =	vst.add.f32.msk $0xffff, v1  }
0x12b: {  	v1 =	vld [tilespmem:s2+$0x73C8];
	_ =	sdelay $0x4  }
0x12c: {  	[tilespmem:s5+$0x2C8] =	vst.add.f32.msk $0xffff, v1  }
0x12d: {  	v1 =	vld [tilespmem:s2+$0x73D8];
	_ =	sdelay $0x4  }
0x12e: {  	[tilespmem:s5+$0x2D8] =	vst.add.f32.msk $0xffff, v1  }
0x12f: {  	v1 =	vld [tilespmem:s2+$0x73E8];
	_ =	sdelay $0x4  }
0x130: {  	[tilespmem:s5+$0x2E8] =	vst.add.f32.msk $0xffff, v1  }
0x131: {  	v1 =	vld [tilespmem:s2+$0x73F8];
	_ =	sdelay $0x2  }
0x132: {  	p2 =	sgt.u32 s31, $0x4E170  }
0x133: {  	s2 =	sand.u32 @!p2 $0x7FFF8, s31  }
0x134: {  	s3 =	sadd.s32 $0x208, s5;
	s9 =	sand.u32 @!p2 $0x7, s31;
	s2 =	sadd.s32 @!p2 s1, s2;
	[tilespmem:s5+$0x2F8] =	vst.add.f32.msk $0xffff, v1  }
0x135: {  	[hbm4b:s2+s9] =	stream.linear.scatter @!p2 [tilespmem:s3], [sflag:$0xC], $0x80, $0x38;
	[tilespmem:$0x1E678] =	vst v63  }
0x136: {  	s2 =	sadd.s32 @!p2 $0x80, s31  }
0x137: {  	s2 =	sand.u32 @!p2 $0xFFFF8, s2  }
0x138: {  	s3 =	sadd.s32 $0x288, s5;
	s2 =	sadd.s32 @!p2 s1, s2  }
0x139: {  	[hbm4b:s2+s9] =	stream.linear.scatter @!p2 [tilespmem:s3], [sflag:$0xC], $0x80, $0x38;
	[tilespmem:$0x1E678] =	vst v63  }
0x13a: {  	s2 =	simm.s32 $0x0  }
0x13b: {  	s2 =	simm.s32 @!p2 $0x400  }
0x13c: {  	s4 =	sadd.s32 s2, s4  }
.LBB2_22:
0x13d: {  	s2 =	sadd.s32 $0x1, s24  }
0x13e: {  	s3 =	sshrl.u32 s2, $0x4  }
0x13f: {  	s3 =	smulhi.u32 $0x24924925, s3  }
0x140: {  	v1 =	vld [tilespmem:s28+$0xFFFFFF80]  }
0x141: {  	s3 =	smul.u32 $0x70, s3;
	_ =	sdelay $0x1  }
0x142: {  	s24 =	ssub.s32 s2, s3  }
0x143: {  	s2 =	sshll.u32 s24, $0x8  }
0x144: {  	[tilespmem:s2+$0x208] =	vst v1  }
0x145: {  	v1 =	vld [tilespmem:s28+$0xFFFFFF90];
	_ =	sdelay $0x4  }
0x146: {  	[tilespmem:s2+$0x218] =	vst v1  }
0x147: {  	v1 =	vld [tilespmem:s28+$0xFFFFFFA0];
	_ =	sdelay $0x4  }
0x148: {  	[tilespmem:s2+$0x228] =	vst v1  }
0x149: {  	v1 =	vld [tilespmem:s28+$0xFFFFFFB0];
	_ =	sdelay $0x4  }
0x14a: {  	[tilespmem:s2+$0x238] =	vst v1  }
0x14b: {  	v1 =	vld [tilespmem:s28+$0xFFFFFFC0];
	_ =	sdelay $0x4  }
0x14c: {  	[tilespmem:s2+$0x248] =	vst v1  }
0x14d: {  	v1 =	vld [tilespmem:s28+$0xFFFFFFD0];
	_ =	sdelay $0x4  }
0x14e: {  	[tilespmem:s2+$0x258] =	vst v1  }
0x14f: {  	v1 =	vld [tilespmem:s28+$0xFFFFFFE0];
	_ =	sdelay $0x4  }
0x150: {  	[tilespmem:s2+$0x268] =	vst v1  }
0x151: {  	v1 =	vld [tilespmem:s28+$0xFFFFFFF0];
	_ =	sdelay $0x4  }
0x152: {  	[tilespmem:s2+$0x278] =	vst v1  }
0x153: {  	v1 =	vld [tilespmem:s28+$0x0];
	_ =	sdelay $0x4  }
0x154: {  	[tilespmem:s2+$0x288] =	vst v1  }
0x155: {  	v1 =	vld [tilespmem:s28+$0x10];
	_ =	sdelay $0x4  }
0x156: {  	[tilespmem:s2+$0x298] =	vst v1  }
0x157: {  	v1 =	vld [tilespmem:s28+$0x20];
	_ =	sdelay $0x4  }
0x158: {  	[tilespmem:s2+$0x2A8] =	vst v1  }
0x159: {  	v1 =	vld [tilespmem:s28+$0x30];
	_ =	sdelay $0x4  }
0x15a: {  	[tilespmem:s2+$0x2B8] =	vst v1  }
0x15b: {  	v1 =	vld [tilespmem:s28+$0x40];
	_ =	sdelay $0x4  }
0x15c: {  	[tilespmem:s2+$0x2C8] =	vst v1  }
0x15d: {  	v1 =	vld [tilespmem:s28+$0x50];
	_ =	sdelay $0x4  }
0x15e: {  	[tilespmem:s2+$0x2D8] =	vst v1  }
0x15f: {  	v1 =	vld [tilespmem:s28+$0x60];
	_ =	sdelay $0x4  }
0x160: {  	[tilespmem:s2+$0x2E8] =	vst v1  }
0x161: {  	v1 =	vld [tilespmem:s28+$0x70]  }
.Ltmp21:
0x162: {  	_ = 	snop;
	(pc) =	sbr.rel .LBB2_23-.Ltmp21, $2  }
0x163: {  	_ =	sdelay $0x2  }
0x164: {  	s30 =	sadd.s32 $0x1, s30;
	[tilespmem:s2+$0x2F8] =	vst v1  }
.LBB2_25:
.Ltmp22:
0x165: {  	(pc) =	sbr.rel .LBB2_26-.Ltmp22, $4  }
0x166: {  	_ = 	snop  }
0x167: {  	s0 =	simm.s32 $0x2  }
0x168: {  	_ =	swait.ge [sflag:s0], $0x0  }
0x169: {  	s2 =	simm.s32 $0x0;
	[sflag:s0] =	ssyncset.done $0x0;
	s0 =	smov.u32 s31  }
.LBB2_28:
0x16a: {  	_ =	sfence.sel $0x180000  }
0x16b: {  	s0 =	simm.s32 $0x9;
	[bflag:$0x0] =	sbarrier.arrive $0xFFFF  }
0x16c: {  	s24 =	simm.s32 $0xA;
	[sflag:s0] =	ssyncpa.u1 $0x1  }
0x16d: {  	s25 =	simm.s32 $0xB;
	[sflag:s24] =	ssyncpa.u1 $0x1  }
0x16e: {  	s26 =	simm.s32 $0x2;
	[sflag:s25] =	ssyncpa.u1 $0x1  }
0x16f: {  	[sflag:s26] =	ssyncpa.u1 $0x1  }
0x170: {  	v0 =	vld [tilespmem:$0xE408];
	_ =	sdelay $0x4  }
0x171: {  	(v2sf) =	vpush v0, $0x0  }
0x172: {  	(v2sf) =	vpush v0, $0x1;
	_ =	sdelay $0x1  }
0x173: {  	(v2sf) =	vpush v0, $0x2;
	_ =	sdelay $0xb  }
0x174: {  	s0 =	spop (v2sf)  }
0x175: {  	s2 =	spop (v2sf)  }
0x176: {  	s3 =	smov.u32 s0;
	p0 =	sne.s32 s0, s2  }
0x177: {  	s4 =	spop (v2sf);
	s3 =	simm.s32 @!p0 $0xFFFFFFFF  }
0x178: {  	v2 =	vimm.s32 $0x1;
	v3 =	vlaneseq.u32;
	p0 =	seq.s32 s4, $0xFFFFFFFF;
	v1 =	vmov s3  }
0x179: {  	s15 =	stileid.u32;
	v0 =	vperm.xlane v0, v2;
	p1 =	sne.s32 @!p0 s0, s2;
	v1 =	vperm.xlane v1, v3  }
0x17a: {  	vm0 =	vcmask $0x3F04;
	s6 =	simm.s32 $0xE408;
	s0 =	simm.s32 @!p0 $0x1;
	p1 =	por !p1, p0  }
0x17b: {  	s3 =	sshll.u32 s15, $0x1;
	s2 =	sshll.u32 @!p0 s4, $0xA;
	s0 =	simm.s32 @p1 $0x0;
	v0 =	vsel vm0, v1, v0  }
0x17c: {  	s5 =	sor.u32 $0x2000, s3;
	s2 =	sshra.s32 @!p0 s2, $0x2;
	s0 =	sor.u32 @!p0 s0, s3;
	[tilespmem:$0xE408] =	vst v0  }
0x17d: {  	[spmem:s5] =	stream.linear.scatter [tilespmem:s6], [sflag:$0x1], $0x2, $0x38;
	[tilespmem:$0x1E678] =	vst v63  }
0x17e: {  	s2 =	sadd.s32 @!p0 $0x208, s2;
	s0 =	sshll.u32 @!p0 s0, $0x8  }
0x17f: {  	[spmem:s0] =	stream.linear.scatter @!p0 [tilespmem:s2], [sflag:$0x1], $0x100, $0x38;
	[tilespmem:$0x1E678] =	vst v63  }
0x180: {  	s0 =	simm.s32 @!p0 $0x102  }
0x181: {  	s28 =	simm.s32 $0x1;
	s0 =	simm.s32 @p0 $0x2  }
0x182: {  	_ =	swait.ge [sflag:s28], s0  }
0x183: {  	s0 =	ssub.s32 $0x0, s0;
	[sflag:s28] =	ssyncset.done $0x0  }
0x184: {  	p0 =	sne.s32 s15, $0x0;
	[sflag:s28] =	ssyncadd.s32 s0  }
.Ltmp23:
0x185: {  	_ =	sfence.stream.spmem;
	(pc) =	sbr.rel @p0 .LBB2_45-.Ltmp23, $4  }
0x186: {  	s29 =	simm.s32 $0x3;
	[bflag:$0x0] =	sbarrier.arrive $0xFFFF  }
0x187: {  	s30 =	simm.s32 $0x4;
	[sflag:s29] =	ssyncpa.u1 $0x1  }
0x188: {  	s31 =	simm.s32 $0x3C;
	[sflag:s30] =	ssyncpa.u1 $0x1  }
0x189: {  	s14 =	rddreg [dreg:$0x4];
	[sflag:s31] =	ssyncpa.u1 $0x1  }
0x18a: {  	_ =	sfence.stream.spmem;
	s0 =	simm.s32 $0x5  }
0x18b: {  	s2 =	simm.s32 $0x2000;
	s3 =	simm.s32 $0xE418;
	[sflag:s0] =	ssyncpa.u1 $0x0  }
0x18c: {  	[tilespmem:s3], [sflag:$0x5] =	stream.linear.gather [spmem:s2], $0x20, $0x38;
	[tilespmem:$0x1E678] =	vst v63  }
0x18d: {  	s26 =	simm.s32 $0x0;
	s28 =	simm.s32 $0xE438  }
0x18e: {  	[tilespmem:s28], [sflag:$0x5] =	stream.linear.gather [spmem:s26], $0x2000, $0x38;
	[tilespmem:$0x1E678] =	vst v63  }
0x18f: {  	_ =	swait.ge [sflag:s0], $0x2020  }
0x190: {  	[sflag:s0] =	ssyncset.done $0x0  }
0x191: {  	s29 =	simm.s32 $0x0;
	[sflag:s0] =	ssyncadd.s32 $0xFFFFDFE0  }
0x192: {  	v0 =	vld.msk [tilespmem:s29+$0xE418], $0x1;
	_ =	sdelay $0x1  }
0x193: {  	s30 =	simm.s32 $0x1  }
0x194: {  	v1 =	vld.msk [tilespmem:s30+$0xE418], $0x1;
	_ =	sdelay $0x1  }
0x195: {  	(v2sf) =	vpush v0, $0x0;
	_ =	sdelay $0x2  }
0x196: {  	(v2sf) =	vpush v1, $0x0;
	_ =	sdelay $0x2  }
0x197: {  	s31 =	simm.s32 $0x2  }
0x198: {  	v0 =	vld.msk [tilespmem:s31+$0xE418], $0x1;
	_ =	sdelay $0x2  }
0x199: {  	s2 =	simm.s32 $0xFFFFFFFF;
	s3 =	simm.s32 $0xFFFFFFFF;
	s0 =	simm.s32 $0xC  }
.LBB2_30:
0x19a: {  	s4 =	smov.u32 s3;
	s5 =	smov.u32 s2  }
0x19b: {  	s2 =	sshra.s32 s0, $0x2;
	p1 =	sne.s32 s0, $0x7C;
	s0 =	sadd.s32 $0x4, s0;
	(v2sf) =	vpush v0, $0x0  }
0x19c: {  	v0 =	vld.msk [tilespmem:s2+$0xE418], $0x1  }
.Ltmp24:
0x19d: {  	(pc) =	sbr.rel @p1 .LBB2_30-.Ltmp24, $4  }
0x19e: {  	s3 =	spop (v2sf)  }
0x19f: {  	p2 =	sne.s32 s5, $0xFFFFFFFF;
	s2 =	smov.u32 s3  }
0x1a0: {  	p3 =	seq.s32 s3, $0xFFFFFFFF;
	s2 =	smov.u32 @p2 s5  }
0x1a1: {  	s3 =	smov.u32 @p3 s4;
	s2 =	smov.u32 @p3 s5  }
0x1a2: {  	(v2sf) =	vpush v0, $0x0;
	_ =	sdelay $0x8  }
0x1a3: {  	s0 =	spop (v2sf)  }
0x1a4: {  	p1 =	sne.s32 s2, $0xFFFFFFFF;
	s9 =	simm.s32 $0x6;
	s4 =	smov.u32 s0  }
0x1a5: {  	s6 =	simm.s32 $0x0;
	p2 =	seq.s32 s0, $0xFFFFFFFF;
	s4 =	smov.u32 @p1 s2  }
0x1a6: {  	s10 =	simm.s32 $0xE308;
	s4 =	smov.u32 @p2 s2;
	s2 =	spop (v2sf)  }
0x1a7: {  	s0 =	smov.u32 @p2 s3;
	p1 =	sne.s32 s4, $0xFFFFFFFF;
	s5 =	smov.u32 s2  }
.Ltmp25:
0x1a8: {  	p2 =	seq.s32 s2, $0xFFFFFFFF;
	s5 =	smov.u32 @p1 s4;
	(pc) =	sbr.rel .LBB2_32-.Ltmp25, $4  }
0x1a9: {  	s11 =	simm.s32 $0xE388;
	s5 =	smov.u32 @p2 s4;
	s7 =	spop (v2sf)  }
0x1aa: {  	s12 =	simm.s32 $0x0;
	p1 =	sne.s32 s5, $0xFFFFFFFF;
	s8 =	smov.u32 s7  }
0x1ab: {  	s2 =	smov.u32 @p2 s0;
	p2 =	seq.s32 s7, $0xFFFFFFFF;
	s8 =	smov.u32 @p1 s5  }
0x1ac: {  	[sflag:s9] =	ssyncpa.u1 $0x0;
	s7 =	smov.u32 @p2 s2;
	s8 =	smov.u32 @p2 s5  }
.LBB2_38:
0x1ad: {  	p1 =	sgt.u32 s0, $0x4E170  }
0x1ae: {  	p2 =	seq.s32 @!p1 s0, s8  }
0x1af: {  	p1 =	por p1, p2  }
0x1b0: {  	p2 =	sne.s32 @!p1 s0, s7  }
0x1b1: {  	p1 =	por p1, !p2  }
0x1b2: {  	s0 =	sshll.u32 @p1 s12, $0xA  }
0x1b3: {  	s2 =	sand.u32 @!p1 $0x7FFF8, s0;
	s3 =	sand.u32 @!p1 $0x7, s0;
	s0 =	sadd.s32 @!p1 $0x80, s0  }
0x1b4: {  	s2 =	sadd.s32 @!p1 s1, s2;
	s0 =	sand.u32 @!p1 $0xFFFF8, s0  }
0x1b5: {  	[tilespmem:s10], [sflag:$0x6] =	stream.linear.gather @!p1 [hbm4b:s2+s3], $0x80, $0x38;
	[tilespmem:$0x1E678] =	vst v63  }
0x1b6: {  	s0 =	sadd.s32 @!p1 s1, s0  }
0x1b7: {  	[tilespmem:s11], [sflag:$0x6] =	stream.linear.gather @!p1 [hbm4b:s0+s3], $0x80, $0x38;
	[tilespmem:$0x1E678] =	vst v63  }
0x1b8: {  	_ =	swait.ge @!p1 [sflag:s9], $0x100  }
0x1b9: {  	[sflag:s9] =	ssyncset.done @!p1 $0x0  }
0x1ba: {  	[sflag:s9] =	ssyncadd.s32 @!p1 $0xFFFFFF00  }
0x1bb: {  	v1 =	vld @!p1 [tilespmem:$0xE308];
	_ =	sdelay $0x2  }
0x1bc: {  	s0 =	sshll.u32 @!p1 s12, $0xA  }
0x1bd: {  	s2 =	sshrl.u32 @!p1 s0, $0x2  }
0x1be: {  	[tilespmem:s2+$0xE438] =	vst.add.f32.msk @!p1 $0xffff, v1  }
0x1bf: {  	v1 =	vld @!p1 [tilespmem:$0xE318];
	_ =	sdelay $0x4  }
0x1c0: {  	[tilespmem:s2+$0xE448] =	vst.add.f32.msk @!p1 $0xffff, v1  }
0x1c1: {  	v1 =	vld @!p1 [tilespmem:$0xE328];
	_ =	sdelay $0x4  }
0x1c2: {  	[tilespmem:s2+$0xE458] =	vst.add.f32.msk @!p1 $0xffff, v1  }
0x1c3: {  	v1 =	vld @!p1 [tilespmem:$0xE338];
	_ =	sdelay $0x4  }
0x1c4: {  	[tilespmem:s2+$0xE468] =	vst.add.f32.msk @!p1 $0xffff, v1  }
0x1c5: {  	v1 =	vld @!p1 [tilespmem:$0xE348];
	_ =	sdelay $0x4  }
0x1c6: {  	[tilespmem:s2+$0xE478] =	vst.add.f32.msk @!p1 $0xffff, v1  }
0x1c7: {  	v1 =	vld @!p1 [tilespmem:$0xE358];
	_ =	sdelay $0x4  }
0x1c8: {  	[tilespmem:s2+$0xE488] =	vst.add.f32.msk @!p1 $0xffff, v1  }
0x1c9: {  	v1 =	vld @!p1 [tilespmem:$0xE368];
	_ =	sdelay $0x4  }
0x1ca: {  	[tilespmem:s2+$0xE498] =	vst.add.f32.msk @!p1 $0xffff, v1  }
0x1cb: {  	v1 =	vld @!p1 [tilespmem:$0xE378];
	_ =	sdelay $0x4  }
0x1cc: {  	[tilespmem:s2+$0xE4A8] =	vst.add.f32.msk @!p1 $0xffff, v1  }
0x1cd: {  	v1 =	vld @!p1 [tilespmem:$0xE388];
	_ =	sdelay $0x4  }
0x1ce: {  	[tilespmem:s2+$0xE4B8] =	vst.add.f32.msk @!p1 $0xffff, v1  }
0x1cf: {  	v1 =	vld @!p1 [tilespmem:$0xE398];
	_ =	sdelay $0x4  }
0x1d0: {  	[tilespmem:s2+$0xE4C8] =	vst.add.f32.msk @!p1 $0xffff, v1  }
0x1d1: {  	v1 =	vld @!p1 [tilespmem:$0xE3A8];
	_ =	sdelay $0x4  }
0x1d2: {  	[tilespmem:s2+$0xE4D8] =	vst.add.f32.msk @!p1 $0xffff, v1  }
0x1d3: {  	v1 =	vld @!p1 [tilespmem:$0xE3B8];
	_ =	sdelay $0x4  }
0x1d4: {  	[tilespmem:s2+$0xE4E8] =	vst.add.f32.msk @!p1 $0xffff, v1  }
0x1d5: {  	v1 =	vld @!p1 [tilespmem:$0xE3C8];
	_ =	sdelay $0x4  }
0x1d6: {  	[tilespmem:s2+$0xE4F8] =	vst.add.f32.msk @!p1 $0xffff, v1  }
0x1d7: {  	v1 =	vld @!p1 [tilespmem:$0xE3D8];
	_ =	sdelay $0x4  }
0x1d8: {  	[tilespmem:s2+$0xE508] =	vst.add.f32.msk @!p1 $0xffff, v1  }
0x1d9: {  	v1 =	vld @!p1 [tilespmem:$0xE3E8];
	_ =	sdelay $0x4  }
0x1da: {  	[tilespmem:s2+$0xE518] =	vst.add.f32.msk @!p1 $0xffff, v1  }
0x1db: {  	v1 =	vld @!p1 [tilespmem:$0xE3F8];
	_ =	sdelay $0x4  }
0x1dc: {  	[tilespmem:s2+$0xE528] =	vst.add.f32.msk @!p1 $0xffff, v1  }
0x1dd: {  	s0 =	sshrl.u32 s0, $0x2;
	[tilespmem:s6+$0xE418] =	vst.msk $0x1, v0  }
0x1de: {  	v0 =	vld [tilespmem:s0+$0xE438];
	_ =	sdelay $0x2  }
0x1df: {  	s31 =	sshll.u32 s6, $0xA  }
0x1e0: {  	s2 =	sshra.s32 s31, $0x2  }
0x1e1: {  	[tilespmem:s2+$0xE438] =	vst v0  }
0x1e2: {  	v0 =	vld [tilespmem:s0+$0xE448];
	_ =	sdelay $0x4  }
0x1e3: {  	[tilespmem:s2+$0xE448] =	vst v0  }
0x1e4: {  	v0 =	vld [tilespmem:s0+$0xE458];
	_ =	sdelay $0x4  }
0x1e5: {  	[tilespmem:s2+$0xE458] =	vst v0  }
0x1e6: {  	v0 =	vld [tilespmem:s0+$0xE468];
	_ =	sdelay $0x4  }
0x1e7: {  	[tilespmem:s2+$0xE468] =	vst v0  }
0x1e8: {  	v0 =	vld [tilespmem:s0+$0xE478];
	_ =	sdelay $0x4  }
0x1e9: {  	[tilespmem:s2+$0xE478] =	vst v0  }
0x1ea: {  	v0 =	vld [tilespmem:s0+$0xE488];
	_ =	sdelay $0x4  }
0x1eb: {  	[tilespmem:s2+$0xE488] =	vst v0  }
0x1ec: {  	v0 =	vld [tilespmem:s0+$0xE498];
	_ =	sdelay $0x4  }
0x1ed: {  	[tilespmem:s2+$0xE498] =	vst v0  }
0x1ee: {  	v0 =	vld [tilespmem:s0+$0xE4A8];
	_ =	sdelay $0x4  }
0x1ef: {  	[tilespmem:s2+$0xE4A8] =	vst v0  }
0x1f0: {  	v0 =	vld [tilespmem:s0+$0xE4B8];
	_ =	sdelay $0x4  }
0x1f1: {  	[tilespmem:s2+$0xE4B8] =	vst v0  }
0x1f2: {  	v0 =	vld [tilespmem:s0+$0xE4C8];
	_ =	sdelay $0x4  }
0x1f3: {  	[tilespmem:s2+$0xE4C8] =	vst v0  }
0x1f4: {  	v0 =	vld [tilespmem:s0+$0xE4D8];
	_ =	sdelay $0x4  }
0x1f5: {  	[tilespmem:s2+$0xE4D8] =	vst v0  }
0x1f6: {  	v0 =	vld [tilespmem:s0+$0xE4E8];
	_ =	sdelay $0x4  }
0x1f7: {  	[tilespmem:s2+$0xE4E8] =	vst v0  }
0x1f8: {  	v0 =	vld [tilespmem:s0+$0xE4F8];
	_ =	sdelay $0x4  }
0x1f9: {  	[tilespmem:s2+$0xE4F8] =	vst v0  }
0x1fa: {  	v0 =	vld [tilespmem:s0+$0xE508];
	_ =	sdelay $0x4  }
0x1fb: {  	[tilespmem:s2+$0xE508] =	vst v0  }
0x1fc: {  	v0 =	vld [tilespmem:s0+$0xE518];
	_ =	sdelay $0x4  }
0x1fd: {  	[tilespmem:s2+$0xE518] =	vst v0  }
0x1fe: {  	v0 =	vld [tilespmem:s0+$0xE528];
	_ =	sdelay $0x4  }
0x1ff: {  	s6 =	sadd.s32 $0x1, s6;
	[tilespmem:s2+$0xE528] =	vst v0  }
.LBB2_39:
0x200: {  	s12 =	sadd.s32 $0x1, s12  }
0x201: {  	p1 =	sne.s32 s12, $0x20  }
.Ltmp26:
0x202: {  	_ = 	snop;
	(pc) =	sbr.rel @!p1 .LBB2_40-.Ltmp26, $1  }
0x203: {  	_ =	sdelay $0x3  }
.LBB2_32:
0x204: {  	v0 =	vld.msk [tilespmem:s12+$0xE418], $0x1;
	_ =	sdelay $0x4  }
0x205: {  	(v2sf) =	vpush v0, $0x0;
	_ =	sdelay $0xe  }
0x206: {  	s0 =	spop (v2sf)  }
0x207: {  	p1 =	seq.s32 s0, $0xFFFFFFFF  }
.Ltmp27:
0x208: {  	_ = 	snop;
	(pc) =	sbr.rel @p1 .LBB2_39-.Ltmp27, $1  }
0x209: {  	_ =	sdelay $0x3  }
0x20a: {  	p1 =	slt.s32 s6, $0x1  }
.Ltmp28:
0x20b: {  	_ = 	snop;
	(pc) =	sbr.rel @p1 .LBB2_38-.Ltmp28, $1  }
0x20c: {  	_ =	sdelay $0x3  }
0x20d: {  	s4 =	simm.s32 $0xE418;
	p1 =	por $0x0, $0x0  }
0x20e: {  	v1 =	vld.msk @!p1 [tilespmem:s4+$0x0], $0x1;
	_ =	sdelay $0x4  }
0x20f: {  	(v2sf) =	vpush @!p1 v1, $0x0;
	_ =	sdelay $0xd  }
0x210: {  	p3 =	sne.s32 s6, $0x1  }
.Ltmp29:
0x211: {  	s2 =	spop @!p1 (v2sf);
	(pc) =	sbr.rel @!p3 .LBB2_36-.Ltmp29, $4  }
0x212: {  	p2 =	seq.s32 @!p1 s0, s2  }
0x213: {  	s5 =	simm.s32 $0x0;
	p2 =	por !p2, p1  }
0x214: {  	s2 =	simm.s32 $0xFFFFFFFF;
	s5 =	simm.s32 @p2 $0xFFFFFFFF  }
0x215: {  	s13 =	simm.s32 $0x1;
	s5 =	smov.u32 @p1 s2  }
.LBB2_35:
0x216: {  	s2 =	smov.u32 s5;
	p1 =	sne.s32 s5, $0xFFFFFFFF  }
0x217: {  	s4 =	sadd.s32 $0x1, s4;
	s5 =	smov.u32 s13;
	s13 =	sadd.s32 $0x1, s13  }
0x218: {  	p2 =	sne.s32 s6, s13;
	v1 =	vld.msk @!p1 [tilespmem:s4+$0x0], $0x1;
	_ =	sdelay $0x4  }
0x219: {  	(v2sf) =	vpush @!p1 v1, $0x0;
	_ =	sdelay $0xe  }
.Ltmp30:
0x21a: {  	s3 =	spop @!p1 (v2sf);
	(pc) =	sbr.rel @p2 .LBB2_35-.Ltmp30, $4  }
0x21b: {  	p3 =	seq.s32 @!p1 s0, s3  }
0x21c: {  	p3 =	por !p3, p1  }
0x21d: {  	s5 =	simm.s32 @p3 $0xFFFFFFFF  }
0x21e: {  	s5 =	smov.u32 @p1 s2  }
.LBB2_36:
0x21f: {  	p1 =	seq.s32 s5, $0xFFFFFFFF  }
.Ltmp31:
0x220: {  	_ = 	snop;
	(pc) =	sbr.rel @p1 .LBB2_38-.Ltmp31, $1  }
0x221: {  	_ =	sdelay $0x3  }
0x222: {  	s0 =	sshll.u32 s12, $0x8  }
0x223: {  	s0 =	sand.u32 $0x3FFFFF00, s0  }
0x224: {  	v0 =	vld [tilespmem:s0+$0xE438];
	_ =	sdelay $0x2  }
0x225: {  	s2 =	sshll.u32 s5, $0xA  }
0x226: {  	s2 =	sshra.s32 s2, $0x2  }
0x227: {  	[tilespmem:s2+$0xE438] =	vst.add.f32.msk $0xffff, v0  }
0x228: {  	v0 =	vld [tilespmem:s0+$0xE448];
	_ =	sdelay $0x4  }
0x229: {  	[tilespmem:s2+$0xE448] =	vst.add.f32.msk $0xffff, v0  }
0x22a: {  	v0 =	vld [tilespmem:s0+$0xE458];
	_ =	sdelay $0x4  }
0x22b: {  	[tilespmem:s2+$0xE458] =	vst.add.f32.msk $0xffff, v0  }
0x22c: {  	v0 =	vld [tilespmem:s0+$0xE468];
	_ =	sdelay $0x4  }
0x22d: {  	[tilespmem:s2+$0xE468] =	vst.add.f32.msk $0xffff, v0  }
0x22e: {  	v0 =	vld [tilespmem:s0+$0xE478];
	_ =	sdelay $0x4  }
0x22f: {  	[tilespmem:s2+$0xE478] =	vst.add.f32.msk $0xffff, v0  }
0x230: {  	v0 =	vld [tilespmem:s0+$0xE488];
	_ =	sdelay $0x4  }
0x231: {  	[tilespmem:s2+$0xE488] =	vst.add.f32.msk $0xffff, v0  }
0x232: {  	v0 =	vld [tilespmem:s0+$0xE498];
	_ =	sdelay $0x4  }
0x233: {  	[tilespmem:s2+$0xE498] =	vst.add.f32.msk $0xffff, v0  }
0x234: {  	v0 =	vld [tilespmem:s0+$0xE4A8];
	_ =	sdelay $0x4  }
0x235: {  	[tilespmem:s2+$0xE4A8] =	vst.add.f32.msk $0xffff, v0  }
0x236: {  	v0 =	vld [tilespmem:s0+$0xE4B8];
	_ =	sdelay $0x4  }
0x237: {  	[tilespmem:s2+$0xE4B8] =	vst.add.f32.msk $0xffff, v0  }
0x238: {  	v0 =	vld [tilespmem:s0+$0xE4C8];
	_ =	sdelay $0x4  }
0x239: {  	[tilespmem:s2+$0xE4C8] =	vst.add.f32.msk $0xffff, v0  }
0x23a: {  	v0 =	vld [tilespmem:s0+$0xE4D8];
	_ =	sdelay $0x4  }
0x23b: {  	[tilespmem:s2+$0xE4D8] =	vst.add.f32.msk $0xffff, v0  }
0x23c: {  	v0 =	vld [tilespmem:s0+$0xE4E8];
	_ =	sdelay $0x4  }
0x23d: {  	[tilespmem:s2+$0xE4E8] =	vst.add.f32.msk $0xffff, v0  }
0x23e: {  	v0 =	vld [tilespmem:s0+$0xE4F8];
	_ =	sdelay $0x4  }
0x23f: {  	[tilespmem:s2+$0xE4F8] =	vst.add.f32.msk $0xffff, v0  }
0x240: {  	v0 =	vld [tilespmem:s0+$0xE508];
	_ =	sdelay $0x4  }
0x241: {  	[tilespmem:s2+$0xE508] =	vst.add.f32.msk $0xffff, v0  }
0x242: {  	v0 =	vld [tilespmem:s0+$0xE518];
	_ =	sdelay $0x4  }
0x243: {  	[tilespmem:s2+$0xE518] =	vst.add.f32.msk $0xffff, v0  }
0x244: {  	v0 =	vld [tilespmem:s0+$0xE528]  }
.Ltmp32:
0x245: {  	_ = 	snop;
	(pc) =	sbr.rel .LBB2_39-.Ltmp32, $2  }
0x246: {  	_ =	sdelay $0x2  }
0x247: {  	[tilespmem:s2+$0xE528] =	vst.add.f32.msk $0xffff, v0  }
.LBB2_40:
0x248: {  	s0 =	simm.s32 $0x6;
	p1 =	seq.s32 s6, $0x0  }
0x249: {  	[sflag:s0] =	ssyncpa.u1 $0x1;
	v0 =	vimm.s32 @p1 $0xFFFFFFFF  }
0x24a: {  	s0 =	sadd.s32 $0xFFFFFFFF, s6;
	[tilespmem:$0x10438] =	vst @p1 v0  }
0x24b: {  	v0 =	vld.msk @!p1 [tilespmem:s0+$0xE418], $0x1;
	_ =	sdelay $0x1  }
0x24c: {  	v1 =	vld.msk @!p1 [tilespmem:$0xE418], $0x1;
	_ =	sdelay $0x2  }
0x24d: {  	p2 =	seq.s32 @!p1 s0, $0x0;
	v0 =	vbroadcast @!p1 v0, $0x0  }
0x24e: {  	vm0 =	vmmov @!p1 $0x1;
	p2 =	por !p2, p1  }
0x24f: {  	v1 =	vnsel @!p1 vm0, $0xFFFFFFFF, v1;
	vm0 =	vcmask @!p1 $0x308;
	v0 =	vpsel !p2, $0xFFFFFFFF, v0  }
0x250: {  	p2 =	sne.s32 @!p1 s8, s7;
	v0 =	vsel @!p1 vm0, v1, v0  }
0x251: {  	s2 =	simm.s32 @!p1 $0xE438;
	s3 =	simm.s32 @!p1 $0x0;
	p3 =	por !p2, p1;
	[tilespmem:$0x10438] =	vst @!p1 v0  }
0x252: {  	[spmem:s3] =	stream.linear.scatter @!p1 [tilespmem:s2], [sflag:$0x1], $0x100, $0x38;
	[tilespmem:$0x1E678] =	vst v63  }
0x253: {  	s2 =	sshll.u32 @!p3 s0, $0xA  }
0x254: {  	s2 =	sshra.s32 @!p3 s2, $0x2  }
0x255: {  	s3 =	simm.s32 @!p3 $0x100;
	s2 =	sadd.s32 @!p3 $0xE438, s2  }
0x256: {  	[spmem:s3] =	stream.linear.scatter @!p3 [tilespmem:s2], [sflag:$0x1], $0x100, $0x38;
	[tilespmem:$0x1E678] =	vst v63  }
0x257: {  	s2 =	simm.s32 @!p3 $0x1  }
0x258: {  	_ =	swait.ge @!p3 [sflag:s2], $0x200  }
0x259: {  	p1 =	por p2, p1;
	[sflag:s2] =	ssyncset.done @!p3 $0x0  }
0x25a: {  	[sflag:s2] =	ssyncadd.s32 @!p3 $0xFFFFFE00;
	s2 =	simm.s32 @!p1 $0x1  }
0x25b: {  	_ =	swait.ge @!p1 [sflag:s2], $0x100  }
0x25c: {  	s29 =	simm.s32 $0x10438;
	[sflag:s2] =	ssyncset.done @!p1 $0x0  }
0x25d: {  	s30 =	simm.s32 $0x2000;
	s31 =	simm.s32 $0x1;
	[sflag:s2] =	ssyncadd.s32 @!p1 $0xFFFFFF00  }
0x25e: {  	[spmem:s30] =	stream.linear.scatter [tilespmem:s29], [sflag:$0x1], $0x10, $0x38;
	[tilespmem:$0x1E678] =	vst v63  }
0x25f: {  	_ =	swait.ge [sflag:s31], $0x10  }
0x260: {  	[sflag:s31] =	ssyncset.done $0x0  }
0x261: {  	p1 =	seq.s32 s14, $0x0;
	s9 =	rddreg [dreg:$0x1];
	[sflag:s31] =	ssyncadd.s32 $0xFFFFFFF0  }
0x262: {  	s3 =	sshll.u32 @p1 s9, $0xE;
	s8 =	rddreg [dreg:$0x2]  }
0x263: {  	s2 =	sadd.s32 @p1 $0x15C3C, s3;
	s3 =	sshll.u32 @p1 s8, $0x11  }
0x264: {  	_ =	sfence.stream.spmem;
	s2 =	sor.u32 @p1 s3, s2  }
0x265: {  	[sflag:s2] =	ssyncadd.remote.s32 @p1 $0x1;
	s2 =	simm.s32 @p1 $0x4  }
0x266: {  	s4 =	simm.s32 @!p1 $0x3C;
	s3 =	sand.u32 $0xFFFFFFFE, s9;
	_ =	swait.ge @p1 [sflag:s2], $0x42  }
0x267: {  	s5 =	simm.s32 @!p1 $0x0;
	s3 =	sadd.s32 @!p1 $0x4, s3;
	[sflag:s2] =	ssyncset.done @p1 $0x0  }
0x268: {  	s7 =	simm.s32 @!p1 $0x200;
	[sflag:s2] =	ssyncadd.s32 @p1 $0xFFFFFFBE;
	s2 =	sshll.u32 @!p1 s3, $0x1A  }
0x269: {  	s3 =	sshll.u32 @!p1 s3, $0xD;
	s2 =	sor.u32 @!p1 s2, s8;
	_ =	swait.eq @!p1 [sflag:s4], $0x1  }
0x26a: {  	s3 =	sor.u32 @!p1 $0x1C04, s3;
	s4 =	simm.s32 @!p1 $0x1C03;
	s2 =	sor.u32 @!p1 $0x80004000, s2  }
0x26b: {  	[spmem:s7], [sflag:s3] =	dma.general @!p1 [spmem:s5], [sflag:s4], length:$0x40, [dreg:$0x0], stride_count:$0x0, ici_dest:s2, dma_misc:DstOpCode:WRITE  }
0x26c: {  	p2 =	slt.s32 s0, $0x2;
	s5 =	simm.s32 @!p1 $0x400;
	s7 =	simm.s32 @!p1 $0x402  }
0x26d: {  	[spmem:s7], [sflag:s3] =	dma.general @!p1 [spmem:s5], [sflag:s4], length:$0x2, [dreg:$0x0], stride_count:$0x0, ici_dest:s2, dma_misc:DstOpCode:WRITE  }
.Ltmp33:
0x26e: {  	s2 =	simm.s32 @!p1 $0x3;
	(pc) =	sbr.rel @p2 .LBB2_44-.Ltmp33, $4  }
0x26f: {  	s3 =	sshll.u32 @!p1 s9, $0xE;
	_ =	swait.ge @!p1 [sflag:s2], $0x42  }
0x270: {  	s4 =	sshll.u32 @!p1 s8, $0x11;
	s3 =	sadd.s32 @!p1 $0x11C3C, s3;
	[sflag:s2] =	ssyncset.done @!p1 $0x0  }
0x271: {  	[sflag:s2] =	ssyncadd.s32 @!p1 $0xFFFFFFBE;
	s2 =	sor.u32 @!p1 s4, s3  }
0x272: {  	s0 =	simm.s32 $0x0;
	[sflag:s2] =	ssyncadd.remote.s32 @!p1 $0xFFFFFFFF  }
0x273: {  	s0 =	simm.s32 $0xE419  }
0x274: {  	v0 =	vld.msk [tilespmem:s0+$0x0], $0x1;
	_ =	sdelay $0x4  }
0x275: {  	(v2sf) =	vpush v0, $0x0;
	_ =	sdelay $0xd  }
0x276: {  	s31 =	sadd.s32 $0xFFFFFFFE, s6  }
0x277: {  	s6 =	simm.s32 $0x0;
	s0 =	sadd.s32 $0xFFFFFFFF, s31;
	s2 =	spop (v2sf)  }
0x278: {  	s3 =	simm.s32 $0xE538;
	p1 =	sne.s32 s0, $0x0;
	p2 =	sgt.u32 s2, $0x4E170  }
.Ltmp34:
0x279: {  	s4 =	simm.s32 $0xE638;
	s5 =	sand.u32 @!p2 $0x7FFF8, s2;
	(pc) =	sbr.rel @!p1 .LBB2_43-.Ltmp34, $4  }
0x27a: {  	s7 =	sadd.s32 @!p2 $0x80, s2;
	s2 =	sand.u32 @!p2 $0x7, s2;
	s6 =	simm.s32 @!p2 $0x400  }
0x27b: {  	s5 =	sadd.s32 @!p2 s1, s5;
	s7 =	sand.u32 @!p2 $0xFFFF8, s7;
	s6 =	sadd.s32 $0x0, s6  }
0x27c: {  	[hbm4b:s5+s2] =	stream.linear.scatter @!p2 [tilespmem:s3], [sflag:$0x5], $0x80, $0x38;
	[tilespmem:$0x1E678] =	vst v63  }
0x27d: {  	s5 =	simm.s32 $0xE41A;
	s3 =	simm.s32 @!p2 $0xE5B8;
	s7 =	sadd.s32 @!p2 s1, s7  }
.LBB2_42:
0x27e: {  	[hbm4b:s7+s2] =	stream.linear.scatter @!p2 [tilespmem:s3], [sflag:$0x5], $0x80, $0x38;
	[tilespmem:$0x1E678] =	vst v63  }
0x27f: {  	s0 =	sadd.s32 $0xFFFFFFFF, s0;
	s3 =	smov.u32 s4;
	v0 =	vld.msk [tilespmem:s5+$0x0], $0x1  }
0x280: {  	p1 =	sne.s32 s0, $0x0;
	_ =	sdelay $0x3  }
0x281: {  	(v2sf) =	vpush v0, $0x0;
	_ =	sdelay $0xe  }
0x282: {  	s4 =	sadd.s32 $0x100, s4;
	s8 =	simm.s32 $0x0;
	s2 =	spop (v2sf)  }
.Ltmp35:
0x283: {  	s5 =	sadd.s32 $0x1, s5;
	p2 =	sgt.u32 s2, $0x4E170;
	(pc) =	sbr.rel @p1 .LBB2_42-.Ltmp35, $4  }
0x284: {  	s8 =	simm.s32 @!p2 $0x400;
	s7 =	sand.u32 @!p2 $0x7FFF8, s2;
	s9 =	sadd.s32 @!p2 $0x80, s2  }
0x285: {  	s2 =	sand.u32 @!p2 $0x7, s2;
	s7 =	sadd.s32 @!p2 s1, s7;
	s9 =	sand.u32 @!p2 $0xFFFF8, s9  }
0x286: {  	[hbm4b:s7+s2] =	stream.linear.scatter @!p2 [tilespmem:s3], [sflag:$0x5], $0x80, $0x38;
	[tilespmem:$0x1E678] =	vst v63  }
0x287: {  	s6 =	sadd.s32 s6, s8;
	s3 =	sadd.s32 @!p2 $0x80, s3;
	s7 =	sadd.s32 @!p2 s1, s9  }
.LBB2_43:
0x288: {  	[hbm4b:s7+s2] =	stream.linear.scatter @!p2 [tilespmem:s3], [sflag:$0x5], $0x80, $0x38;
	[tilespmem:$0x1E678] =	vst v63  }
0x289: {  	s0 =	sshrl.u32 s6, $0x2  }
.LBB2_44:
0x28a: {  	s2 =	simm.s32 $0x5  }
0x28b: {  	_ =	swait.ge [sflag:s2], s0  }
0x28c: {  	s31 =	ssub.s32 $0x0, s0;
	[sflag:s2] =	ssyncset.done $0x0  }
0x28d: {  	[sflag:s2] =	ssyncadd.s32 s31  }
0x28e: {  	[sflag:s2] =	ssyncpa.u1 $0x1  }
.LBB2_45:
0x28f: {  	s0 =	sor.u32 s14, s15  }
0x290: {  	p1 =	sne.s32 s0, $0x0  }
.Ltmp36:
0x291: {  	_ = 	snop;
	(pc) =	sbr.rel @p1 .LBB2_60-.Ltmp36, $3  }
0x292: {  	_ =	sdelay $0x1  }
0x293: {  	[bflag:$0x0] =	sbarrier.arrive $0xFFFF  }
0x294: {  	_ =	sfence  }
0x295: {  	s0 =	simm.s32 $0x7  }
0x296: {  	s2 =	simm.s32 $0x2000;
	s3 =	simm.s32 $0xE418;
	[sflag:s0] =	ssyncpa.u1 $0x0  }
0x297: {  	[tilespmem:s3], [sflag:$0x7] =	stream.linear.gather [spmem:s2], $0x20, $0x38;
	[tilespmem:$0x1E678] =	vst v63  }
0x298: {  	s30 =	simm.s32 $0xE438;
	s2 =	simm.s32 $0x0  }
0x299: {  	[tilespmem:s30], [sflag:$0x7] =	stream.linear.gather [spmem:s2], $0x2000, $0x38;
	[tilespmem:$0x1E678] =	vst v63  }
.Ltmp37:
0x29a: {  	_ = 	snop;
	(pc) =	sbr.rel .LBB2_47-.Ltmp37, $4  }
0x29b: {  	_ =	swait.ge [sflag:s0], $0x2020  }
0x29c: {  	[sflag:s0] =	ssyncset.done $0x0  }
0x29d: {  	s31 =	simm.s32 $0x8;
	[sflag:s0] =	ssyncadd.s32 $0xFFFFDFE0  }
0x29e: {  	s3 =	simm.s32 $0x0;
	[sflag:s31] =	ssyncpa.u1 $0x0  }
.LBB2_53:
0x29f: {  	p1 =	slt.u32 s0, $0x4E171  }
0x2a0: {  	s4 =	sand.u32 @p1 $0x7FFF8, s0;
	s5 =	sand.u32 @p1 $0x7, s0;
	s0 =	sadd.s32 @p1 $0x80, s0  }
0x2a1: {  	s6 =	simm.s32 @p1 $0xE308;
	s4 =	sadd.s32 @p1 s1, s4;
	s0 =	sand.u32 @p1 $0xFFFF8, s0  }
0x2a2: {  	[tilespmem:s6], [sflag:$0x8] =	stream.linear.gather @p1 [hbm4b:s4+s5], $0x80, $0x38;
	[tilespmem:$0x1E678] =	vst v63  }
0x2a3: {  	s0 =	sadd.s32 @p1 s1, s0;
	s4 =	simm.s32 @p1 $0xE388  }
0x2a4: {  	[tilespmem:s4], [sflag:$0x8] =	stream.linear.gather @p1 [hbm4b:s0+s5], $0x80, $0x38;
	[tilespmem:$0x1E678] =	vst v63  }
0x2a5: {  	s0 =	simm.s32 @p1 $0x8  }
0x2a6: {  	_ =	swait.ge @p1 [sflag:s0], $0x100  }
0x2a7: {  	[sflag:s0] =	ssyncset.done @p1 $0x0  }
0x2a8: {  	[sflag:s0] =	ssyncadd.s32 @p1 $0xFFFFFF00  }
0x2a9: {  	v1 =	vld @p1 [tilespmem:$0xE308];
	_ =	sdelay $0x2  }
0x2aa: {  	s0 =	sshll.u32 @p1 s3, $0xA  }
0x2ab: {  	s4 =	sshrl.u32 @p1 s0, $0x2  }
0x2ac: {  	[tilespmem:s4+$0xE438] =	vst.add.f32.msk @p1 $0xffff, v1  }
0x2ad: {  	v1 =	vld @p1 [tilespmem:$0xE318];
	_ =	sdelay $0x4  }
0x2ae: {  	[tilespmem:s4+$0xE448] =	vst.add.f32.msk @p1 $0xffff, v1  }
0x2af: {  	v1 =	vld @p1 [tilespmem:$0xE328];
	_ =	sdelay $0x4  }
0x2b0: {  	[tilespmem:s4+$0xE458] =	vst.add.f32.msk @p1 $0xffff, v1  }
0x2b1: {  	v1 =	vld @p1 [tilespmem:$0xE338];
	_ =	sdelay $0x4  }
0x2b2: {  	[tilespmem:s4+$0xE468] =	vst.add.f32.msk @p1 $0xffff, v1  }
0x2b3: {  	v1 =	vld @p1 [tilespmem:$0xE348];
	_ =	sdelay $0x4  }
0x2b4: {  	[tilespmem:s4+$0xE478] =	vst.add.f32.msk @p1 $0xffff, v1  }
0x2b5: {  	v1 =	vld @p1 [tilespmem:$0xE358];
	_ =	sdelay $0x4  }
0x2b6: {  	[tilespmem:s4+$0xE488] =	vst.add.f32.msk @p1 $0xffff, v1  }
0x2b7: {  	v1 =	vld @p1 [tilespmem:$0xE368];
	_ =	sdelay $0x4  }
0x2b8: {  	[tilespmem:s4+$0xE498] =	vst.add.f32.msk @p1 $0xffff, v1  }
0x2b9: {  	v1 =	vld @p1 [tilespmem:$0xE378];
	_ =	sdelay $0x4  }
0x2ba: {  	[tilespmem:s4+$0xE4A8] =	vst.add.f32.msk @p1 $0xffff, v1  }
0x2bb: {  	v1 =	vld @p1 [tilespmem:$0xE388];
	_ =	sdelay $0x4  }
0x2bc: {  	[tilespmem:s4+$0xE4B8] =	vst.add.f32.msk @p1 $0xffff, v1  }
0x2bd: {  	v1 =	vld @p1 [tilespmem:$0xE398];
	_ =	sdelay $0x4  }
0x2be: {  	[tilespmem:s4+$0xE4C8] =	vst.add.f32.msk @p1 $0xffff, v1  }
0x2bf: {  	v1 =	vld @p1 [tilespmem:$0xE3A8];
	_ =	sdelay $0x4  }
0x2c0: {  	[tilespmem:s4+$0xE4D8] =	vst.add.f32.msk @p1 $0xffff, v1  }
0x2c1: {  	v1 =	vld @p1 [tilespmem:$0xE3B8];
	_ =	sdelay $0x4  }
0x2c2: {  	[tilespmem:s4+$0xE4E8] =	vst.add.f32.msk @p1 $0xffff, v1  }
0x2c3: {  	v1 =	vld @p1 [tilespmem:$0xE3C8];
	_ =	sdelay $0x4  }
0x2c4: {  	[tilespmem:s4+$0xE4F8] =	vst.add.f32.msk @p1 $0xffff, v1  }
0x2c5: {  	v1 =	vld @p1 [tilespmem:$0xE3D8];
	_ =	sdelay $0x4  }
0x2c6: {  	[tilespmem:s4+$0xE508] =	vst.add.f32.msk @p1 $0xffff, v1  }
0x2c7: {  	v1 =	vld @p1 [tilespmem:$0xE3E8];
	_ =	sdelay $0x4  }
0x2c8: {  	[tilespmem:s4+$0xE518] =	vst.add.f32.msk @p1 $0xffff, v1  }
0x2c9: {  	v1 =	vld @p1 [tilespmem:$0xE3F8];
	_ =	sdelay $0x3  }
0x2ca: {  	s5 =	sshll.u32 @!p1 s3, $0xA  }
0x2cb: {  	s5 =	smov.u32 @p1 s0;
	[tilespmem:s4+$0xE528] =	vst.add.f32.msk @p1 $0xffff, v1  }
0x2cc: {  	s0 =	sshrl.u32 s5, $0x2;
	[tilespmem:s2+$0xE418] =	vst.msk $0x1, v0  }
0x2cd: {  	v0 =	vld [tilespmem:s0+$0xE438];
	_ =	sdelay $0x2  }
0x2ce: {  	s31 =	sshll.u32 s2, $0xA  }
0x2cf: {  	s4 =	sshra.s32 s31, $0x2  }
0x2d0: {  	[tilespmem:s4+$0xE438] =	vst v0  }
0x2d1: {  	v0 =	vld [tilespmem:s0+$0xE448];
	_ =	sdelay $0x4  }
0x2d2: {  	[tilespmem:s4+$0xE448] =	vst v0  }
0x2d3: {  	v0 =	vld [tilespmem:s0+$0xE458];
	_ =	sdelay $0x4  }
0x2d4: {  	[tilespmem:s4+$0xE458] =	vst v0  }
0x2d5: {  	v0 =	vld [tilespmem:s0+$0xE468];
	_ =	sdelay $0x4  }
0x2d6: {  	[tilespmem:s4+$0xE468] =	vst v0  }
0x2d7: {  	v0 =	vld [tilespmem:s0+$0xE478];
	_ =	sdelay $0x4  }
0x2d8: {  	[tilespmem:s4+$0xE478] =	vst v0  }
0x2d9: {  	v0 =	vld [tilespmem:s0+$0xE488];
	_ =	sdelay $0x4  }
0x2da: {  	[tilespmem:s4+$0xE488] =	vst v0  }
0x2db: {  	v0 =	vld [tilespmem:s0+$0xE498];
	_ =	sdelay $0x4  }
0x2dc: {  	[tilespmem:s4+$0xE498] =	vst v0  }
0x2dd: {  	v0 =	vld [tilespmem:s0+$0xE4A8];
	_ =	sdelay $0x4  }
0x2de: {  	[tilespmem:s4+$0xE4A8] =	vst v0  }
0x2df: {  	v0 =	vld [tilespmem:s0+$0xE4B8];
	_ =	sdelay $0x4  }
0x2e0: {  	[tilespmem:s4+$0xE4B8] =	vst v0  }
0x2e1: {  	v0 =	vld [tilespmem:s0+$0xE4C8];
	_ =	sdelay $0x4  }
0x2e2: {  	[tilespmem:s4+$0xE4C8] =	vst v0  }
0x2e3: {  	v0 =	vld [tilespmem:s0+$0xE4D8];
	_ =	sdelay $0x4  }
0x2e4: {  	[tilespmem:s4+$0xE4D8] =	vst v0  }
0x2e5: {  	v0 =	vld [tilespmem:s0+$0xE4E8];
	_ =	sdelay $0x4  }
0x2e6: {  	[tilespmem:s4+$0xE4E8] =	vst v0  }
0x2e7: {  	v0 =	vld [tilespmem:s0+$0xE4F8];
	_ =	sdelay $0x4  }
0x2e8: {  	[tilespmem:s4+$0xE4F8] =	vst v0  }
0x2e9: {  	v0 =	vld [tilespmem:s0+$0xE508];
	_ =	sdelay $0x4  }
0x2ea: {  	[tilespmem:s4+$0xE508] =	vst v0  }
0x2eb: {  	v0 =	vld [tilespmem:s0+$0xE518];
	_ =	sdelay $0x4  }
0x2ec: {  	[tilespmem:s4+$0xE518] =	vst v0  }
0x2ed: {  	v0 =	vld [tilespmem:s0+$0xE528];
	_ =	sdelay $0x4  }
0x2ee: {  	s2 =	sadd.s32 $0x1, s2;
	[tilespmem:s4+$0xE528] =	vst v0  }
.LBB2_54:
0x2ef: {  	s3 =	sadd.s32 $0x1, s3  }
0x2f0: {  	p1 =	sne.s32 s3, $0x20  }
.Ltmp38:
0x2f1: {  	_ = 	snop;
	(pc) =	sbr.rel @!p1 .LBB2_55-.Ltmp38, $1  }
0x2f2: {  	_ =	sdelay $0x3  }
.LBB2_47:
0x2f3: {  	v0 =	vld.msk [tilespmem:s3+$0xE418], $0x1;
	_ =	sdelay $0x4  }
0x2f4: {  	(v2sf) =	vpush v0, $0x0;
	_ =	sdelay $0xe  }
0x2f5: {  	s0 =	spop (v2sf)  }
0x2f6: {  	p1 =	seq.s32 s0, $0xFFFFFFFF  }
.Ltmp39:
0x2f7: {  	_ = 	snop;
	(pc) =	sbr.rel @p1 .LBB2_54-.Ltmp39, $1  }
0x2f8: {  	_ =	sdelay $0x3  }
0x2f9: {  	p1 =	slt.s32 s2, $0x1  }
.Ltmp40:
0x2fa: {  	_ = 	snop;
	(pc) =	sbr.rel @p1 .LBB2_53-.Ltmp40, $1  }
0x2fb: {  	_ =	sdelay $0x3  }
0x2fc: {  	s4 =	simm.s32 $0xE418;
	p1 =	por $0x0, $0x0  }
0x2fd: {  	v1 =	vld.msk @!p1 [tilespmem:s4+$0x0], $0x1;
	_ =	sdelay $0x4  }
0x2fe: {  	(v2sf) =	vpush @!p1 v1, $0x0;
	_ =	sdelay $0xd  }
0x2ff: {  	p3 =	sne.s32 s2, $0x1  }
.Ltmp41:
0x300: {  	s5 =	spop @!p1 (v2sf);
	(pc) =	sbr.rel @!p3 .LBB2_51-.Ltmp41, $4  }
0x301: {  	p2 =	seq.s32 @!p1 s0, s5  }
0x302: {  	s5 =	simm.s32 $0x0;
	p2 =	por !p2, p1  }
0x303: {  	s7 =	simm.s32 $0xFFFFFFFF;
	s5 =	simm.s32 @p2 $0xFFFFFFFF  }
0x304: {  	s6 =	simm.s32 $0x1;
	s5 =	smov.u32 @p1 s7  }
.LBB2_50:
0x305: {  	s7 =	smov.u32 s5;
	p1 =	sne.s32 s5, $0xFFFFFFFF  }
0x306: {  	s4 =	sadd.s32 $0x1, s4;
	s5 =	smov.u32 s6;
	s6 =	sadd.s32 $0x1, s6  }
0x307: {  	p2 =	sne.s32 s2, s6;
	v1 =	vld.msk @!p1 [tilespmem:s4+$0x0], $0x1;
	_ =	sdelay $0x4  }
0x308: {  	(v2sf) =	vpush @!p1 v1, $0x0;
	_ =	sdelay $0xe  }
.Ltmp42:
0x309: {  	s8 =	spop @!p1 (v2sf);
	(pc) =	sbr.rel @p2 .LBB2_50-.Ltmp42, $4  }
0x30a: {  	p3 =	seq.s32 @!p1 s0, s8  }
0x30b: {  	p3 =	por !p3, p1  }
0x30c: {  	s5 =	simm.s32 @p3 $0xFFFFFFFF  }
0x30d: {  	s5 =	smov.u32 @p1 s7  }
.LBB2_51:
0x30e: {  	p1 =	seq.s32 s5, $0xFFFFFFFF  }
.Ltmp43:
0x30f: {  	_ = 	snop;
	(pc) =	sbr.rel @p1 .LBB2_53-.Ltmp43, $1  }
0x310: {  	_ =	sdelay $0x3  }
0x311: {  	s0 =	sshll.u32 s3, $0x8  }
0x312: {  	s0 =	sand.u32 $0x3FFFFF00, s0  }
0x313: {  	v0 =	vld [tilespmem:s0+$0xE438];
	_ =	sdelay $0x2  }
0x314: {  	s4 =	sshll.u32 s5, $0xA  }
0x315: {  	s4 =	sshra.s32 s4, $0x2  }
0x316: {  	[tilespmem:s4+$0xE438] =	vst.add.f32.msk $0xffff, v0  }
0x317: {  	v0 =	vld [tilespmem:s0+$0xE448];
	_ =	sdelay $0x4  }
0x318: {  	[tilespmem:s4+$0xE448] =	vst.add.f32.msk $0xffff, v0  }
0x319: {  	v0 =	vld [tilespmem:s0+$0xE458];
	_ =	sdelay $0x4  }
0x31a: {  	[tilespmem:s4+$0xE458] =	vst.add.f32.msk $0xffff, v0  }
0x31b: {  	v0 =	vld [tilespmem:s0+$0xE468];
	_ =	sdelay $0x4  }
0x31c: {  	[tilespmem:s4+$0xE468] =	vst.add.f32.msk $0xffff, v0  }
0x31d: {  	v0 =	vld [tilespmem:s0+$0xE478];
	_ =	sdelay $0x4  }
0x31e: {  	[tilespmem:s4+$0xE478] =	vst.add.f32.msk $0xffff, v0  }
0x31f: {  	v0 =	vld [tilespmem:s0+$0xE488];
	_ =	sdelay $0x4  }
0x320: {  	[tilespmem:s4+$0xE488] =	vst.add.f32.msk $0xffff, v0  }
0x321: {  	v0 =	vld [tilespmem:s0+$0xE498];
	_ =	sdelay $0x4  }
0x322: {  	[tilespmem:s4+$0xE498] =	vst.add.f32.msk $0xffff, v0  }
0x323: {  	v0 =	vld [tilespmem:s0+$0xE4A8];
	_ =	sdelay $0x4  }
0x324: {  	[tilespmem:s4+$0xE4A8] =	vst.add.f32.msk $0xffff, v0  }
0x325: {  	v0 =	vld [tilespmem:s0+$0xE4B8];
	_ =	sdelay $0x4  }
0x326: {  	[tilespmem:s4+$0xE4B8] =	vst.add.f32.msk $0xffff, v0  }
0x327: {  	v0 =	vld [tilespmem:s0+$0xE4C8];
	_ =	sdelay $0x4  }
0x328: {  	[tilespmem:s4+$0xE4C8] =	vst.add.f32.msk $0xffff, v0  }
0x329: {  	v0 =	vld [tilespmem:s0+$0xE4D8];
	_ =	sdelay $0x4  }
0x32a: {  	[tilespmem:s4+$0xE4D8] =	vst.add.f32.msk $0xffff, v0  }
0x32b: {  	v0 =	vld [tilespmem:s0+$0xE4E8];
	_ =	sdelay $0x4  }
0x32c: {  	[tilespmem:s4+$0xE4E8] =	vst.add.f32.msk $0xffff, v0  }
0x32d: {  	v0 =	vld [tilespmem:s0+$0xE4F8];
	_ =	sdelay $0x4  }
0x32e: {  	[tilespmem:s4+$0xE4F8] =	vst.add.f32.msk $0xffff, v0  }
0x32f: {  	v0 =	vld [tilespmem:s0+$0xE508];
	_ =	sdelay $0x4  }
0x330: {  	[tilespmem:s4+$0xE508] =	vst.add.f32.msk $0xffff, v0  }
0x331: {  	v0 =	vld [tilespmem:s0+$0xE518];
	_ =	sdelay $0x4  }
0x332: {  	[tilespmem:s4+$0xE518] =	vst.add.f32.msk $0xffff, v0  }
0x333: {  	v0 =	vld [tilespmem:s0+$0xE528]  }
.Ltmp44:
0x334: {  	_ = 	snop;
	(pc) =	sbr.rel .LBB2_54-.Ltmp44, $2  }
0x335: {  	_ =	sdelay $0x2  }
0x336: {  	[tilespmem:s4+$0xE528] =	vst.add.f32.msk $0xffff, v0  }
.LBB2_55:
0x337: {  	p1 =	slt.s32 s2, $0x1  }
.Ltmp45:
0x338: {  	_ = 	snop;
	(pc) =	sbr.rel @p1 .LBB2_59-.Ltmp45, $3  }
0x339: {  	_ =	sdelay $0x1  }
0x33a: {  	s0 =	simm.s32 $0x8  }
0x33b: {  	s4 =	simm.s32 $0x0;
	[sflag:s0] =	ssyncpa.u1 $0x1  }
0x33c: {  	s0 =	simm.s32 $0xE418  }
0x33d: {  	v0 =	vld.msk [tilespmem:s0+$0x0], $0x1;
	_ =	sdelay $0x4  }
0x33e: {  	(v2sf) =	vpush v0, $0x0;
	_ =	sdelay $0xe  }
0x33f: {  	s0 =	sadd.s32 $0xFFFFFFFF, s2;
	s3 =	spop (v2sf)  }
0x340: {  	s6 =	simm.s32 $0xE438;
	p1 =	sne.s32 s0, $0x0;
	p2 =	sgt.u32 s3, $0x4E170  }
.Ltmp46:
0x341: {  	s2 =	simm.s32 $0xE538;
	s5 =	sand.u32 @!p2 $0x7FFF8, s3;
	(pc) =	sbr.rel @!p1 .LBB2_58-.Ltmp46, $4  }
0x342: {  	s7 =	sadd.s32 @!p2 $0x80, s3;
	s4 =	simm.s32 @!p2 $0x400;
	s8 =	sadd.s32 @!p2 s1, s5  }
0x343: {  	s5 =	sand.u32 @!p2 $0x7, s3;
	s3 =	simm.s32 $0xE419;
	s7 =	sand.u32 @!p2 $0xFFFF8, s7  }
0x344: {  	[hbm4b:s8+s5] =	stream.linear.scatter @!p2 [tilespmem:s6], [sflag:$0x7], $0x80, $0x38;
	[tilespmem:$0x1E678] =	vst v63  }
0x345: {  	s4 =	sadd.s32 $0x0, s4;
	s6 =	simm.s32 @!p2 $0xE4B8;
	s7 =	sadd.s32 @!p2 s1, s7  }
.LBB2_57:
0x346: {  	[hbm4b:s7+s5] =	stream.linear.scatter @!p2 [tilespmem:s6], [sflag:$0x7], $0x80, $0x38;
	[tilespmem:$0x1E678] =	vst v63  }
0x347: {  	s0 =	sadd.s32 $0xFFFFFFFF, s0;
	s6 =	smov.u32 s2;
	v0 =	vld.msk [tilespmem:s3+$0x0], $0x1  }
0x348: {  	p1 =	sne.s32 s0, $0x0;
	_ =	sdelay $0x3  }
0x349: {  	(v2sf) =	vpush v0, $0x0;
	_ =	sdelay $0xe  }
0x34a: {  	s2 =	sadd.s32 $0x100, s2;
	s8 =	simm.s32 $0x0;
	s5 =	spop (v2sf)  }
.Ltmp47:
0x34b: {  	s3 =	sadd.s32 $0x1, s3;
	p2 =	sgt.u32 s5, $0x4E170;
	(pc) =	sbr.rel @p1 .LBB2_57-.Ltmp47, $4  }
0x34c: {  	s8 =	simm.s32 @!p2 $0x400;
	s7 =	sand.u32 @!p2 $0x7FFF8, s5;
	s9 =	sadd.s32 @!p2 $0x80, s5  }
0x34d: {  	s5 =	sand.u32 @!p2 $0x7, s5;
	s7 =	sadd.s32 @!p2 s1, s7;
	s9 =	sand.u32 @!p2 $0xFFFF8, s9  }
0x34e: {  	[hbm4b:s7+s5] =	stream.linear.scatter @!p2 [tilespmem:s6], [sflag:$0x7], $0x80, $0x38;
	[tilespmem:$0x1E678] =	vst v63  }
0x34f: {  	s4 =	sadd.s32 s4, s8;
	s6 =	sadd.s32 @!p2 $0x80, s6;
	s7 =	sadd.s32 @!p2 s1, s9  }
.LBB2_58:
0x350: {  	[hbm4b:s7+s5] =	stream.linear.scatter @!p2 [tilespmem:s6], [sflag:$0x7], $0x80, $0x38;
	[tilespmem:$0x1E678] =	vst v63  }
0x351: {  	s4 =	sshrl.u32 s4, $0x2  }
.LBB2_59:
0x352: {  	s0 =	simm.s32 $0x7  }
0x353: {  	_ =	swait.ge [sflag:s0], s4  }
0x354: {  	s1 =	ssub.s32 $0x0, s4;
	[sflag:s0] =	ssyncset.done $0x0  }
0x355: {  	[sflag:s0] =	ssyncadd.s32 s1  }
0x356: {  	[sflag:s0] =	ssyncpa.u1 $0x1  }
.LBB2_60:
0x357: {  	_ =	sfence;
	s0 =	simm.s32 $0x1  }
0x358: {  	[sflag:s0] =	ssyncpa.u1 $0x1  }
0x359: {  	_ =	strace $0x9000004D  }
0x35a: {  	[bflag:$0x2] =	sbarrier.arrive $0xFFFF  }
0x35b: {  	s0 =	rddreg [dreg:$0x3]  }
0x35c: {  	s0 =	sadd.s32 @!p0 $0x100000, s0  }
0x35d: {  	[sflag:s0] =	ssyncadd.tile.s32 @!p0 $0x1;
	_ =	shalt  }
.Lfunc_end2:
_tile_overlayer_lowered:
.L_overlay_start_2:
0x35e: {  	(tag) =	ssettag $0x2  }
0x35f: {  	s0 =	rddreg [dreg:$0x0];
	s2 =	stileid.u32  }
0x360: {  	s1 =	rddreg [dreg:$0x1];
	p0 =	sne.s32 s2, $0x0  }
0x361: {  	s3 =	rddreg [dreg:$0x2];
	[bflag:$0x3] =	sbarrier.arrive $0xFFFF;
	s2 =	simm.s32 @!p0 $0x1C01  }
0x362: {  	[timem:s3], [sflag:s2] =	dma.local @!p0 [hbm:s0], s1  }
0x363: {  	s0 =	simm.s32 @!p0 $0x1  }
0x364: {  	_ =	swait.ge @!p0 [sflag:s0], s1  }
0x365: {  	s1 =	ssub.s32 @!p0 $0x0, s1;
	[sflag:s0] =	ssyncset.done @!p0 $0x0  }
0x366: {  	[sflag:s0] =	ssyncadd.s32 @!p0 s1  }
0x367: {  	[bflag:$0x3] =	sbarrier.arrive $0xFFFF  }
0x368: {  	_ =	shalt  }

// kernel: scatter_offload_async_start
scs
__scs_entry_jumppad:
0x0: {  	(pc) =	sbr.rel $0x88, $3  }
0x1: {  	(tag) =	ssettag $0x0;
	lr =	simm.s32 $0x1  }
0x2: {  	[smem:$0x3F89] =	sst lr;
	_ =	strace $0xD0000000  }
0x3: {  	_ = 	snop  }
0x4: {  	_ = 	snop  }
0x5: {  	_ = 	snop  }
0x6: {  	_ = 	snop  }
0x7: {  	_ = 	snop  }
__scs_overlays_trampoline_lowered:
0x8: {  	[smem:$0x3F98] =	sst s0  }
0x9: {  	[smem:$0x3F99] =	sst s1  }
0xa: {  	[smem:$0x3F9A] =	sst s2  }
0xb: {  	[smem:$0x3F9B] =	sst s3  }
0xc: {  	[smem:$0x3F9C] =	sst s4  }
0xd: {  	[smem:$0x3F9D] =	sst s5  }
0xe: {  	[smem:$0x3F9E] =	sst s6  }
0xf: {  	[smem:$0x3F9F] =	sst s7  }
0x10: {  	[smem:$0x3FA0] =	sst s8  }
0x11: {  	[smem:$0x3FA1] =	sst s9;
	s0 =	simm.s32 @!p0 $0x0  }
0x12: {  	s1 =	sld [smem:$0x3F87];
	s0 =	simm.s32 @p0 $0x1  }
0x13: {  	[smem:$0x3FA2] =	sst s0;
	s0 =	simm.s32 @!p1 $0x0  }
0x14: {  	s2 =	sld [smem:$0x3F86];
	s0 =	simm.s32 @p1 $0x1  }
0x15: {  	[smem:$0x3FA3] =	sst s0;
	s0 =	simm.s32 @!p2 $0x0  }
0x16: {  	s3 =	sld [smem:$0x3FDB];
	s0 =	simm.s32 @p2 $0x1  }
0x17: {  	s4 =	simm.s32 $0x1BF5;
	[smem:$0x3FA5] =	sst s0  }
0x18: {  	s0 =	sld [smem:$0x3F88];
	_ =	swait.ge [sflag:s4], $0x0  }
0x19: {  	s7 =	sld [smem:$0x3F89]  }
0x1a: {  	s8 =	sadd.s32 $0xFFFFE003, lr  }
0x1b: {  	s9 =	sadd.s32 $0xFFFFFEF7, lr;
	s5 =	simm.s32 $0xFFFFFFFF;
	p2 =	slt.u32 s8, $0xFFFFF086  }
0x1c: {  	p1 =	slt.u32 s9, $0xF7A;
	s5 =	simm.s32 @!p2 $0x0  }
0x1d: {  	s5 =	simm.s32 @p1 $0x1;
	p0 =	seq.s32 s7, s2  }
0x1e: {  	s7 =	smul.u32 @!p0 $0xF7A, s2;
	p2 =	seq.s32 @!p0 s5, $0x0  }
0x1f: {  	s9 =	smul.u32 $0xF7A, s1;
	s8 =	simm.s32 @!p0 $0x1BF5;
	p2 =	por !p2, p0  }
0x20: {  	[sflag:s8] =	ssyncset.s32 @!p0 $0xFFFFF086;
	s6 =	sadd.s32 @!p0 s3, s7;
	s7 =	simm.s32 @!p0 $0x108  }
0x21: {  	s3 =	sadd.s32 s3, s9;
	s6 =	sadd.s32 @!p0 $0x88, s6;
	s7 =	simm.s32 @p2 $0x1082  }
0x22: {  	[simem:s7], [sflag:s8] =	dma.local @!p0 [hbm:s6], $0xF7A  }
0x23: {  	s9 =	sor.u32 $0xD0000000, s2;
	s6 =	simm.s32 $0x108;
	_ =	swait.ge @!p0 [sflag:s8], $0x0  }
0x24: {  	s3 =	sadd.s32 $0x88, s3;
	s6 =	simm.s32 @!p1 $0x1082;
	[sflag:s4] =	ssyncset.s32 $0xFFFFF086  }
0x25: {  	[simem:s6], [sflag:s4] =	dma.local [hbm:s3], $0xF7A  }
0x26: {  	[smem:$0x3F89] =	sst s1;
	(tag) =	ssettag s2;
	_ =	strace s9  }
0x27: {  	s1 =	sld [smem:$0x3F99]  }
0x28: {  	s2 =	sld [smem:$0x3F9A]  }
0x29: {  	s4 =	sld [smem:$0x3F9C]  }
0x2a: {  	p0 =	seq.s32 s5, $0x0;
	s5 =	sld [smem:$0x3F9D]  }
0x2b: {  	s6 =	sld [smem:$0x3F9E]  }
0x2c: {  	s7 =	sld [smem:$0x3F9F]  }
0x2d: {  	s3 =	simm.s32 $0x108;
	s8 =	sld [smem:$0x3FA0]  }
0x2e: {  	s3 =	simm.s32 @!p0 $0x1082;
	s9 =	sld [smem:$0x3FA1]  }
0x2f: {  	lr =	sadd.s32 s0, s3;
	s0 =	sld [smem:$0x3F98]  }
0x30: {  	s3 =	sld [smem:$0x3F9B]  }
0x31: {  	[smem:$0x3FA4] =	sst s10  }
0x32: {  	s10 =	sld [smem:$0x3FA2];
	_ =	sdelay $0x3  }
0x33: {  	p0 =	seq.s32 s10, $0x1;
	s10 =	sld [smem:$0x3FA4];
	_ =	sdelay $0x3  }
0x34: {  	[smem:$0x3FA4] =	sst s10  }
0x35: {  	s10 =	sld [smem:$0x3FA3];
	_ =	sdelay $0x3  }
0x36: {  	p1 =	seq.s32 s10, $0x1;
	s10 =	sld [smem:$0x3FA4];
	_ =	sdelay $0x3  }
0x37: {  	[smem:$0x3FA4] =	sst s10  }
0x38: {  	s10 =	sld [smem:$0x3FA5]  }
0x39: {  	_ = 	snop;
	(pc) =	sbr.ind lr, $3  }
0x3a: {  	_ = 	snop  }
0x3b: {  	_ = 	snop  }
0x3c: {  	p2 =	seq.s32 s10, $0x1;
	s10 =	sld [smem:$0x3FA4]  }
0x3d: {  	_ =	shalt  }
0x3e: {  	_ =	shalt  }
0x3f: {  	_ =	shalt  }
0x40: {  	_ =	shalt  }
0x41: {  	_ =	shalt  }
0x42: {  	_ =	shalt  }
0x43: {  	_ =	shalt  }
0x44: {  	_ =	shalt  }
0x45: {  	_ =	shalt  }
0x46: {  	_ =	shalt  }
0x47: {  	_ =	shalt  }
0x48: {  	_ =	shalt  }
0x49: {  	_ =	shalt  }
0x4a: {  	_ =	shalt  }
0x4b: {  	_ =	shalt  }
0x4c: {  	_ =	shalt  }
0x4d: {  	_ =	shalt  }
0x4e: {  	_ =	shalt  }
0x4f: {  	_ =	shalt  }
0x50: {  	_ =	shalt  }
0x51: {  	_ =	shalt  }
0x52: {  	_ =	shalt  }
0x53: {  	_ =	shalt  }
0x54: {  	_ =	shalt  }
0x55: {  	_ =	shalt  }
0x56: {  	_ =	shalt  }
0x57: {  	_ =	shalt  }
0x58: {  	_ =	shalt  }
0x59: {  	_ =	shalt  }
0x5a: {  	_ =	shalt  }
0x5b: {  	_ =	shalt  }
0x5c: {  	_ =	shalt  }
0x5d: {  	_ =	shalt  }
0x5e: {  	_ =	shalt  }
0x5f: {  	_ =	shalt  }
0x60: {  	_ =	shalt  }
0x61: {  	_ =	shalt  }
0x62: {  	_ =	shalt  }
0x63: {  	_ =	shalt  }
0x64: {  	_ =	shalt  }
0x65: {  	_ =	shalt  }
0x66: {  	_ =	shalt  }
0x67: {  	_ =	shalt  }
0x68: {  	_ =	shalt  }
0x69: {  	_ =	shalt  }
0x6a: {  	_ =	shalt  }
0x6b: {  	_ =	shalt  }
0x6c: {  	_ =	shalt  }
0x6d: {  	_ =	shalt  }
0x6e: {  	_ =	shalt  }
0x6f: {  	_ =	shalt  }
0x70: {  	_ =	shalt  }
0x71: {  	_ =	shalt  }
0x72: {  	_ =	shalt  }
0x73: {  	_ =	shalt  }
0x74: {  	_ =	shalt  }
0x75: {  	_ =	shalt  }
0x76: {  	_ =	shalt  }
0x77: {  	_ =	shalt  }
0x78: {  	_ =	shalt  }
0x79: {  	_ =	shalt  }
0x7a: {  	_ =	shalt  }
0x7b: {  	_ =	shalt  }
0x7c: {  	_ =	shalt  }
0x7d: {  	_ =	shalt  }
0x7e: {  	_ =	shalt  }
0x7f: {  	_ =	shalt  }
0x80: {  	_ =	shalt  }
0x81: {  	_ =	shalt  }
0x82: {  	_ =	shalt  }
0x83: {  	_ =	shalt  }
0x84: {  	_ =	shalt  }
0x85: {  	_ =	shalt  }
0x86: {  	_ =	shalt  }
0x87: {  	_ =	shalt  }
.Lfunc_end0:
.L_simem_size_0:
called_computation_lowered:
.L_overlay_start_0:
0x88: {  	s2 =	sld [smem:$0x3FD9]  }
0x89: {  	s3 =	sld [smem:$0x3FFE];
	_ =	sdelay $0x1  }
0x8a: {  	s1 =	srdreg.scid  }
0x8b: {  	s0 =	sand.u32 $0x1, s1  }
0x8c: {  	s15 =	sshll.u32 s0, $0xA;
	s2 =	sadd.s32 s3, s2  }
0x8d: {  	s2 =	sadd.s32 s2, s15  }
0x8e: {  	[smem:$0x3FB0] =	sst s2  }
0x8f: {  	_ = 	snop  }
0x90: {  	(tm) =	ssettm $0x1  }
0x91: {  	s16 =	sld [smem:$0x3FFB];
	_ =	sdelay $0x3  }
0x92: {  	_ =	strace s16  }
0x93: {  	s2 =	sld [smem:$0x3FFC];
	_ =	sdelay $0x3  }
0x94: {  	_ =	strace s2  }
0x95: {  	s2 =	sld [smem:$0x3FFD];
	_ =	sdelay $0x3  }
0x96: {  	_ =	strace s2  }
0x97: {  	_ =	strace $0x8FFFFFFF  }
0x98: {  	s17 =	sld [smem:$0x3FDB];
	_ =	sdelay $0x1  }
0x99: {  	s18 =	simm.s32 $_scs_section_size  }
0x9a: {  	s4 =	simm.s32 $_size__tile_overlayer_lowered;
	s5 =	simm.s32 $_tile_overlayer_lowered  }
0x9b: {  	s21 =	simm.s32 $0x1BFF;
	s20 =	sshll.u32 s5, $0x1;
	s2 =	sadd.s32 s18, s17  }
0x9c: {  	s6 =	simm.s32 $0x0;
	s19 =	sshll.u32 s4, $0x1;
	s4 =	sadd.s32 s20, s2  }
0x9d: {  	[timem:s6], [sflag:s21] =	dma.local [hbm:s4], s19  }
0x9e: {  	_ =	swait.ge [sflag:s21], s19  }
0x9f: {  	s3 =	ssub.s32 $0x0, s19;
	[sflag:s21] =	ssyncset.done $0x0  }
0xa0: {  	[sflag:s21] =	ssyncadd.s32 s3;
	_ =	sdelay $0x1  }
0xa1: {  	s22 =	simm.s32 $0x1B8B  }
0xa2: {  	_ =	swait.ge [sflag:s22], $0x1  }
0xa3: {  	[sflag:s22] =	ssyncset.done $0x0  }
0xa4: {  	s23 =	sld [smem:$0x3FFE];
	[sflag:s22] =	ssyncadd.s32 $0xFFFFFFFF  }
0xa5: {  	s25 =	simm.s32 $0x1B8E;
	s24 =	sld [smem:$0x0]  }
0xa6: {  	s26 =	simm.s32 $execute0_lowered;
	[smem:$0x3FD2] =	sst s25  }
0xa7: {  	s5 =	sshll.u32 s26, $0x1;
	_ =	strace $0x80000046;
	[dreg:$0x1] =	wrdreg $0xFFFFFFFF  }
0xa8: {  	s28 =	simm.s32 $_size_execute0_lowered;
	s2 =	sadd.s32 s2, s5;
	[dreg:$0x0] =	wrdreg $0x0  }
0xa9: {  	s5 =	sshll.u32 s28, $0x1;
	[dreg:$0x2] =	wrdreg s2  }
0xaa: {  	[dreg:$0x3] =	wrdreg s5  }
0xab: {  	[dreg:$0x4] =	wrdreg $0xC0  }
0xac: {  	_ =	task [dreg:s6], $0x5FFFF  }
0xad: {  	[dreg:$0x1] =	wrdreg $0xFFFFFFFF  }
0xae: {  	[dreg:$0x0] =	wrdreg $0x60  }
0xaf: {  	[dreg:$0x2] =	wrdreg s23  }
0xb0: {  	[dreg:$0x3] =	wrdreg s1  }
0xb1: {  	[dreg:$0x4] =	wrdreg s24  }
0xb2: {  	[dreg:$0x5] =	wrdreg $0x9  }
0xb3: {  	_ =	task.clear_ibuf [dreg:s6], $0x6FFFF;
	_ =	strace $0x90000046  }
0xb4: {  	s29 =	simm.s32 $0x9;
	_ =	strace $0x80000048  }
0xb5: {  	_ =	swait.ge [sflag:s29], $0x1  }
0xb6: {  	[sflag:s29] =	ssyncadd.s32 $0xFFFFFFFF  }
0xb7: {  	_ =	strace $0x90000048  }
0xb8: {  	_ =	sfence  }
0xb9: {  	s30 =	sld [smem:$0x0];
	_ =	sdelay $0x2  }
0xba: {  	s31 =	sshll.u32 s1, $0xD;
	s1 =	sshrl.u32 s1, $0x2  }
0xbb: {  	s3 =	sand.u32 $0x4000, s31;
	s1 =	sadd.s32 s1, s30  }
0xbc: {  	s0 =	sor.u32 s3, s0;
	s1 =	sshll.u32 s1, $0x11  }
0xbd: {  	s0 =	sor.u32 s1, s0  }
0xbe: {  	s0 =	sadd.s32 $0x8F2B, s0  }
0xbf: {  	[sflag:s0] =	ssyncadd.remote.s32 $0x1  }
0xc0: {  	_ =	sfence.sel $0xFFFF  }
0xc1: {  	[dreg:$0x0] =	wrdreg $0xFFFFFFFF;
	(pc) =	sbr.abs _section_cstart, $3  }
0xc2: {  	[dreg:$0x1] =	wrdreg $0xFFFFFFFF  }
0xc3: {  	_ =	task.clear_ibuf [dreg:s6], $0x2FFFF;
	_ =	strace $0x9FFFFFFF  }
0xc4: {  	(tm) =	ssettm $0x7FFFFFFF  }
0xc5: {  	_ =	shalt  }
tec
execute0_lowered:
.L_overlay_start_1:
0x0: {  	(tag) =	ssettag $0x1  }
0x1: {  	s15 =	rddreg [dreg:$0x0]  }
0x2: {  	s2 =	rddreg [dreg:$0x1];
	_ =	strace $0x80000047;
	s0 =	simm.s32 $0x1  }
0x3: {  	v0 =	vimm.s32 $0x0;
	[sflag:s0] =	ssyncpa.u1 $0x0;
	s0 =	simm.s32 $0x108  }
0x4: {  	[tilespmem:s0+$0x70] =	vst v0  }
0x5: {  	[tilespmem:s0+$0x60] =	vst v0  }
0x6: {  	[tilespmem:s0+$0x50] =	vst v0  }
0x7: {  	[tilespmem:s0+$0x40] =	vst v0  }
0x8: {  	[tilespmem:s0+$0x30] =	vst v0  }
0x9: {  	s3 =	simm.s32 $0x40;
	s1 =	sadd.s32 $0x13C00, s15;
	[tilespmem:s0+$0x20] =	vst v0  }
0xa: {  	s6 =	sadd.s32 $0x3AE00, s15;
	s14 =	sadd.s32 $0x51CE00, s15;
	s5 =	sand.u32 $0x1, s2;
	[tilespmem:s0+$0x10] =	vst v0  }
.LBB2_1:
0xb: {  	s3 =	sadd.s32 $0x40, s3;
	[tilespmem:s0+$0x0] =	vst v0;
	s0 =	sadd.s32 $0x80, s0  }
0xc: {  	p0 =	slt.u32 s3, $0x3C40;
	[tilespmem:s0+$0x70] =	vst v0  }
0xd: {  	[tilespmem:s0+$0x60] =	vst v0  }
.Ltmp0:
0xe: {  	[tilespmem:s0+$0x50] =	vst v0;
	(pc) =	sbr.rel @p0 .LBB2_1-.Ltmp0, $4  }
0xf: {  	[tilespmem:s0+$0x40] =	vst v0  }
0x10: {  	[tilespmem:s0+$0x30] =	vst v0  }
0x11: {  	[tilespmem:s0+$0x20] =	vst v0  }
0x12: {  	[tilespmem:s0+$0x10] =	vst v0  }
0x13: {  	s9 =	stileid.u32  }
0x14: {  	s2 =	smul.u32 $0x29, s9  }
0x15: {  	s3 =	smin.u32 s9, $0xB  }
0x16: {  	s2 =	sadd.s32 s3, s2  }
0x17: {  	p0 =	slt.u32 s9, $0xB;
	s7 =	smul.u32 $0xF0, s2;
	s2 =	simm.s32 $0x2760  }
0x18: {  	s2 =	simm.s32 @!p0 $0x2670  }
0x19: {  	s2 =	sadd.s32 s2, s7  }
0x1a: {  	s8 =	smin.u32 s2, $0x27100  }
0x1b: {  	s2 =	ssub.s32 s8, s7  }
0x1c: {  	p0 =	sgt.s32 s2, $0x0  }
0x1d: {  	s29 =	simm.s32 $0x2;
	s10 =	simm.s32 $0x9;
	s2 =	simm.s32 @!p0 $0x0  }
0x1e: {  	s4 =	simm.s32 $0xA;
	s11 =	simm.s32 $0xB;
	s28 =	smulhi.u32 $0x88888889, s2  }
0x1f: {  	[dreg:$0x4] =	wrdreg s5;
	s31 =	smul.u32 $0x4E20, s5;
	s12 =	simm.s32 $0x1  }
0x20: {  	s22 =	simm.s32 $0x0;
	s18 =	simm.s32 $0xC;
	s30 =	sshrl.u32 s28, $0x7  }
0x21: {  	s20 =	simm.s32 $0x0;
	s21 =	simm.s32 $0x0;
	s3 =	smul.u32 $0xF0, s30  }
.Ltmp1:
0x22: {  	[tilespmem:s0+$0x0] =	vst v0;
	v0 =	vimm.s32 $0xFFFFFFFF;
	[sflag:s29] =	ssyncpa.u1 $0x0;
	s16 =	sshll.u32 s9, $0x8;
	(pc) =	sbr.rel .LBB2_3-.Ltmp1, $4  }
0x23: {  	[tilespmem:$0xF208] =	vst v0;
	[sflag:s10] =	ssyncpa.u1 $0x0;
	p0 =	sne.s32 s2, s3;
	s2 =	simm.s32 $0x1  }
0x24: {  	s14 =	sadd.s32 s31, s14;
	[sflag:s4] =	ssyncpa.u1 $0x0;
	s2 =	simm.s32 @!p0 $0x0  }
0x25: {  	s15 =	sadd.s32 s31, s15;
	[sflag:s11] =	ssyncpa.u1 $0x0;
	s13 =	sadd.s32 s2, s30  }
0x26: {  	v0 =	vlaneseq.u32;
	s19 =	smov.u32 s7;
	p0 =	por $0x0, $0x0;
	s17 =	sadd.s32 $0x1, s13  }
.LBB2_18:
0x27: {  	s0 =	sshrl.u32 s31, $0x2  }
.LBB2_20:
0x28: {  	_ =	swait.ge [sflag:s18], s0  }
0x29: {  	s31 =	ssub.s32 $0x0, s0;
	v1 =	vmov s24;
	vm0 =	veq.s32 v0, $0x0;
	[sflag:s18] =	ssyncset.done $0x0  }
0x2a: {  	vm15 =	veq.s32 v0, $0x2;
	v1 =	vsel vm0, s30, v1;
	[sflag:s18] =	ssyncadd.s32 s31  }
0x2b: {  	v1 =	vsel vm15, s22, v1;
	[sflag:s18] =	ssyncpa.u1 $0x1  }
0x2c: {  	[tilespmem:$0xF208] =	vst v1  }
.LBB2_21:
0x2d: {  	s0 =	sadd.s32 $0xF0, s19  }
0x2e: {  	s2 =	smov.u32 s7;
	p1 =	slt.s32 s0, s8  }
0x2f: {  	s2 =	smov.u32 @p1 s0;
	p1 =	sne.s32 s21, s17  }
.Ltmp2:
0x30: {  	_ = 	snop;
	(pc) =	sbr.rel @!p1 .LBB2_22-.Ltmp2, $3  }
0x31: {  	_ =	sdelay $0x1  }
0x32: {  	s22 =	smov.u32 s20;
	s31 =	sadd.s32 $0x1, s21;
	s20 =	smov.u32 s19  }
0x33: {  	p0 =	por !p0, !p0;
	s21 =	smov.u32 s31;
	s19 =	smov.u32 s2  }
.LBB2_3:
0x34: {  	p1 =	sge.u32 s21, s13  }
0x35: {  	s0 =	smulhi.u32 @!p1 $0xAAAAAAAB, s21  }
0x36: {  	s2 =	smov.u32 s19;
	p2 =	sgt.s32 @!p1 s19, $0x27010  }
0x37: {  	s3 =	sshra.s32 @!p1 s19, $0x1F;
	p2 =	por !p2, p1;
	s0 =	sshrl.u32 @!p1 s0, $0x1  }
0x38: {  	s3 =	sand.u32 @!p1 s3, s19;
	s2 =	simm.s32 @p2 $0x27010;
	s0 =	smul.u32 @!p1 $0x3, s0  }
0x39: {  	s2 =	ssub.s32 @!p1 s2, s3  }
0x3a: {  	s2 =	sadd.s32 @!p1 $0xFFFD8FF0, s2;
	s0 =	ssub.s32 @!p1 s21, s0  }
0x3b: {  	s3 =	sshll.u32 @!p1 s2, $0x2;
	p2 =	sgt.s32 @!p1 s2, $0xEF;
	s0 =	smul.u32 @!p1 $0x3C0, s0  }
0x3c: {  	s4 =	sand.u32 @!p1 $0x7, s19;
	s2 =	ssub.s32 @!p1 $0x3C0, s3;
	p2 =	por !p2, p1  }
0x3d: {  	s3 =	sshrl.u32 @!p1 s19, $0x3;
	s2 =	sshrl.u32 @!p1 s2, $0x2;
	s0 =	sshrl.u32 @!p1 s0, $0x2  }
0x3e: {  	s3 =	sadd.s32 @!p1 s3, s14;
	s2 =	simm.s32 @!p2 $0x0;
	s0 =	sadd.s32 @!p1 $0x10248, s0  }
0x3f: {  	[tilespmem:s0], [sflag:$0xA] =	stream.linear.gather @!p1 [hbm4b:s3+s4], s2, $0x38;
	[tilespmem:$0x1F6F8] =	vst v63  }
0x40: {  	s0 =	sadd.s32 $0xFFFFFFFF, s21  }
0x41: {  	p1 =	sge.u32 s0, s13  }
0x42: {  	p2 =	sgt.s32 @!p1 s20, $0x27010  }
0x43: {  	s2 =	smov.u32 s20;
	s3 =	sshra.s32 @!p1 s20, $0x1F;
	p2 =	por !p2, p1  }
0x44: {  	s3 =	sand.u32 @!p1 s3, s20;
	s2 =	simm.s32 @p2 $0x27010  }
0x45: {  	s2 =	ssub.s32 @!p1 s2, s3  }
0x46: {  	s2 =	sadd.s32 @!p1 $0xFFFD8FF0, s2  }
0x47: {  	s4 =	sand.u32 @!p1 $0x1, s0;
	s3 =	sshll.u32 @!p1 s2, $0x2  }
0x48: {  	p2 =	sgt.s32 @!p1 s2, $0xEF;
	s2 =	ssub.s32 @!p1 $0x3C0, s3;
	s3 =	smulhi.u32 @!p1 $0xAAAAAAAB, s0  }
0x49: {  	s23 =	smul.u32 @!p1 $0x3C0, s4;
	p2 =	por !p2, p1;
	s2 =	sshrl.u32 @!p1 s2, $0x2  }
0x4a: {  	s5 =	simm.s32 @!p1 $0xA;
	s2 =	simm.s32 @!p2 $0x0;
	s3 =	sshrl.u32 @!p1 s3, $0x1  }
0x4b: {  	s23 =	sshrl.u32 @!p1 s23, $0x2;
	_ =	swait.ge @!p1 [sflag:s5], s2;
	s3 =	smul.u32 @!p1 $0x3, s3  }
0x4c: {  	s23 =	sadd.s32 @!p1 $0x10518, s23;
	s24 =	ssub.s32 @!p1 $0x0, s2;
	[sflag:s5] =	ssyncset.done @!p1 $0x0  }
0x4d: {  	[sflag:s5] =	ssyncadd.s32 @!p1 s24;
	s5 =	sshrl.u32 @!p1 s20, $0x3;
	s0 =	ssub.s32 @!p1 s0, s3  }
0x4e: {  	s24 =	sand.u32 @!p1 $0x7, s20;
	s5 =	sadd.s32 @!p1 s5, s15;
	s0 =	smul.u32 @!p1 $0x3C0, s0  }
0x4f: {  	[tilespmem:s23], [sflag:$0xB] =	stream.linear.gather @!p1 [hbm4b:s5+s24], s2, $0x38;
	[tilespmem:$0x1F6F8] =	vst v63  }
0x50: {  	s3 =	ssub.s32 @!p1 $0x27100, s20;
	s2 =	smul.u32 @!p1 $0x1E000, s4  }
0x51: {  	p2 =	slt.s32 @!p1 s3, $0xF0  }
0x52: {  	p2 =	por !p2, p1;
	s0 =	sshrl.u32 @!p1 s0, $0x2;
	s2 =	sshrl.u32 @!p1 s2, $0x2  }
0x53: {  	s3 =	simm.s32 @p2 $0xF0;
	s0 =	sadd.s32 @!p1 $0x10248, s0;
	s2 =	sor.u32 @!p1 $0x106F8, s2  }
0x54: {  	[tilespmem:s2], [sflag:$0x9] =	stream.indirect.gather @!p1 [hbm4b:s6+s3], $0x80, s0, s3, $0xb8;
	[tilespmem:$0x1F6F8] =	vst v63  }
0x55: {  	p1 =	slt.u32 s21, $0x2  }
.Ltmp3:
0x56: {  	_ = 	snop;
	(pc) =	sbr.rel @p1 .LBB2_21-.Ltmp3, $1  }
0x57: {  	_ =	sdelay $0x3  }
0x58: {  	p1 =	sgt.s32 s22, $0x27010  }
0x59: {  	s0 =	smov.u32 s22;
	s2 =	sshra.s32 s22, $0x1F;
	s3 =	ssub.s32 $0x27100, s22  }
0x5a: {  	s0 =	simm.s32 @!p1 $0x27010;
	s2 =	sand.u32 s2, s22;
	p1 =	slt.s32 s3, $0xF0  }
0x5b: {  	s0 =	ssub.s32 s0, s2;
	s3 =	simm.s32 @!p1 $0xF0  }
0x5c: {  	s0 =	sadd.s32 $0xFFFD8FF0, s0;
	s25 =	sshll.u32 s3, $0x7  }
0x5d: {  	s26 =	sshll.u32 s0, $0x2;
	s2 =	sand.u32 $0x3FFFFF80, s25  }
0x5e: {  	p1 =	sgt.s32 s0, $0xEF;
	s29 =	ssub.s32 $0x3C0, s26;
	_ =	swait.ge [sflag:s10], s2  }
0x5f: {  	s2 =	ssub.s32 $0x0, s2;
	[sflag:s10] =	ssyncset.done $0x0;
	s0 =	sshrl.u32 s29, $0x2  }
0x60: {  	[sflag:s10] =	ssyncadd.s32 s2;
	s0 =	simm.s32 @p1 $0x0  }
0x61: {  	_ =	swait.ge [sflag:s11], s0  }
0x62: {  	s0 =	ssub.s32 $0x0, s0;
	[sflag:s11] =	ssyncset.done $0x0  }
0x63: {  	[sflag:s11] =	ssyncadd.s32 s0  }
0x64: {  	v1 =	vld [tilespmem:$0xF208];
	_ =	sdelay $0x4  }
0x65: {  	(v2sf) =	vpush v1, $0x0  }
0x66: {  	(v2sf) =	vpush v1, $0x1  }
0x67: {  	(v2sf) =	vpush v1, $0x2;
	_ =	sdelay $0x3  }
0x68: {  	s0 =	sadd.s32 $0xF0, s22  }
0x69: {  	s2 =	ssub.s32 $0x4E200, s22;
	p1 =	slt.s32 s8, s0  }
0x6a: {  	s0 =	smov.u32 @p1 s8;
	p1 =	sgt.s32 s2, $0x0  }
0x6b: {  	s26 =	ssub.s32 s0, s22;
	s2 =	simm.s32 @!p1 $0x0  }
0x6c: {  	p1 =	slt.s32 s2, s26  }
0x6d: {  	s26 =	smov.u32 @p1 s2  }
0x6e: {  	s25 =	simm.s32 $0x1;
	p1 =	slt.s32 s26, $0x1  }
.Ltmp4:
0x6f: {  	s25 =	simm.s32 @!p0 $0x0;
	(pc) =	sbr.rel @p1 .LBB2_8-.Ltmp4, $4  }
0x70: {  	s31 =	smul.u32 $0x3C0, s25  }
0x71: {  	s28 =	spop (v2sf)  }
0x72: {  	s0 =	sshrl.u32 s31, $0x2;
	s30 =	spop (v2sf)  }
0x73: {  	s23 =	sadd.s32 $0x10518, s0;
	s22 =	spop (v2sf)  }
0x74: {  	s0 =	smin.u32 s26, $0x10  }
0x75: {  	v1 =	vmov s0  }
0x76: {  	p2 =	sgt.s32 s26, $0x10;
	vm1 =	vgt.u32 v1, v0  }
.Ltmp5:
0x77: {  	_ = 	snop;
	(pc) =	sbr.rel @!p2 .LBB2_7-.Ltmp5, $2  }
0x78: {  	_ =	sdelay $0x2  }
0x79: {  	s4 =	simm.s32 $0x10;
	s24 =	sadd.s32 $0xFFFFFFF0, s26;
	s0 =	smov.u32 s23;
	vm0 =	vmmov vm1  }
.LBB2_6:
0x7a: {  	s2 =	smin.u32 s24, $0x10;
	s4 =	sadd.s32 $0x10, s4;
	v1 =	vld.msk [tilespmem:s0+$0x0 ss:$0x1], vm1  }
0x7b: {  	v2 =	vmov s2;
	p2 =	slt.s32 s4, s26  }
0x7c: {  	vm1 =	vgt.u32 v2, v0  }
.Ltmp6:
0x7d: {  	(pc) =	sbr.rel @p2 .LBB2_6-.Ltmp6, $3  }
0x7e: {  	_ =	sdelay $0x1  }
0x7f: {  	v1 =	vshll.u32 v1, $0x4  }
0x80: {  	s24 =	sadd.s32 $0xFFFFFFF0, s24;
	[tilespmem:s0+$0x0] =	vst.msk vm0, v1;
	s0 =	sadd.s32 $0x10, s0;
	vm0 =	vmmov vm1  }
.LBB2_7:
0x81: {  	_ =	sdelay $0x4  }
0x82: {  	v1 =	vld.msk [tilespmem:s0+$0x0 ss:$0x1], vm1;
	_ =	sdelay $0x4  }
0x83: {  	v1 =	vshll.u32 v1, $0x4  }
0x84: {  	[tilespmem:s0+$0x0] =	vst.msk vm0, v1  }
.LBB2_8:
0x85: {  	s0 =	sand.u32 $0x1, s21  }
0x86: {  	s0 =	smul.u32 $0xF0, s0  }
0x87: {  	p2 =	sne.s32 s30, $0xFFFFFFFF  }
0x88: {  	v1 =	vld.msk @!p2 [tilespmem:s0+$0x10518], $0x1;
	_ =	sdelay $0x4  }
0x89: {  	(v2sf) =	vpush @!p2 v1, $0x0;
	_ =	sdelay $0xc  }
.Ltmp7:
0x8a: {  	_ = 	snop;
	(pc) =	sbr.rel @p1 .LBB2_19-.Ltmp7, $4  }
0x8b: {  	_ = 	snop  }
0x8c: {  	s29 =	spop @!p2 (v2sf)  }
0x8d: {  	s22 =	simm.s32 @!p2 $0x0;
	s24 =	smov.u32 s29  }
0x8e: {  	[sflag:s18] =	ssyncpa.u1 $0x0;
	s29 =	smov.u32 @p2 s28;
	s24 =	smov.u32 @p2 s30  }
0x8f: {  	v1 =	vld.msk [tilespmem:s23+$0x0], $0x1;
	_ =	sdelay $0x4  }
0x90: {  	(v2sf) =	vpush v1, $0x0;
	_ =	sdelay $0xe  }
0x91: {  	s2 =	smul.u32 $0x1E000, s25;
	s0 =	spop (v2sf)  }
0x92: {  	s26 =	ssub.s32 $0x0, s26;
	p1 =	seq.s32 s29, s0  }
0x93: {  	s30 =	sadd.s32 $0x1, s26;
	s2 =	sshrl.u32 s2, $0x2;
	p2 =	sgt.s32 @!p1 s29, $0x0  }
0x94: {  	s25 =	sor.u32 $0x10738, s2;
	s2 =	smov.u32 s29;
	p2 =	por !p2, p1  }
0x95: {  	s2 =	simm.s32 @p2 $0x0;
	p2 =	seq.s32 s30, $0x0  }
.Ltmp8:
0x96: {  	_ = 	snop;
	(pc) =	sbr.rel @p2 .LBB2_11-.Ltmp8, $4  }
0x97: {  	_ = 	snop  }
0x98: {  	s28 =	simm.s32 $0x0;
	s31 =	sadd.s32 $0x1, s23;
	s2 =	smin.u32 @!p1 s2, $0x270F0  }
0x99: {  	s4 =	simm.s32 @!p1 $0x1;
	s5 =	simm.s32 @!p1 $0x7988;
	s3 =	sand.u32 @!p1 $0x3FFF8, s2  }
0x9a: {  	s4 =	smov.u32 @p1 s28;
	s2 =	sand.u32 @!p1 $0x7, s2;
	s3 =	sadd.s32 @!p1 s1, s3  }
.LBB2_10:
0x9b: {  	s9 =	smov.u32 s4  }
0x9c: {  	[tilespmem:s5], [sflag:$0x2] =	stream.linear.gather @!p1 [hbm4b:s3+s2], $0x80, $0x38;
	[tilespmem:$0x1F6F8] =	vst v63  }
0x9d: {  	s30 =	sadd.s32 $0x1, s30;
	s2 =	smov.u32 s0;
	v1 =	vld.msk [tilespmem:s31+$0x0], $0x1  }
0x9e: {  	p2 =	seq.s32 s30, $0x0;
	_ =	sdelay $0x3  }
0x9f: {  	(v2sf) =	vpush v1, $0x0;
	_ =	sdelay $0xe  }
0xa0: {  	s0 =	spop (v2sf)  }
0xa1: {  	p1 =	seq.s32 s2, s0  }
0xa2: {  	p3 =	sgt.s32 @!p1 s2, $0x0;
	s3 =	sshll.u32 @!p1 s4, $0x9;
	s4 =	sadd.s32 @!p1 $0x1, s4  }
.Ltmp9:
0xa3: {  	p3 =	por !p3, p1;
	s3 =	sshra.s32 @!p1 s3, $0x2;
	(pc) =	sbr.rel @!p2 .LBB2_10-.Ltmp9, $4  }
0xa4: {  	s4 =	smov.u32 @p1 s9;
	s2 =	simm.s32 @p3 $0x0;
	s5 =	sadd.s32 @!p1 $0x7988, s3  }
0xa5: {  	s2 =	smin.u32 @!p1 s2, $0x270F0  }
0xa6: {  	s3 =	sand.u32 @!p1 $0x3FFF8, s2;
	s2 =	sand.u32 @!p1 $0x7, s2  }
0xa7: {  	s31 =	sadd.s32 $0x1, s31;
	s3 =	sadd.s32 @!p1 s1, s3  }
.LBB2_11:
0xa8: {  	[tilespmem:s5], [sflag:$0x2] =	stream.linear.gather @!p1 [hbm4b:s3+s2], $0x80, $0x38;
	[tilespmem:$0x1F6F8] =	vst v63  }
.Ltmp10:
0xa9: {  	s0 =	sshll.u32 s4, $0x7;
	(pc) =	sbr.rel .LBB2_12-.Ltmp10, $4  }
0xaa: {  	s30 =	simm.s32 $0x2;
	s0 =	sand.u32 $0x3FFFFF80, s0  }
0xab: {  	_ =	swait.ge [sflag:s30], s0  }
0xac: {  	s0 =	ssub.s32 $0x0, s0;
	[sflag:s30] =	ssyncset.done $0x0  }
0xad: {  	s31 =	simm.s32 $0x0;
	[sflag:s30] =	ssyncadd.s32 s0  }
.LBB2_13:
0xae: {  	v1 =	vld [tilespmem:s25+$0xFFFFFFC0];
	_ =	sdelay $0x3  }
0xaf: {  	s0 =	sshra.s32 s0, $0x2  }
0xb0: {  	[tilespmem:s0+$0x108] =	vst.add.f32.msk $0xffff, v1  }
0xb1: {  	v1 =	vld [tilespmem:s25+$0xFFFFFFD0];
	_ =	sdelay $0x4  }
0xb2: {  	[tilespmem:s0+$0x118] =	vst.add.f32.msk $0xffff, v1  }
0xb3: {  	v1 =	vld [tilespmem:s25+$0xFFFFFFE0];
	_ =	sdelay $0x4  }
0xb4: {  	[tilespmem:s0+$0x128] =	vst.add.f32.msk $0xffff, v1  }
0xb5: {  	v1 =	vld [tilespmem:s25+$0xFFFFFFF0];
	_ =	sdelay $0x4  }
0xb6: {  	[tilespmem:s0+$0x138] =	vst.add.f32.msk $0xffff, v1  }
0xb7: {  	v1 =	vld [tilespmem:s25+$0x0];
	_ =	sdelay $0x4  }
0xb8: {  	[tilespmem:s0+$0x148] =	vst.add.f32.msk $0xffff, v1  }
0xb9: {  	v1 =	vld [tilespmem:s25+$0x10];
	_ =	sdelay $0x4  }
0xba: {  	[tilespmem:s0+$0x158] =	vst.add.f32.msk $0xffff, v1  }
0xbb: {  	v1 =	vld [tilespmem:s25+$0x20];
	_ =	sdelay $0x4  }
0xbc: {  	[tilespmem:s0+$0x168] =	vst.add.f32.msk $0xffff, v1  }
0xbd: {  	v1 =	vld [tilespmem:s25+$0x30];
	_ =	sdelay $0x4  }
0xbe: {  	[tilespmem:s0+$0x178] =	vst.add.f32.msk $0xffff, v1  }
.LBB2_17:
0xbf: {  	s26 =	sadd.s32 $0x1, s26  }
0xc0: {  	p1 =	seq.s32 s26, $0x0  }
.Ltmp11:
0xc1: {  	_ = 	snop;
	(pc) =	sbr.rel @p1 .LBB2_18-.Ltmp11, $2  }
0xc2: {  	_ =	sdelay $0x2  }
0xc3: {  	s23 =	sadd.s32 $0x1, s23;
	s25 =	sadd.s32 $0x80, s25;
	s29 =	smov.u32 s30  }
.LBB2_12:
0xc4: {  	v1 =	vld.msk [tilespmem:s23+$0x0], $0x1;
	_ =	sdelay $0x4  }
0xc5: {  	(v2sf) =	vpush v1, $0x0;
	_ =	sdelay $0xe  }
0xc6: {  	s30 =	spop (v2sf)  }
0xc7: {  	p1 =	sne.s32 s29, s30  }
.Ltmp12:
0xc8: {  	_ = 	snop;
	(pc) =	sbr.rel @!p1 .LBB2_13-.Ltmp12, $2  }
0xc9: {  	_ =	sdelay $0x2  }
0xca: {  	s0 =	sshll.u32 s22, $0x9  }
0xcb: {  	p1 =	seq.s32 s29, s24  }
.Ltmp13:
0xcc: {  	_ = 	snop;
	(pc) =	sbr.rel @!p1 .LBB2_15-.Ltmp13, $1  }
0xcd: {  	_ =	sdelay $0x3  }
0xce: {  	s0 =	sshra.s32 s0, $0x2  }
.Ltmp14:
0xcf: {  	s0 =	sadd.s32 $0x108, s0;
	(pc) =	sbr.rel .LBB2_16-.Ltmp14, $4  }
0xd0: {  	[spmem:s16] =	stream.linear.scatter [tilespmem:s0], [sflag:$0x1], $0x80, $0x38;
	[tilespmem:$0x1F6F8] =	vst v63  }
0xd1: {  	_ =	swait.ge [sflag:s12], $0x80  }
0xd2: {  	[sflag:s12] =	ssyncset.done $0x0  }
0xd3: {  	[sflag:s12] =	ssyncadd.s32 $0xFFFFFF80  }
.LBB2_15:
0xd4: {  	s2 =	sshll.u32 s28, $0x9  }
0xd5: {  	s2 =	sshra.s32 s2, $0x2  }
0xd6: {  	v1 =	vld [tilespmem:s2+$0x7988];
	_ =	sdelay $0x3  }
0xd7: {  	s0 =	sshra.s32 s0, $0x2  }
0xd8: {  	[tilespmem:s0+$0x108] =	vst.add.f32.msk $0xffff, v1  }
0xd9: {  	v1 =	vld [tilespmem:s2+$0x7998];
	_ =	sdelay $0x4  }
0xda: {  	[tilespmem:s0+$0x118] =	vst.add.f32.msk $0xffff, v1  }
0xdb: {  	v1 =	vld [tilespmem:s2+$0x79A8];
	_ =	sdelay $0x4  }
0xdc: {  	[tilespmem:s0+$0x128] =	vst.add.f32.msk $0xffff, v1  }
0xdd: {  	v1 =	vld [tilespmem:s2+$0x79B8];
	_ =	sdelay $0x4  }
0xde: {  	[tilespmem:s0+$0x138] =	vst.add.f32.msk $0xffff, v1  }
0xdf: {  	v1 =	vld [tilespmem:s2+$0x79C8];
	_ =	sdelay $0x4  }
0xe0: {  	[tilespmem:s0+$0x148] =	vst.add.f32.msk $0xffff, v1  }
0xe1: {  	v1 =	vld [tilespmem:s2+$0x79D8];
	_ =	sdelay $0x4  }
0xe2: {  	[tilespmem:s0+$0x158] =	vst.add.f32.msk $0xffff, v1  }
0xe3: {  	v1 =	vld [tilespmem:s2+$0x79E8];
	_ =	sdelay $0x4  }
0xe4: {  	[tilespmem:s0+$0x168] =	vst.add.f32.msk $0xffff, v1  }
0xe5: {  	v1 =	vld [tilespmem:s2+$0x79F8];
	_ =	sdelay $0x2  }
0xe6: {  	p1 =	sgt.u32 s29, $0x270F0  }
0xe7: {  	s2 =	sand.u32 @!p1 $0x3FFF8, s29  }
0xe8: {  	s3 =	sadd.s32 $0x108, s0;
	[tilespmem:s0+$0x178] =	vst.add.f32.msk $0xffff, v1;
	s0 =	sadd.s32 @!p1 s1, s2;
	s2 =	sand.u32 @!p1 $0x7, s29  }
0xe9: {  	[hbm4b:s0+s2] =	stream.linear.scatter @!p1 [tilespmem:s3], [sflag:$0xC], $0x80, $0x38;
	[tilespmem:$0x1F6F8] =	vst v63  }
0xea: {  	s0 =	simm.s32 $0x0  }
0xeb: {  	s0 =	simm.s32 @!p1 $0x200  }
0xec: {  	s31 =	sadd.s32 s0, s31  }
.LBB2_16:
0xed: {  	s0 =	sadd.s32 $0x1, s22  }
0xee: {  	s2 =	smulhi.u32 $0x88888889, s0;
	_ =	sdelay $0x1  }
0xef: {  	v1 =	vld [tilespmem:s25+$0xFFFFFFC0];
	s2 =	sshrl.u32 s2, $0x7  }
0xf0: {  	s2 =	smul.u32 $0xF0, s2;
	_ =	sdelay $0x1  }
0xf1: {  	s22 =	ssub.s32 s0, s2  }
0xf2: {  	s0 =	sshll.u32 s22, $0x7  }
0xf3: {  	[tilespmem:s0+$0x108] =	vst v1  }
0xf4: {  	v1 =	vld [tilespmem:s25+$0xFFFFFFD0];
	_ =	sdelay $0x4  }
0xf5: {  	[tilespmem:s0+$0x118] =	vst v1  }
0xf6: {  	v1 =	vld [tilespmem:s25+$0xFFFFFFE0];
	_ =	sdelay $0x4  }
0xf7: {  	[tilespmem:s0+$0x128] =	vst v1  }
0xf8: {  	v1 =	vld [tilespmem:s25+$0xFFFFFFF0];
	_ =	sdelay $0x4  }
0xf9: {  	[tilespmem:s0+$0x138] =	vst v1  }
0xfa: {  	v1 =	vld [tilespmem:s25+$0x0];
	_ =	sdelay $0x4  }
0xfb: {  	[tilespmem:s0+$0x148] =	vst v1  }
0xfc: {  	v1 =	vld [tilespmem:s25+$0x10];
	_ =	sdelay $0x4  }
0xfd: {  	[tilespmem:s0+$0x158] =	vst v1  }
0xfe: {  	v1 =	vld [tilespmem:s25+$0x20];
	_ =	sdelay $0x4  }
0xff: {  	[tilespmem:s0+$0x168] =	vst v1  }
0x100: {  	v1 =	vld [tilespmem:s25+$0x30]  }
.Ltmp15:
0x101: {  	_ = 	snop;
	(pc) =	sbr.rel .LBB2_17-.Ltmp15, $2  }
0x102: {  	_ =	sdelay $0x2  }
0x103: {  	s28 =	sadd.s32 $0x1, s28;
	[tilespmem:s0+$0x178] =	vst v1  }
.LBB2_19:
.Ltmp16:
0x104: {  	(pc) =	sbr.rel .LBB2_20-.Ltmp16, $4  }
0x105: {  	_ = 	snop  }
0x106: {  	s0 =	simm.s32 $0x2  }
0x107: {  	_ =	swait.ge [sflag:s0], $0x0  }
0x108: {  	s30 =	smov.u32 s29;
	[sflag:s0] =	ssyncset.done $0x0;
	s0 =	simm.s32 $0x0  }
.LBB2_22:
0x109: {  	_ =	sfence.sel $0x180000  }
0x10a: {  	s0 =	simm.s32 $0x9;
	[bflag:$0x0] =	sbarrier.arrive $0xFFFF  }
0x10b: {  	s24 =	simm.s32 $0xA;
	[sflag:s0] =	ssyncpa.u1 $0x1  }
0x10c: {  	s25 =	simm.s32 $0xB;
	[sflag:s24] =	ssyncpa.u1 $0x1  }
0x10d: {  	s26 =	simm.s32 $0x2;
	[sflag:s25] =	ssyncpa.u1 $0x1  }
0x10e: {  	[sflag:s26] =	ssyncpa.u1 $0x1  }
0x10f: {  	v0 =	vld [tilespmem:$0xF208];
	_ =	sdelay $0x4  }
0x110: {  	(v2sf) =	vpush v0, $0x0  }
0x111: {  	(v2sf) =	vpush v0, $0x1;
	_ =	sdelay $0x1  }
0x112: {  	(v2sf) =	vpush v0, $0x2;
	_ =	sdelay $0xb  }
0x113: {  	s0 =	spop (v2sf)  }
0x114: {  	s2 =	spop (v2sf)  }
0x115: {  	s3 =	smov.u32 s0;
	p0 =	sne.s32 s0, s2  }
0x116: {  	s4 =	spop (v2sf);
	s3 =	simm.s32 @!p0 $0xFFFFFFFF  }
0x117: {  	v2 =	vimm.s32 $0x1;
	v3 =	vlaneseq.u32;
	p0 =	seq.s32 s4, $0xFFFFFFFF;
	v1 =	vmov s3  }
0x118: {  	s16 =	stileid.u32;
	v0 =	vperm.xlane v0, v2;
	p1 =	sne.s32 @!p0 s0, s2;
	v1 =	vperm.xlane v1, v3  }
0x119: {  	vm0 =	vcmask $0x3F04;
	s6 =	simm.s32 $0xF208;
	s0 =	simm.s32 @!p0 $0x1;
	p1 =	por !p1, p0  }
0x11a: {  	s3 =	sshll.u32 s16, $0x1;
	s2 =	sshll.u32 @!p0 s4, $0x9;
	s0 =	simm.s32 @p1 $0x0;
	v0 =	vsel vm0, v1, v0  }
0x11b: {  	s5 =	sor.u32 $0x1000, s3;
	s2 =	sshra.s32 @!p0 s2, $0x2;
	s0 =	sor.u32 @!p0 s0, s3;
	[tilespmem:$0xF208] =	vst v0  }
0x11c: {  	[spmem:s5] =	stream.linear.scatter [tilespmem:s6], [sflag:$0x1], $0x2, $0x38;
	[tilespmem:$0x1F6F8] =	vst v63  }
0x11d: {  	s2 =	sadd.s32 @!p0 $0x108, s2;
	s0 =	sshll.u32 @!p0 s0, $0x7  }
0x11e: {  	[spmem:s0] =	stream.linear.scatter @!p0 [tilespmem:s2], [sflag:$0x1], $0x80, $0x38;
	[tilespmem:$0x1F6F8] =	vst v63  }
0x11f: {  	s0 =	simm.s32 @!p0 $0x82  }
0x120: {  	s28 =	simm.s32 $0x1;
	s0 =	simm.s32 @p0 $0x2  }
0x121: {  	_ =	swait.ge [sflag:s28], s0  }
0x122: {  	s0 =	ssub.s32 $0x0, s0;
	[sflag:s28] =	ssyncset.done $0x0  }
0x123: {  	p0 =	sne.s32 s16, $0x0;
	[sflag:s28] =	ssyncadd.s32 s0  }
.Ltmp17:
0x124: {  	_ =	sfence.stream.spmem;
	(pc) =	sbr.rel @p0 .LBB2_39-.Ltmp17, $4  }
0x125: {  	s29 =	simm.s32 $0x3;
	[bflag:$0x0] =	sbarrier.arrive $0xFFFF  }
0x126: {  	s30 =	simm.s32 $0x4;
	[sflag:s29] =	ssyncpa.u1 $0x1  }
0x127: {  	s31 =	simm.s32 $0x3C;
	[sflag:s30] =	ssyncpa.u1 $0x1  }
0x128: {  	s15 =	rddreg [dreg:$0x4];
	[sflag:s31] =	ssyncpa.u1 $0x1  }
0x129: {  	_ =	sfence.stream.spmem;
	s0 =	simm.s32 $0x5  }
0x12a: {  	s2 =	simm.s32 $0x1000;
	s3 =	simm.s32 $0xF218;
	[sflag:s0] =	ssyncpa.u1 $0x0  }
0x12b: {  	[tilespmem:s3], [sflag:$0x5] =	stream.linear.gather [spmem:s2], $0x20, $0x38;
	[tilespmem:$0x1F6F8] =	vst v63  }
0x12c: {  	s26 =	simm.s32 $0x0;
	s28 =	simm.s32 $0xF238  }
0x12d: {  	[tilespmem:s28], [sflag:$0x5] =	stream.linear.gather [spmem:s26], $0x1000, $0x38;
	[tilespmem:$0x1F6F8] =	vst v63  }
0x12e: {  	_ =	swait.ge [sflag:s0], $0x1020  }
0x12f: {  	[sflag:s0] =	ssyncset.done $0x0  }
0x130: {  	s29 =	simm.s32 $0x0;
	[sflag:s0] =	ssyncadd.s32 $0xFFFFEFE0  }
0x131: {  	v0 =	vld.msk [tilespmem:s29+$0xF218], $0x1;
	_ =	sdelay $0x1  }
0x132: {  	s30 =	simm.s32 $0x1  }
0x133: {  	v1 =	vld.msk [tilespmem:s30+$0xF218], $0x1;
	_ =	sdelay $0x1  }
0x134: {  	(v2sf) =	vpush v0, $0x0;
	_ =	sdelay $0x2  }
0x135: {  	(v2sf) =	vpush v1, $0x0;
	_ =	sdelay $0x2  }
0x136: {  	s31 =	simm.s32 $0x2  }
0x137: {  	v0 =	vld.msk [tilespmem:s31+$0xF218], $0x1;
	_ =	sdelay $0x2  }
0x138: {  	s4 =	simm.s32 $0xFFFFFFFF;
	s5 =	simm.s32 $0xFFFFFFFF;
	s0 =	simm.s32 $0xC  }
.LBB2_24:
0x139: {  	s2 =	smov.u32 s5;
	s3 =	smov.u32 s4  }
0x13a: {  	s4 =	sshra.s32 s0, $0x2;
	p1 =	sne.s32 s0, $0x7C;
	s0 =	sadd.s32 $0x4, s0;
	(v2sf) =	vpush v0, $0x0  }
0x13b: {  	v0 =	vld.msk [tilespmem:s4+$0xF218], $0x1  }
.Ltmp18:
0x13c: {  	(pc) =	sbr.rel @p1 .LBB2_24-.Ltmp18, $4  }
0x13d: {  	s5 =	spop (v2sf)  }
0x13e: {  	p2 =	sne.s32 s3, $0xFFFFFFFF;
	s4 =	smov.u32 s5  }
0x13f: {  	p3 =	seq.s32 s5, $0xFFFFFFFF;
	s4 =	smov.u32 @p2 s3  }
0x140: {  	s5 =	smov.u32 @p3 s2;
	s4 =	smov.u32 @p3 s3  }
0x141: {  	(v2sf) =	vpush v0, $0x0;
	_ =	sdelay $0x8  }
0x142: {  	s0 =	spop (v2sf)  }
0x143: {  	p1 =	sne.s32 s4, $0xFFFFFFFF;
	s2 =	smov.u32 s0  }
0x144: {  	s9 =	simm.s32 $0x6;
	p2 =	seq.s32 s0, $0xFFFFFFFF;
	s2 =	smov.u32 @p1 s4  }
0x145: {  	s6 =	simm.s32 $0x0;
	s2 =	smov.u32 @p2 s4;
	s3 =	spop (v2sf)  }
0x146: {  	s0 =	smov.u32 @p2 s5;
	p1 =	sne.s32 s2, $0xFFFFFFFF;
	s4 =	smov.u32 s3  }
.Ltmp19:
0x147: {  	p2 =	seq.s32 s3, $0xFFFFFFFF;
	s4 =	smov.u32 @p1 s2;
	(pc) =	sbr.rel .LBB2_26-.Ltmp19, $4  }
0x148: {  	s10 =	simm.s32 $0xF188;
	s4 =	smov.u32 @p2 s2;
	s7 =	spop (v2sf)  }
0x149: {  	s11 =	simm.s32 $0x0;
	p1 =	sne.s32 s4, $0xFFFFFFFF;
	s8 =	smov.u32 s7  }
0x14a: {  	s3 =	smov.u32 @p2 s0;
	p2 =	seq.s32 s7, $0xFFFFFFFF;
	s8 =	smov.u32 @p1 s4  }
0x14b: {  	[sflag:s9] =	ssyncpa.u1 $0x0;
	s7 =	smov.u32 @p2 s3;
	s8 =	smov.u32 @p2 s4  }
.LBB2_32:
0x14c: {  	p1 =	sgt.u32 s12, $0x270F0  }
0x14d: {  	p2 =	seq.s32 @!p1 s12, s8  }
0x14e: {  	p1 =	por p1, p2  }
0x14f: {  	p2 =	sne.s32 @!p1 s12, s7  }
0x150: {  	p1 =	por p1, !p2  }
0x151: {  	s0 =	sshll.u32 @p1 s11, $0x9  }
0x152: {  	s0 =	sand.u32 @!p1 $0x3FFF8, s12  }
0x153: {  	s2 =	sand.u32 @!p1 $0x7, s12;
	s0 =	sadd.s32 @!p1 s1, s0  }
0x154: {  	[tilespmem:s10], [sflag:$0x6] =	stream.linear.gather @!p1 [hbm4b:s0+s2], $0x80, $0x38;
	[tilespmem:$0x1F6F8] =	vst v63  }
0x155: {  	_ =	swait.ge @!p1 [sflag:s9], $0x80  }
0x156: {  	[sflag:s9] =	ssyncset.done @!p1 $0x0  }
0x157: {  	[sflag:s9] =	ssyncadd.s32 @!p1 $0xFFFFFF80  }
0x158: {  	v1 =	vld @!p1 [tilespmem:$0xF188];
	_ =	sdelay $0x2  }
0x159: {  	s0 =	sshll.u32 @!p1 s11, $0x9  }
0x15a: {  	s2 =	sshrl.u32 @!p1 s0, $0x2  }
0x15b: {  	[tilespmem:s2+$0xF238] =	vst.add.f32.msk @!p1 $0xffff, v1  }
0x15c: {  	v1 =	vld @!p1 [tilespmem:$0xF198];
	_ =	sdelay $0x4  }
0x15d: {  	[tilespmem:s2+$0xF248] =	vst.add.f32.msk @!p1 $0xffff, v1  }
0x15e: {  	v1 =	vld @!p1 [tilespmem:$0xF1A8];
	_ =	sdelay $0x4  }
0x15f: {  	[tilespmem:s2+$0xF258] =	vst.add.f32.msk @!p1 $0xffff, v1  }
0x160: {  	v1 =	vld @!p1 [tilespmem:$0xF1B8];
	_ =	sdelay $0x4  }
0x161: {  	[tilespmem:s2+$0xF268] =	vst.add.f32.msk @!p1 $0xffff, v1  }
0x162: {  	v1 =	vld @!p1 [tilespmem:$0xF1C8];
	_ =	sdelay $0x4  }
0x163: {  	[tilespmem:s2+$0xF278] =	vst.add.f32.msk @!p1 $0xffff, v1  }
0x164: {  	v1 =	vld @!p1 [tilespmem:$0xF1D8];
	_ =	sdelay $0x4  }
0x165: {  	[tilespmem:s2+$0xF288] =	vst.add.f32.msk @!p1 $0xffff, v1  }
0x166: {  	v1 =	vld @!p1 [tilespmem:$0xF1E8];
	_ =	sdelay $0x4  }
0x167: {  	[tilespmem:s2+$0xF298] =	vst.add.f32.msk @!p1 $0xffff, v1  }
0x168: {  	v1 =	vld @!p1 [tilespmem:$0xF1F8];
	_ =	sdelay $0x4  }
0x169: {  	[tilespmem:s2+$0xF2A8] =	vst.add.f32.msk @!p1 $0xffff, v1  }
0x16a: {  	s0 =	sshrl.u32 s0, $0x2;
	[tilespmem:s6+$0xF218] =	vst.msk $0x1, v0  }
0x16b: {  	v0 =	vld [tilespmem:s0+$0xF238];
	_ =	sdelay $0x2  }
0x16c: {  	s31 =	sshll.u32 s6, $0x9  }
0x16d: {  	s2 =	sshra.s32 s31, $0x2  }
0x16e: {  	[tilespmem:s2+$0xF238] =	vst v0  }
0x16f: {  	v0 =	vld [tilespmem:s0+$0xF248];
	_ =	sdelay $0x4  }
0x170: {  	[tilespmem:s2+$0xF248] =	vst v0  }
0x171: {  	v0 =	vld [tilespmem:s0+$0xF258];
	_ =	sdelay $0x4  }
0x172: {  	[tilespmem:s2+$0xF258] =	vst v0  }
0x173: {  	v0 =	vld [tilespmem:s0+$0xF268];
	_ =	sdelay $0x4  }
0x174: {  	[tilespmem:s2+$0xF268] =	vst v0  }
0x175: {  	v0 =	vld [tilespmem:s0+$0xF278];
	_ =	sdelay $0x4  }
0x176: {  	[tilespmem:s2+$0xF278] =	vst v0  }
0x177: {  	v0 =	vld [tilespmem:s0+$0xF288];
	_ =	sdelay $0x4  }
0x178: {  	[tilespmem:s2+$0xF288] =	vst v0  }
0x179: {  	v0 =	vld [tilespmem:s0+$0xF298];
	_ =	sdelay $0x4  }
0x17a: {  	[tilespmem:s2+$0xF298] =	vst v0  }
0x17b: {  	v0 =	vld [tilespmem:s0+$0xF2A8];
	_ =	sdelay $0x4  }
0x17c: {  	s6 =	sadd.s32 $0x1, s6;
	[tilespmem:s2+$0xF2A8] =	vst v0  }
.LBB2_33:
0x17d: {  	s11 =	sadd.s32 $0x1, s11  }
0x17e: {  	p1 =	sne.s32 s11, $0x20  }
.Ltmp20:
0x17f: {  	_ = 	snop;
	(pc) =	sbr.rel @!p1 .LBB2_34-.Ltmp20, $1  }
0x180: {  	_ =	sdelay $0x3  }
.LBB2_26:
0x181: {  	v0 =	vld.msk [tilespmem:s11+$0xF218], $0x1;
	_ =	sdelay $0x4  }
0x182: {  	(v2sf) =	vpush v0, $0x0;
	_ =	sdelay $0xe  }
0x183: {  	s12 =	spop (v2sf)  }
0x184: {  	p1 =	seq.s32 s12, $0xFFFFFFFF  }
.Ltmp21:
0x185: {  	_ = 	snop;
	(pc) =	sbr.rel @p1 .LBB2_33-.Ltmp21, $1  }
0x186: {  	_ =	sdelay $0x3  }
0x187: {  	p1 =	slt.s32 s6, $0x1  }
.Ltmp22:
0x188: {  	_ = 	snop;
	(pc) =	sbr.rel @p1 .LBB2_32-.Ltmp22, $1  }
0x189: {  	_ =	sdelay $0x3  }
0x18a: {  	s13 =	simm.s32 $0xF218;
	p1 =	por $0x0, $0x0  }
0x18b: {  	v1 =	vld.msk @!p1 [tilespmem:s13+$0x0], $0x1;
	_ =	sdelay $0x4  }
0x18c: {  	(v2sf) =	vpush @!p1 v1, $0x0;
	_ =	sdelay $0xd  }
0x18d: {  	p3 =	sne.s32 s6, $0x1  }
.Ltmp23:
0x18e: {  	s0 =	spop @!p1 (v2sf);
	(pc) =	sbr.rel @!p3 .LBB2_30-.Ltmp23, $4  }
0x18f: {  	p2 =	seq.s32 @!p1 s12, s0  }
0x190: {  	s14 =	simm.s32 $0x0;
	p2 =	por !p2, p1  }
0x191: {  	s2 =	simm.s32 $0xFFFFFFFF;
	s14 =	simm.s32 @p2 $0xFFFFFFFF  }
0x192: {  	s0 =	simm.s32 $0x1;
	s14 =	smov.u32 @p1 s2  }
.LBB2_29:
0x193: {  	s2 =	smov.u32 s14;
	p1 =	sne.s32 s14, $0xFFFFFFFF  }
0x194: {  	s13 =	sadd.s32 $0x1, s13;
	s14 =	smov.u32 s0;
	s0 =	sadd.s32 $0x1, s0  }
0x195: {  	p2 =	sne.s32 s6, s0;
	v1 =	vld.msk @!p1 [tilespmem:s13+$0x0], $0x1;
	_ =	sdelay $0x4  }
0x196: {  	(v2sf) =	vpush @!p1 v1, $0x0;
	_ =	sdelay $0xe  }
.Ltmp24:
0x197: {  	s3 =	spop @!p1 (v2sf);
	(pc) =	sbr.rel @p2 .LBB2_29-.Ltmp24, $4  }
0x198: {  	p3 =	seq.s32 @!p1 s12, s3  }
0x199: {  	p3 =	por !p3, p1  }
0x19a: {  	s14 =	simm.s32 @p3 $0xFFFFFFFF  }
0x19b: {  	s14 =	smov.u32 @p1 s2  }
.LBB2_30:
0x19c: {  	p1 =	seq.s32 s14, $0xFFFFFFFF  }
.Ltmp25:
0x19d: {  	_ = 	snop;
	(pc) =	sbr.rel @p1 .LBB2_32-.Ltmp25, $1  }
0x19e: {  	_ =	sdelay $0x3  }
0x19f: {  	s0 =	sshll.u32 s11, $0x7  }
0x1a0: {  	s0 =	sand.u32 $0x3FFFFF80, s0  }
0x1a1: {  	v0 =	vld [tilespmem:s0+$0xF238];
	_ =	sdelay $0x2  }
0x1a2: {  	s2 =	sshll.u32 s14, $0x9  }
0x1a3: {  	s2 =	sshra.s32 s2, $0x2  }
0x1a4: {  	[tilespmem:s2+$0xF238] =	vst.add.f32.msk $0xffff, v0  }
0x1a5: {  	v0 =	vld [tilespmem:s0+$0xF248];
	_ =	sdelay $0x4  }
0x1a6: {  	[tilespmem:s2+$0xF248] =	vst.add.f32.msk $0xffff, v0  }
0x1a7: {  	v0 =	vld [tilespmem:s0+$0xF258];
	_ =	sdelay $0x4  }
0x1a8: {  	[tilespmem:s2+$0xF258] =	vst.add.f32.msk $0xffff, v0  }
0x1a9: {  	v0 =	vld [tilespmem:s0+$0xF268];
	_ =	sdelay $0x4  }
0x1aa: {  	[tilespmem:s2+$0xF268] =	vst.add.f32.msk $0xffff, v0  }
0x1ab: {  	v0 =	vld [tilespmem:s0+$0xF278];
	_ =	sdelay $0x4  }
0x1ac: {  	[tilespmem:s2+$0xF278] =	vst.add.f32.msk $0xffff, v0  }
0x1ad: {  	v0 =	vld [tilespmem:s0+$0xF288];
	_ =	sdelay $0x4  }
0x1ae: {  	[tilespmem:s2+$0xF288] =	vst.add.f32.msk $0xffff, v0  }
0x1af: {  	v0 =	vld [tilespmem:s0+$0xF298];
	_ =	sdelay $0x4  }
0x1b0: {  	[tilespmem:s2+$0xF298] =	vst.add.f32.msk $0xffff, v0  }
0x1b1: {  	v0 =	vld [tilespmem:s0+$0xF2A8]  }
.Ltmp26:
0x1b2: {  	_ = 	snop;
	(pc) =	sbr.rel .LBB2_33-.Ltmp26, $2  }
0x1b3: {  	_ =	sdelay $0x2  }
0x1b4: {  	[tilespmem:s2+$0xF2A8] =	vst.add.f32.msk $0xffff, v0  }
.LBB2_34:
0x1b5: {  	s0 =	simm.s32 $0x6;
	p1 =	seq.s32 s6, $0x0  }
0x1b6: {  	[sflag:s0] =	ssyncpa.u1 $0x1;
	v0 =	vimm.s32 @p1 $0xFFFFFFFF  }
0x1b7: {  	s9 =	sadd.s32 $0xFFFFFFFF, s6;
	[tilespmem:$0x10238] =	vst @p1 v0  }
0x1b8: {  	v0 =	vld.msk @!p1 [tilespmem:s9+$0xF218], $0x1;
	_ =	sdelay $0x1  }
0x1b9: {  	v1 =	vld.msk @!p1 [tilespmem:$0xF218], $0x1;
	_ =	sdelay $0x2  }
0x1ba: {  	p2 =	seq.s32 @!p1 s9, $0x0;
	v0 =	vbroadcast @!p1 v0, $0x0  }
0x1bb: {  	vm0 =	vmmov @!p1 $0x1;
	p2 =	por !p2, p1  }
0x1bc: {  	v1 =	vnsel @!p1 vm0, $0xFFFFFFFF, v1;
	vm0 =	vcmask @!p1 $0x308;
	v0 =	vpsel !p2, $0xFFFFFFFF, v0  }
0x1bd: {  	p2 =	sne.s32 @!p1 s8, s7;
	v0 =	vsel @!p1 vm0, v1, v0  }
0x1be: {  	s0 =	simm.s32 @!p1 $0xF238;
	s2 =	simm.s32 @!p1 $0x0;
	p3 =	por !p2, p1;
	[tilespmem:$0x10238] =	vst @!p1 v0  }
0x1bf: {  	[spmem:s2] =	stream.linear.scatter @!p1 [tilespmem:s0], [sflag:$0x1], $0x80, $0x38;
	[tilespmem:$0x1F6F8] =	vst v63  }
0x1c0: {  	s0 =	sshll.u32 @!p3 s9, $0x9  }
0x1c1: {  	s0 =	sshra.s32 @!p3 s0, $0x2  }
0x1c2: {  	s2 =	simm.s32 @!p3 $0x80;
	s0 =	sadd.s32 @!p3 $0xF238, s0  }
0x1c3: {  	[spmem:s2] =	stream.linear.scatter @!p3 [tilespmem:s0], [sflag:$0x1], $0x80, $0x38;
	[tilespmem:$0x1F6F8] =	vst v63  }
0x1c4: {  	s0 =	simm.s32 @!p3 $0x1  }
0x1c5: {  	_ =	swait.ge @!p3 [sflag:s0], $0x100  }
0x1c6: {  	p1 =	por p2, p1;
	[sflag:s0] =	ssyncset.done @!p3 $0x0  }
0x1c7: {  	[sflag:s0] =	ssyncadd.s32 @!p3 $0xFFFFFF00;
	s0 =	simm.s32 @!p1 $0x1  }
0x1c8: {  	_ =	swait.ge @!p1 [sflag:s0], $0x80  }
0x1c9: {  	s29 =	simm.s32 $0x10238;
	[sflag:s0] =	ssyncset.done @!p1 $0x0  }
0x1ca: {  	s30 =	simm.s32 $0x1000;
	s31 =	simm.s32 $0x1;
	[sflag:s0] =	ssyncadd.s32 @!p1 $0xFFFFFF80  }
0x1cb: {  	[spmem:s30] =	stream.linear.scatter [tilespmem:s29], [sflag:$0x1], $0x10, $0x38;
	[tilespmem:$0x1F6F8] =	vst v63  }
0x1cc: {  	_ =	swait.ge [sflag:s31], $0x10  }
0x1cd: {  	[sflag:s31] =	ssyncset.done $0x0  }
0x1ce: {  	p1 =	seq.s32 s15, $0x0;
	s8 =	rddreg [dreg:$0x1];
	[sflag:s31] =	ssyncadd.s32 $0xFFFFFFF0  }
0x1cf: {  	s2 =	sshll.u32 @p1 s8, $0xE;
	s7 =	rddreg [dreg:$0x2]  }
0x1d0: {  	s0 =	sadd.s32 @p1 $0x15C3C, s2;
	s2 =	sshll.u32 @p1 s7, $0x11  }
0x1d1: {  	_ =	sfence.stream.spmem;
	s0 =	sor.u32 @p1 s2, s0  }
0x1d2: {  	[sflag:s0] =	ssyncadd.remote.s32 @p1 $0x1;
	s0 =	simm.s32 @p1 $0x4  }
0x1d3: {  	s3 =	simm.s32 @!p1 $0x3C;
	s2 =	sand.u32 $0xFFFFFFFE, s8;
	_ =	swait.ge @p1 [sflag:s0], $0x22  }
0x1d4: {  	s4 =	simm.s32 @!p1 $0x0;
	s2 =	sadd.s32 @!p1 $0x4, s2;
	[sflag:s0] =	ssyncset.done @p1 $0x0  }
0x1d5: {  	s5 =	simm.s32 @!p1 $0x100;
	[sflag:s0] =	ssyncadd.s32 @p1 $0xFFFFFFDE;
	s0 =	sshll.u32 @!p1 s2, $0x1A  }
0x1d6: {  	s2 =	sshll.u32 @!p1 s2, $0xD;
	s0 =	sor.u32 @!p1 s0, s7;
	_ =	swait.eq @!p1 [sflag:s3], $0x1  }
0x1d7: {  	s2 =	sor.u32 @!p1 $0x1C04, s2;
	s3 =	simm.s32 @!p1 $0x1C03;
	s0 =	sor.u32 @!p1 $0x80004000, s0  }
0x1d8: {  	[spmem:s5], [sflag:s2] =	dma.general @!p1 [spmem:s4], [sflag:s3], length:$0x20, [dreg:$0x0], stride_count:$0x0, ici_dest:s0, dma_misc:DstOpCode:WRITE  }
0x1d9: {  	p2 =	slt.s32 s9, $0x2;
	s4 =	simm.s32 @!p1 $0x200;
	s5 =	simm.s32 @!p1 $0x202  }
0x1da: {  	[spmem:s5], [sflag:s2] =	dma.general @!p1 [spmem:s4], [sflag:s3], length:$0x2, [dreg:$0x0], stride_count:$0x0, ici_dest:s0, dma_misc:DstOpCode:WRITE  }
.Ltmp27:
0x1db: {  	s0 =	simm.s32 @!p1 $0x3;
	(pc) =	sbr.rel @p2 .LBB2_38-.Ltmp27, $4  }
0x1dc: {  	s2 =	sshll.u32 @!p1 s8, $0xE;
	_ =	swait.ge @!p1 [sflag:s0], $0x22  }
0x1dd: {  	s3 =	sshll.u32 @!p1 s7, $0x11;
	s2 =	sadd.s32 @!p1 $0x11C3C, s2;
	[sflag:s0] =	ssyncset.done @!p1 $0x0  }
0x1de: {  	[sflag:s0] =	ssyncadd.s32 @!p1 $0xFFFFFFDE;
	s0 =	sor.u32 @!p1 s3, s2  }
0x1df: {  	[sflag:s0] =	ssyncadd.remote.s32 @!p1 $0xFFFFFFFF;
	s0 =	simm.s32 $0x0  }
0x1e0: {  	s0 =	simm.s32 $0xF219  }
0x1e1: {  	v0 =	vld.msk [tilespmem:s0+$0x0], $0x1;
	_ =	sdelay $0x4  }
0x1e2: {  	(v2sf) =	vpush v0, $0x0;
	_ =	sdelay $0xb  }
0x1e3: {  	s31 =	sadd.s32 $0xFFFFFFFE, s6  }
0x1e4: {  	s0 =	sadd.s32 $0xFFFFFFFF, s31  }
0x1e5: {  	p2 =	sne.s32 s0, $0x0  }
.Ltmp28:
0x1e6: {  	s2 =	spop (v2sf);
	(pc) =	sbr.rel @!p2 .LBB2_37-.Ltmp28, $4  }
0x1e7: {  	s4 =	simm.s32 $0xF2B8;
	s7 =	simm.s32 $0x0;
	p1 =	sgt.u32 s2, $0x270F0  }
0x1e8: {  	s5 =	simm.s32 $0x0;
	s6 =	simm.s32 $0xF21A;
	s3 =	sand.u32 @!p1 $0x3FFF8, s2  }
0x1e9: {  	s2 =	sand.u32 @!p1 $0x7, s2;
	s7 =	simm.s32 @!p1 $0x200;
	s3 =	sadd.s32 @!p1 s1, s3  }
0x1ea: {  	[hbm4b:s3+s2] =	stream.linear.scatter @!p1 [tilespmem:s4], [sflag:$0x5], $0x80, $0x38;
	[tilespmem:$0x1F6F8] =	vst v63  }
.LBB2_36:
0x1eb: {  	v0 =	vld.msk [tilespmem:s6+$0x0], $0x1;
	s0 =	sadd.s32 $0xFFFFFFFF, s0;
	s5 =	sadd.s32 s5, s7  }
0x1ec: {  	p1 =	sne.s32 s0, $0x0;
	_ =	sdelay $0x3  }
0x1ed: {  	(v2sf) =	vpush v0, $0x0;
	_ =	sdelay $0xe  }
.Ltmp29:
0x1ee: {  	s2 =	spop (v2sf);
	(pc) =	sbr.rel @p1 .LBB2_36-.Ltmp29, $4  }
0x1ef: {  	s7 =	simm.s32 $0x0;
	p2 =	sgt.u32 s2, $0x270F0  }
0x1f0: {  	s4 =	sadd.s32 $0x80, s4;
	s7 =	simm.s32 @!p2 $0x200;
	s3 =	sand.u32 @!p2 $0x3FFF8, s2  }
0x1f1: {  	s6 =	sadd.s32 $0x1, s6;
	s2 =	sand.u32 @!p2 $0x7, s2;
	s3 =	sadd.s32 @!p2 s1, s3  }
0x1f2: {  	[hbm4b:s3+s2] =	stream.linear.scatter @!p2 [tilespmem:s4], [sflag:$0x5], $0x80, $0x38;
	[tilespmem:$0x1F6F8] =	vst v63  }
.LBB2_37:
0x1f3: {  	s0 =	sadd.s32 s5, s7  }
0x1f4: {  	s0 =	sshrl.u32 s0, $0x2  }
.LBB2_38:
0x1f5: {  	s2 =	simm.s32 $0x5  }
0x1f6: {  	_ =	swait.ge [sflag:s2], s0  }
0x1f7: {  	s31 =	ssub.s32 $0x0, s0;
	[sflag:s2] =	ssyncset.done $0x0  }
0x1f8: {  	[sflag:s2] =	ssyncadd.s32 s31  }
0x1f9: {  	[sflag:s2] =	ssyncpa.u1 $0x1  }
.LBB2_39:
0x1fa: {  	s0 =	sor.u32 s15, s16  }
0x1fb: {  	p1 =	sne.s32 s0, $0x0  }
.Ltmp30:
0x1fc: {  	_ = 	snop;
	(pc) =	sbr.rel @p1 .LBB2_54-.Ltmp30, $3  }
0x1fd: {  	_ =	sdelay $0x1  }
0x1fe: {  	[bflag:$0x0] =	sbarrier.arrive $0xFFFF  }
0x1ff: {  	_ =	sfence  }
0x200: {  	s0 =	simm.s32 $0x7  }
0x201: {  	s2 =	simm.s32 $0x1000;
	s3 =	simm.s32 $0xF218;
	[sflag:s0] =	ssyncpa.u1 $0x0  }
0x202: {  	[tilespmem:s3], [sflag:$0x7] =	stream.linear.gather [spmem:s2], $0x20, $0x38;
	[tilespmem:$0x1F6F8] =	vst v63  }
0x203: {  	s30 =	simm.s32 $0xF238;
	s2 =	simm.s32 $0x0  }
0x204: {  	[tilespmem:s30], [sflag:$0x7] =	stream.linear.gather [spmem:s2], $0x1000, $0x38;
	[tilespmem:$0x1F6F8] =	vst v63  }
.Ltmp31:
0x205: {  	_ = 	snop;
	(pc) =	sbr.rel .LBB2_41-.Ltmp31, $4  }
0x206: {  	_ =	swait.ge [sflag:s0], $0x1020  }
0x207: {  	[sflag:s0] =	ssyncset.done $0x0  }
0x208: {  	s31 =	simm.s32 $0x8;
	[sflag:s0] =	ssyncadd.s32 $0xFFFFEFE0  }
0x209: {  	s3 =	simm.s32 $0x0;
	[sflag:s31] =	ssyncpa.u1 $0x0  }
.LBB2_47:
0x20a: {  	p1 =	slt.u32 s4, $0x270F1  }
0x20b: {  	s0 =	sand.u32 @p1 $0x3FFF8, s4  }
0x20c: {  	s4 =	sand.u32 @p1 $0x7, s4;
	s5 =	simm.s32 @p1 $0xF188;
	s0 =	sadd.s32 @p1 s1, s0  }
0x20d: {  	[tilespmem:s5], [sflag:$0x8] =	stream.linear.gather @p1 [hbm4b:s0+s4], $0x80, $0x38;
	[tilespmem:$0x1F6F8] =	vst v63  }
0x20e: {  	s0 =	simm.s32 @p1 $0x8  }
0x20f: {  	_ =	swait.ge @p1 [sflag:s0], $0x80  }
0x210: {  	[sflag:s0] =	ssyncset.done @p1 $0x0  }
0x211: {  	[sflag:s0] =	ssyncadd.s32 @p1 $0xFFFFFF80  }
0x212: {  	v1 =	vld @p1 [tilespmem:$0xF188];
	_ =	sdelay $0x2  }
0x213: {  	s0 =	sshll.u32 @p1 s3, $0x9  }
0x214: {  	s4 =	sshrl.u32 @p1 s0, $0x2  }
0x215: {  	[tilespmem:s4+$0xF238] =	vst.add.f32.msk @p1 $0xffff, v1  }
0x216: {  	v1 =	vld @p1 [tilespmem:$0xF198];
	_ =	sdelay $0x4  }
0x217: {  	[tilespmem:s4+$0xF248] =	vst.add.f32.msk @p1 $0xffff, v1  }
0x218: {  	v1 =	vld @p1 [tilespmem:$0xF1A8];
	_ =	sdelay $0x4  }
0x219: {  	[tilespmem:s4+$0xF258] =	vst.add.f32.msk @p1 $0xffff, v1  }
0x21a: {  	v1 =	vld @p1 [tilespmem:$0xF1B8];
	_ =	sdelay $0x4  }
0x21b: {  	[tilespmem:s4+$0xF268] =	vst.add.f32.msk @p1 $0xffff, v1  }
0x21c: {  	v1 =	vld @p1 [tilespmem:$0xF1C8];
	_ =	sdelay $0x4  }
0x21d: {  	[tilespmem:s4+$0xF278] =	vst.add.f32.msk @p1 $0xffff, v1  }
0x21e: {  	v1 =	vld @p1 [tilespmem:$0xF1D8];
	_ =	sdelay $0x4  }
0x21f: {  	[tilespmem:s4+$0xF288] =	vst.add.f32.msk @p1 $0xffff, v1  }
0x220: {  	v1 =	vld @p1 [tilespmem:$0xF1E8];
	_ =	sdelay $0x4  }
0x221: {  	[tilespmem:s4+$0xF298] =	vst.add.f32.msk @p1 $0xffff, v1  }
0x222: {  	v1 =	vld @p1 [tilespmem:$0xF1F8];
	_ =	sdelay $0x3  }
0x223: {  	s5 =	sshll.u32 @!p1 s3, $0x9  }
0x224: {  	s5 =	smov.u32 @p1 s0;
	[tilespmem:s4+$0xF2A8] =	vst.add.f32.msk @p1 $0xffff, v1  }
0x225: {  	s0 =	sshrl.u32 s5, $0x2;
	[tilespmem:s2+$0xF218] =	vst.msk $0x1, v0  }
0x226: {  	v0 =	vld [tilespmem:s0+$0xF238];
	_ =	sdelay $0x2  }
0x227: {  	s31 =	sshll.u32 s2, $0x9  }
0x228: {  	s4 =	sshra.s32 s31, $0x2  }
0x229: {  	[tilespmem:s4+$0xF238] =	vst v0  }
0x22a: {  	v0 =	vld [tilespmem:s0+$0xF248];
	_ =	sdelay $0x4  }
0x22b: {  	[tilespmem:s4+$0xF248] =	vst v0  }
0x22c: {  	v0 =	vld [tilespmem:s0+$0xF258];
	_ =	sdelay $0x4  }
0x22d: {  	[tilespmem:s4+$0xF258] =	vst v0  }
0x22e: {  	v0 =	vld [tilespmem:s0+$0xF268];
	_ =	sdelay $0x4  }
0x22f: {  	[tilespmem:s4+$0xF268] =	vst v0  }
0x230: {  	v0 =	vld [tilespmem:s0+$0xF278];
	_ =	sdelay $0x4  }
0x231: {  	[tilespmem:s4+$0xF278] =	vst v0  }
0x232: {  	v0 =	vld [tilespmem:s0+$0xF288];
	_ =	sdelay $0x4  }
0x233: {  	[tilespmem:s4+$0xF288] =	vst v0  }
0x234: {  	v0 =	vld [tilespmem:s0+$0xF298];
	_ =	sdelay $0x4  }
0x235: {  	[tilespmem:s4+$0xF298] =	vst v0  }
0x236: {  	v0 =	vld [tilespmem:s0+$0xF2A8];
	_ =	sdelay $0x4  }
0x237: {  	s2 =	sadd.s32 $0x1, s2;
	[tilespmem:s4+$0xF2A8] =	vst v0  }
.LBB2_48:
0x238: {  	s3 =	sadd.s32 $0x1, s3  }
0x239: {  	p1 =	sne.s32 s3, $0x20  }
.Ltmp32:
0x23a: {  	_ = 	snop;
	(pc) =	sbr.rel @!p1 .LBB2_49-.Ltmp32, $1  }
0x23b: {  	_ =	sdelay $0x3  }
.LBB2_41:
0x23c: {  	v0 =	vld.msk [tilespmem:s3+$0xF218], $0x1;
	_ =	sdelay $0x4  }
0x23d: {  	(v2sf) =	vpush v0, $0x0;
	_ =	sdelay $0xe  }
0x23e: {  	s4 =	spop (v2sf)  }
0x23f: {  	p1 =	seq.s32 s4, $0xFFFFFFFF  }
.Ltmp33:
0x240: {  	_ = 	snop;
	(pc) =	sbr.rel @p1 .LBB2_48-.Ltmp33, $1  }
0x241: {  	_ =	sdelay $0x3  }
0x242: {  	p1 =	slt.s32 s2, $0x1  }
.Ltmp34:
0x243: {  	_ = 	snop;
	(pc) =	sbr.rel @p1 .LBB2_47-.Ltmp34, $1  }
0x244: {  	_ =	sdelay $0x3  }
0x245: {  	s5 =	simm.s32 $0xF218;
	p1 =	por $0x0, $0x0  }
0x246: {  	v1 =	vld.msk @!p1 [tilespmem:s5+$0x0], $0x1;
	_ =	sdelay $0x4  }
0x247: {  	(v2sf) =	vpush @!p1 v1, $0x0;
	_ =	sdelay $0xd  }
0x248: {  	p3 =	sne.s32 s2, $0x1  }
.Ltmp35:
0x249: {  	s0 =	spop @!p1 (v2sf);
	(pc) =	sbr.rel @!p3 .LBB2_45-.Ltmp35, $4  }
0x24a: {  	p2 =	seq.s32 @!p1 s4, s0  }
0x24b: {  	s6 =	simm.s32 $0x0;
	p2 =	por !p2, p1  }
0x24c: {  	s7 =	simm.s32 $0xFFFFFFFF;
	s6 =	simm.s32 @p2 $0xFFFFFFFF  }
0x24d: {  	s0 =	simm.s32 $0x1;
	s6 =	smov.u32 @p1 s7  }
.LBB2_44:
0x24e: {  	s7 =	smov.u32 s6;
	p1 =	sne.s32 s6, $0xFFFFFFFF  }
0x24f: {  	s5 =	sadd.s32 $0x1, s5;
	s6 =	smov.u32 s0;
	s0 =	sadd.s32 $0x1, s0  }
0x250: {  	p2 =	sne.s32 s2, s0;
	v1 =	vld.msk @!p1 [tilespmem:s5+$0x0], $0x1;
	_ =	sdelay $0x4  }
0x251: {  	(v2sf) =	vpush @!p1 v1, $0x0;
	_ =	sdelay $0xe  }
.Ltmp36:
0x252: {  	s8 =	spop @!p1 (v2sf);
	(pc) =	sbr.rel @p2 .LBB2_44-.Ltmp36, $4  }
0x253: {  	p3 =	seq.s32 @!p1 s4, s8  }
0x254: {  	p3 =	por !p3, p1  }
0x255: {  	s6 =	simm.s32 @p3 $0xFFFFFFFF  }
0x256: {  	s6 =	smov.u32 @p1 s7  }
.LBB2_45:
0x257: {  	p1 =	seq.s32 s6, $0xFFFFFFFF  }
.Ltmp37:
0x258: {  	_ = 	snop;
	(pc) =	sbr.rel @p1 .LBB2_47-.Ltmp37, $1  }
0x259: {  	_ =	sdelay $0x3  }
0x25a: {  	s0 =	sshll.u32 s3, $0x7  }
0x25b: {  	s0 =	sand.u32 $0x3FFFFF80, s0  }
0x25c: {  	v0 =	vld [tilespmem:s0+$0xF238];
	_ =	sdelay $0x2  }
0x25d: {  	s4 =	sshll.u32 s6, $0x9  }
0x25e: {  	s4 =	sshra.s32 s4, $0x2  }
0x25f: {  	[tilespmem:s4+$0xF238] =	vst.add.f32.msk $0xffff, v0  }
0x260: {  	v0 =	vld [tilespmem:s0+$0xF248];
	_ =	sdelay $0x4  }
0x261: {  	[tilespmem:s4+$0xF248] =	vst.add.f32.msk $0xffff, v0  }
0x262: {  	v0 =	vld [tilespmem:s0+$0xF258];
	_ =	sdelay $0x4  }
0x263: {  	[tilespmem:s4+$0xF258] =	vst.add.f32.msk $0xffff, v0  }
0x264: {  	v0 =	vld [tilespmem:s0+$0xF268];
	_ =	sdelay $0x4  }
0x265: {  	[tilespmem:s4+$0xF268] =	vst.add.f32.msk $0xffff, v0  }
0x266: {  	v0 =	vld [tilespmem:s0+$0xF278];
	_ =	sdelay $0x4  }
0x267: {  	[tilespmem:s4+$0xF278] =	vst.add.f32.msk $0xffff, v0  }
0x268: {  	v0 =	vld [tilespmem:s0+$0xF288];
	_ =	sdelay $0x4  }
0x269: {  	[tilespmem:s4+$0xF288] =	vst.add.f32.msk $0xffff, v0  }
0x26a: {  	v0 =	vld [tilespmem:s0+$0xF298];
	_ =	sdelay $0x4  }
0x26b: {  	[tilespmem:s4+$0xF298] =	vst.add.f32.msk $0xffff, v0  }
0x26c: {  	v0 =	vld [tilespmem:s0+$0xF2A8]  }
.Ltmp38:
0x26d: {  	_ = 	snop;
	(pc) =	sbr.rel .LBB2_48-.Ltmp38, $2  }
0x26e: {  	_ =	sdelay $0x2  }
0x26f: {  	[tilespmem:s4+$0xF2A8] =	vst.add.f32.msk $0xffff, v0  }
.LBB2_49:
0x270: {  	p1 =	slt.s32 s2, $0x1  }
.Ltmp39:
0x271: {  	_ = 	snop;
	(pc) =	sbr.rel @p1 .LBB2_53-.Ltmp39, $3  }
0x272: {  	_ =	sdelay $0x1  }
0x273: {  	s0 =	simm.s32 $0x8  }
0x274: {  	s3 =	simm.s32 $0x0;
	[sflag:s0] =	ssyncpa.u1 $0x1  }
0x275: {  	s0 =	simm.s32 $0xF218  }
0x276: {  	v0 =	vld.msk [tilespmem:s0+$0x0], $0x1;
	_ =	sdelay $0x4  }
0x277: {  	(v2sf) =	vpush v0, $0x0;
	_ =	sdelay $0xe  }
0x278: {  	s0 =	sadd.s32 $0xFFFFFFFF, s2;
	s5 =	spop (v2sf)  }
0x279: {  	p2 =	sne.s32 s0, $0x0;
	p1 =	sgt.u32 s5, $0x270F0  }
.Ltmp40:
0x27a: {  	s6 =	sand.u32 @!p1 $0x3FFF8, s5;
	(pc) =	sbr.rel @!p2 .LBB2_52-.Ltmp40, $4  }
0x27b: {  	s4 =	simm.s32 $0xF238;
	s5 =	sand.u32 @!p1 $0x7, s5;
	s2 =	sadd.s32 @!p1 s1, s6  }
0x27c: {  	[hbm4b:s2+s5] =	stream.linear.scatter @!p1 [tilespmem:s4], [sflag:$0x7], $0x80, $0x38;
	[tilespmem:$0x1F6F8] =	vst v63  }
0x27d: {  	s5 =	simm.s32 $0x0  }
0x27e: {  	s2 =	simm.s32 $0xF219;
	s5 =	simm.s32 @!p1 $0x200  }
.LBB2_51:
0x27f: {  	v0 =	vld.msk [tilespmem:s2+$0x0], $0x1;
	s0 =	sadd.s32 $0xFFFFFFFF, s0;
	s3 =	sadd.s32 s3, s5  }
0x280: {  	p1 =	sne.s32 s0, $0x0;
	_ =	sdelay $0x3  }
0x281: {  	(v2sf) =	vpush v0, $0x0;
	_ =	sdelay $0xe  }
.Ltmp41:
0x282: {  	s6 =	spop (v2sf);
	(pc) =	sbr.rel @p1 .LBB2_51-.Ltmp41, $4  }
0x283: {  	s5 =	simm.s32 $0x0;
	p2 =	sgt.u32 s6, $0x270F0  }
0x284: {  	s4 =	sadd.s32 $0x80, s4;
	s5 =	simm.s32 @!p2 $0x200;
	s7 =	sand.u32 @!p2 $0x3FFF8, s6  }
0x285: {  	s2 =	sadd.s32 $0x1, s2;
	s6 =	sand.u32 @!p2 $0x7, s6;
	s7 =	sadd.s32 @!p2 s1, s7  }
0x286: {  	[hbm4b:s7+s6] =	stream.linear.scatter @!p2 [tilespmem:s4], [sflag:$0x7], $0x80, $0x38;
	[tilespmem:$0x1F6F8] =	vst v63  }
.LBB2_52:
0x287: {  	s0 =	sadd.s32 s3, s5  }
0x288: {  	s3 =	sshrl.u32 s0, $0x2  }
.LBB2_53:
0x289: {  	s0 =	simm.s32 $0x7  }
0x28a: {  	_ =	swait.ge [sflag:s0], s3  }
0x28b: {  	s1 =	ssub.s32 $0x0, s3;
	[sflag:s0] =	ssyncset.done $0x0  }
0x28c: {  	[sflag:s0] =	ssyncadd.s32 s1  }
0x28d: {  	[sflag:s0] =	ssyncpa.u1 $0x1  }
.LBB2_54:
0x28e: {  	_ =	sfence;
	s0 =	simm.s32 $0x1  }
0x28f: {  	[sflag:s0] =	ssyncpa.u1 $0x1  }
0x290: {  	_ =	strace $0x90000047  }
0x291: {  	[bflag:$0x2] =	sbarrier.arrive $0xFFFF  }
0x292: {  	s0 =	rddreg [dreg:$0x3]  }
0x293: {  	s0 =	sadd.s32 @!p0 $0x100000, s0  }
0x294: {  	[sflag:s0] =	ssyncadd.tile.s32 @!p0 $0x1;
	_ =	shalt  }
.Lfunc_end2:
_tile_overlayer_lowered:
.L_overlay_start_2:
0x295: {  	(tag) =	ssettag $0x2  }
0x296: {  	s0 =	rddreg [dreg:$0x0];
	s2 =	stileid.u32  }
0x297: {  	s1 =	rddreg [dreg:$0x1];
	p0 =	sne.s32 s2, $0x0  }
0x298: {  	s3 =	rddreg [dreg:$0x2];
	[bflag:$0x3] =	sbarrier.arrive $0xFFFF;
	s2 =	simm.s32 @!p0 $0x1C01  }
0x299: {  	[timem:s3], [sflag:s2] =	dma.local @!p0 [hbm:s0], s1  }
0x29a: {  	s0 =	simm.s32 @!p0 $0x1  }
0x29b: {  	_ =	swait.ge @!p0 [sflag:s0], s1  }
0x29c: {  	s1 =	ssub.s32 @!p0 $0x0, s1;
	[sflag:s0] =	ssyncset.done @!p0 $0x0  }
0x29d: {  	[sflag:s0] =	ssyncadd.s32 @!p0 s1  }
0x29e: {  	[bflag:$0x3] =	sbarrier.arrive $0xFFFF  }
0x29f: {  	_ =	shalt  }

</sc_bundles>
